<compile_context>
chip_gen: v7x
topology: tpu7x:2x2x1
jax: 0.10.2.dev20260603
libtpu: 0.0.44.dev20260713+nightly
codegen_flags: <defaults>
</compile_context>

<pallas_src>
import functools

import jax
import jax.numpy as jnp
from jax import lax
from jax.experimental import pallas as pl
from jax.experimental.pallas import tpu as pltpu
from jax.experimental.pallas import tpu_sc as plsc

_NC = 2
_NS = 16
_NW = _NC * _NS
_L = 16
_CE = 128
_QC = 20
_NQ = 4
_ZR = 25


@functools.lru_cache(maxsize=None)
def _make_sc_segment_sum(n_nodes: int, dim: int):
    rows_per_sub = n_nodes // _NS
    nzcopies = rows_per_sub // _ZR
    dseg = dim // _L

    mesh = plsc.VectorSubcoreMesh(
        core_axis_name="c", subcore_axis_name="s", num_cores=_NC)

    idx_t = pltpu.VMEM((_QC, _CE), jnp.int32)
    w_t = pltpu.VMEM((_QC, _CE), jnp.float32)

    @functools.partial(
        pl.kernel,
        out_type=jax.ShapeDtypeStruct((_NC, n_nodes, dim), jnp.float32),
        mesh=mesh,
        scratch_types=[
            idx_t, idx_t, w_t,
            idx_t, idx_t, w_t,
            pltpu.VMEM((_CE, dim), jnp.float32),
            pltpu.VMEM((_CE, dim), jnp.float32),
            pltpu.VMEM_SHARED((n_nodes, dim), jnp.float32),
            pltpu.SemaphoreType.DMA, pltpu.SemaphoreType.DMA,
            pltpu.SemaphoreType.DMA,
            pltpu.SemaphoreType.DMA,
            pltpu.SemaphoreType.DMA,
        ],
        compiler_params=pltpu.CompilerParams(
            use_tc_tiling_on_sc=False, needs_layout_passes=False),
    )
    def seg_sum(x_hbm, src_hbm, dst_hbm, w_hbm, out_hbm,
                src_a, dst_a, w_a, src_b, dst_b, w_b,
                rows_a, rows_b, acc_sh,
                sem_a, sem_b, sem_sa, st_sem, z_sem):
        cid = lax.axis_index("c")
        sid = lax.axis_index("s")
        wid = sid * _NC + cid
        idx_bufs = ((src_a, dst_a, w_a), (src_b, dst_b, w_b))

        def stage(q_idx, bufs):
            pltpu.async_copy(src_hbm.at[wid, q_idx], bufs[0], st_sem)
            pltpu.async_copy(dst_hbm.at[wid, q_idx], bufs[1], st_sem)
            pltpu.async_copy(w_hbm.at[wid, q_idx], bufs[2], st_sem)

        def stage_drain(bufs):
            pltpu.make_async_copy(src_hbm.at[wid, 0], bufs[0], st_sem).wait()
            pltpu.make_async_copy(dst_hbm.at[wid, 0], bufs[1], st_sem).wait()
            pltpu.make_async_copy(w_hbm.at[wid, 0], bufs[2], st_sem).wait()

        stage(0, idx_bufs[0])

        def zfill(i, carry):
            for d in range(dseg):
                rows_a[i, pl.ds(d * _L, _L)] = jnp.zeros((_L,), jnp.float32)
            return carry
        lax.fori_loop(0, _ZR, zfill, 0)
        zsrc = rows_a.at[pl.ds(0, _ZR)]
        for k in range(nzcopies):
            pltpu.async_copy(
                zsrc, acc_sh.at[pl.ds(sid * rows_per_sub + k * _ZR, _ZR)],
                z_sem)
        for k in range(nzcopies):
            pltpu.make_async_copy(
                zsrc, acc_sh.at[pl.ds(sid * rows_per_sub, _ZR)],
                z_sem).wait()

        stage_drain(idx_bufs[0])
        pltpu.async_copy(x_hbm.at[src_a.at[0]], rows_a, sem_a)
        plsc.subcore_barrier()

        def mult(rows_ref, w_ref, t):
            @plsc.parallel_loop(0, _CE, 1, unroll=4)
            def edge_body(e):
                wspl = plsc.load_gather(
                    w_ref, [jnp.full((_L,), t, jnp.int32),
                            jnp.full((_L,), e, jnp.int32)])
                for d in range(dseg):
                    rows_ref[e, pl.ds(d * _L, _L)] = (
                        rows_ref[e, pl.ds(d * _L, _L)] * wspl)

        def gwait(rows_ref, sem):
            pltpu.make_async_copy(x_hbm.at[src_a.at[0]], rows_ref, sem).wait()

        for qt in range(_NQ):
            cur = idx_bufs[qt % 2]
            nxt = idx_bufs[(qt + 1) % 2]
            if qt < _NQ - 1:
                stage(qt + 1, nxt)

            def pair_body(p, carry, cur=cur):
                c0 = 2 * p
                pltpu.async_copy(x_hbm.at[cur[0].at[c0 + 1]], rows_b, sem_b)
                gwait(rows_a, sem_a)
                pltpu.async_copy(rows_a, acc_sh.at[cur[1].at[c0]], sem_sa,
                                 add=True)

                gwait(rows_b, sem_b)
                pltpu.make_async_copy(
                    rows_a, acc_sh.at[cur[1].at[0]], sem_sa).wait()

                @pl.when(p < _QC // 2 - 1)
                def _():
                    pltpu.async_copy(
                        x_hbm.at[cur[0].at[c0 + 2]], rows_a, sem_a)

                pltpu.sync_copy(rows_b, acc_sh.at[cur[1].at[c0 + 1]],
                                add=True)
                return carry
            lax.fori_loop(0, _QC // 2, pair_body, 0)

            if qt < _NQ - 1:
                stage_drain(nxt)
                pltpu.async_copy(x_hbm.at[nxt[0].at[0]], rows_a, sem_a)

        plsc.subcore_barrier()
        pltpu.sync_copy(
            acc_sh.at[pl.ds(sid * rows_per_sub, rows_per_sub)],
            out_hbm.at[cid, pl.ds(sid * rows_per_sub, rows_per_sub)])

    return seg_sum


def _tc_tail_body(p_ref, w_ref, b_ref, o_ref):
    acc = p_ref[0] + p_ref[1]
    h = lax.dot_general(acc, w_ref[...], (((1,), (1,)), ((), ())),
                        preferred_element_type=jnp.float32)
    o_ref[...] = jnp.maximum(h + b_ref[...], 0.0)


@functools.lru_cache(maxsize=None)
def _make_tc_tail(n_nodes: int, din: int, dout: int):
    rb = 1000 if n_nodes % 1000 == 0 else n_nodes
    grid = n_nodes // rb
    return pl.pallas_call(
        _tc_tail_body,
        grid=(grid,),
        in_specs=[
            pl.BlockSpec((_NC, rb, din), lambda i: (0, i, 0)),
            pl.BlockSpec((dout, din), lambda i: (0, 0)),
            pl.BlockSpec((1, dout), lambda i: (0, 0)),
        ],
        out_specs=pl.BlockSpec((rb, dout), lambda i: (i, 0)),
        out_shape=jax.ShapeDtypeStruct((n_nodes, dout), jnp.float32),
    )


def kernel(x, edge_index, edge_weight, W, b):
    n_nodes, din = x.shape
    dout = W.shape[0]
    n_edges = edge_index.shape[1]
    e_pad = _NW * _NQ * _QC * _CE

    src = edge_index[0].astype(jnp.int32)
    dst = edge_index[1].astype(jnp.int32)
    w = edge_weight.astype(jnp.float32)
    if e_pad > n_edges:
        pad = e_pad - n_edges
        spread = (jnp.arange(pad, dtype=jnp.int32) * 8) % n_nodes
        src = jnp.concatenate([src, spread])
        dst = jnp.concatenate([dst, spread])
        w = jnp.concatenate([w, jnp.zeros((pad,), jnp.float32)])
    src = src.reshape(_NW, _NQ, _QC, _CE)
    dst = dst.reshape(_NW, _NQ, _QC, _CE)
    w = w.reshape(_NW, _NQ, _QC, _CE)

    partials = _make_sc_segment_sum(n_nodes, din)(x, src, dst, w)
    return _make_tc_tail(n_nodes, din, dout)(partials, W, b.reshape(1, dout))

# --- scband reference (transcript-rebuilt; emitter-appended) ---
"""Pipeline reference for scband-euclidean-message-passing-463856468032 (READ-ONLY COPY).

The authoritative reference and input builder live on the scoring server;
editing this copy changes nothing except your own understanding.
"""

import jax, jax.numpy as jnp
import numpy as np

N_NODES = 10000
N_EDGES = 320000
IN_DIM = 128
OUT_DIM = 128


def setup_inputs(seed: int = 0) -> dict:
    key = jax.random.key(seed)
    k_x, k_ei, k_ew, k_w = jax.random.split(key, 4)
    x = jax.random.normal(k_x, (N_NODES, IN_DIM), dtype=jnp.float32)
    edge_index = jax.random.randint(k_ei, (2, N_EDGES), 0, N_NODES, dtype=jnp.int64)
    edge_weight = jax.random.uniform(k_ew, (N_EDGES,), dtype=jnp.float32)
    # xavier_uniform with gain=0.05 for weight (out_dim, in_dim)
    limit = 0.05 * float(np.sqrt(6.0 / (IN_DIM + OUT_DIM)))
    W = jax.random.uniform(k_w, (OUT_DIM, IN_DIM), dtype=jnp.float32, minval=-limit, maxval=limit)
    b = jnp.zeros((OUT_DIM,), dtype=jnp.float32)
    return {"x": x, "edge_index": edge_index, "edge_weight": edge_weight, "W": W, "b": b}


def reference(x, edge_index, edge_weight, W, b):
    N = x.shape[0]
    src = edge_index[0]
    dst = edge_index[1]
    msg = jnp.take(x, src, axis=0)
    w = edge_weight[:, None] if edge_weight.ndim == 1 else edge_weight
    msg = msg * w
    agg = jax.ops.segment_sum(msg, dst, num_segments=N)
    h = agg @ W.T + b
    return jax.nn.relu(h)

if __name__ == "__main__":
    import jax
    _d = setup_inputs()
    print(jax.jit(kernel)(*tuple(_d.values())))

</pallas_src>

<mosaic_0001>
#map = affine_map<(d0, d1) -> (0, 0)>
#map1 = affine_map<(d0, d1) -> (0, 0, 0, 0)>
#map2 = affine_map<(d0, d1) -> (0, 0, 0)>
module attributes {stable_mosaic.version = 14 : i64} {
  func.func @seg_sum(%arg0: i32, %arg1: i32, %arg2: memref<10000x128xf32, #tpu.memory_space<hbm>>, %arg3: memref<32x4x20x128xi32, #tpu.memory_space<hbm>>, %arg4: memref<32x4x20x128xi32, #tpu.memory_space<hbm>>, %arg5: memref<32x4x20x128xf32, #tpu.memory_space<hbm>>, %arg6: memref<2x10000x128xf32, #tpu.memory_space<hbm>>, %arg7: memref<20x128xi32, #tpu.memory_space<vmem>>, %arg8: memref<20x128xi32, #tpu.memory_space<vmem>>, %arg9: memref<20x128xf32, #tpu.memory_space<vmem>>, %arg10: memref<20x128xi32, #tpu.memory_space<vmem>>, %arg11: memref<20x128xi32, #tpu.memory_space<vmem>>, %arg12: memref<20x128xf32, #tpu.memory_space<vmem>>, %arg13: memref<128x128xf32, #tpu.memory_space<vmem>>, %arg14: memref<128x128xf32, #tpu.memory_space<vmem>>, %arg15: memref<10000x128xf32, #tpu.memory_space<vmem_shared>>, %arg16: memref<!tpu.dma_semaphore, #tpu.memory_space<semaphore_mem>>, %arg17: memref<!tpu.dma_semaphore, #tpu.memory_space<semaphore_mem>>, %arg18: memref<!tpu.dma_semaphore, #tpu.memory_space<semaphore_mem>>, %arg19: memref<!tpu.dma_semaphore, #tpu.memory_space<semaphore_mem>>, %arg20: memref<!tpu.dma_semaphore, #tpu.memory_space<semaphore_mem>>) attributes {dimension_semantics = [#tpu.dimension_semantics<core_parallel>, #tpu.dimension_semantics<subcore_parallel>], iteration_bounds = array<i64: 2, 16>, scalar_prefetch = 0 : i64, scratch_operands = 14 : i64, tpu.core_type = #tpu.core_type<sc_vector_subcore>, window_params = [{transform_indices = #map}, {transform_indices = #map1}, {transform_indices = #map1}, {transform_indices = #map1}, {transform_indices = #map2}]} {
    %mul3A = arith.constant 2 : i32
    %mul3A_0 = arith.muli %arg1, %mul3A : i32
    %add3A = arith.addi %mul3A_0, %arg0 : i32
    %dma_start3A = arith.constant 0 : i32
    %dma_start3A_1 = arith.constant 0 : i32
    %dma_start3A_2 = arith.constant 0 : i32
    %dma_start3A_3 = tpu.memref_slice %arg3[%add3A, %dma_start3A, %dma_start3A_1, %dma_start3A_2] : memref<32x4x20x128xi32, #tpu.memory_space<hbm>> -> memref<1x1x20x128xi32, #tpu.memory_space<hbm>>
    %dma_start3A_4 = tpu.memref_squeeze %dma_start3A_3 : memref<1x1x20x128xi32, #tpu.memory_space<hbm>> -> memref<20x128xi32, #tpu.memory_space<hbm>>
    %dma_start3A_5 = arith.constant 0 : i32
    %dma_start3A_6 = arith.constant 0 : i32
    %dma_start3A_7 = tpu.memref_slice %arg3[%add3A, %dma_start3A, %dma_start3A_5, %dma_start3A_6] : memref<32x4x20x128xi32, #tpu.memory_space<hbm>> -> memref<1x1x20x128xi32, #tpu.memory_space<hbm>>
    %dma_start3A_8 = tpu.memref_squeeze %dma_start3A_7 : memref<1x1x20x128xi32, #tpu.memory_space<hbm>> -> memref<20x128xi32, #tpu.memory_space<hbm>>
    tpu.enqueue_dma source(%dma_start3A_8 : memref<20x128xi32, #tpu.memory_space<hbm>>) target(%arg7 : memref<20x128xi32, #tpu.memory_space<vmem>>) target_semaphore(%arg19 : memref<!tpu.dma_semaphore, #tpu.memory_space<semaphore_mem>>)
    %dma_start3A_9 = arith.constant 0 : i32
    %dma_start3A_10 = arith.constant 0 : i32
    %dma_start3A_11 = arith.constant 0 : i32
    %dma_start3A_12 = tpu.memref_slice %arg4[%add3A, %dma_start3A_9, %dma_start3A_10, %dma_start3A_11] : memref<32x4x20x128xi32, #tpu.memory_space<hbm>> -> memref<1x1x20x128xi32, #tpu.memory_space<hbm>>
    %dma_start3A_13 = tpu.memref_squeeze %dma_start3A_12 : memref<1x1x20x128xi32, #tpu.memory_space<hbm>> -> memref<20x128xi32, #tpu.memory_space<hbm>>
    %dma_start3A_14 = arith.constant 0 : i32
    %dma_start3A_15 = arith.constant 0 : i32
    %dma_start3A_16 = tpu.memref_slice %arg4[%add3A, %dma_start3A_9, %dma_start3A_14, %dma_start3A_15] : memref<32x4x20x128xi32, #tpu.memory_space<hbm>> -> memref<1x1x20x128xi32, #tpu.memory_space<hbm>>
    %dma_start3A_17 = tpu.memref_squeeze %dma_start3A_16 : memref<1x1x20x128xi32, #tpu.memory_space<hbm>> -> memref<20x128xi32, #tpu.memory_space<hbm>>
    tpu.enqueue_dma source(%dma_start3A_17 : memref<20x128xi32, #tpu.memory_space<hbm>>) target(%arg8 : memref<20x128xi32, #tpu.memory_space<vmem>>) target_semaphore(%arg19 : memref<!tpu.dma_semaphore, #tpu.memory_space<semaphore_mem>>)
    %dma_start3A_18 = arith.constant 0 : i32
    %dma_start3A_19 = arith.constant 0 : i32
    %dma_start3A_20 = arith.constant 0 : i32
    %dma_start3A_21 = tpu.memref_slice %arg5[%add3A, %dma_start3A_18, %dma_start3A_19, %dma_start3A_20] : memref<32x4x20x128xf32, #tpu.memory_space<hbm>> -> memref<1x1x20x128xf32, #tpu.memory_space<hbm>>
    %dma_start3A_22 = tpu.memref_squeeze %dma_start3A_21 : memref<1x1x20x128xf32, #tpu.memory_space<hbm>> -> memref<20x128xf32, #tpu.memory_space<hbm>>
    %dma_start3A_23 = arith.constant 0 : i32
    %dma_start3A_24 = arith.constant 0 : i32
    %dma_start3A_25 = tpu.memref_slice %arg5[%add3A, %dma_start3A_18, %dma_start3A_23, %dma_start3A_24] : memref<32x4x20x128xf32, #tpu.memory_space<hbm>> -> memref<1x1x20x128xf32, #tpu.memory_space<hbm>>
    %dma_start3A_26 = tpu.memref_squeeze %dma_start3A_25 : memref<1x1x20x128xf32, #tpu.memory_space<hbm>> -> memref<20x128xf32, #tpu.memory_space<hbm>>
    tpu.enqueue_dma source(%dma_start3A_26 : memref<20x128xf32, #tpu.memory_space<hbm>>) target(%arg9 : memref<20x128xf32, #tpu.memory_space<vmem>>) target_semaphore(%arg19 : memref<!tpu.dma_semaphore, #tpu.memory_space<semaphore_mem>>)
    %scan3A = arith.constant 0 : i32
    %scan3A_27 = arith.constant 0 : i32
    %scan3A_28 = arith.constant 25 : i32
    %scan3A_29 = arith.addi %scan3A_27, %scan3A_28 : i32
    %scan3A_30 = arith.constant 1 : i32
    scf.for %scan3A_927 = %scan3A_27 to %scan3A_29 step %scan3A_30  : i32 {
      %broadcast_in_dim3A = arith.constant 0.000000e+00 : f32
      %broadcast_in_dim3A_928 = vector.broadcast %broadcast_in_dim3A : f32 to vector<16xf32>
      %swap3A = arith.index_cast %scan3A_927 : i32 to index
      %swap3A_929 = arith.constant 0 : index
      %swap3A_930 = tpu.vector_load %arg13[%swap3A, %swap3A_929] {strides = array<i32>} : memref<128x128xf32, #tpu.memory_space<vmem>>, vector<16xf32>,
      tpu.vector_store %arg13[%swap3A, %swap3A_929], %broadcast_in_dim3A_928 {strides = array<i32>} : memref<128x128xf32, #tpu.memory_space<vmem>>, vector<16xf32>,
      %broadcast_in_dim3A_931 = arith.constant 0.000000e+00 : f32
      %broadcast_in_dim3A_932 = vector.broadcast %broadcast_in_dim3A_931 : f32 to vector<16xf32>
      %swap3A_933 = arith.index_cast %scan3A_927 : i32 to index
      %swap3A_934 = arith.constant 16 : index
      %swap3A_935 = tpu.vector_load %arg13[%swap3A_933, %swap3A_934] {strides = array<i32>} : memref<128x128xf32, #tpu.memory_space<vmem>>, vector<16xf32>,
      tpu.vector_store %arg13[%swap3A_933, %swap3A_934], %broadcast_in_dim3A_932 {strides = array<i32>} : memref<128x128xf32, #tpu.memory_space<vmem>>, vector<16xf32>,
      %broadcast_in_dim3A_936 = arith.constant 0.000000e+00 : f32
      %broadcast_in_dim3A_937 = vector.broadcast %broadcast_in_dim3A_936 : f32 to vector<16xf32>
      %swap3A_938 = arith.index_cast %scan3A_927 : i32 to index
      %swap3A_939 = arith.constant 32 : index
      %swap3A_940 = tpu.vector_load %arg13[%swap3A_938, %swap3A_939] {strides = array<i32>} : memref<128x128xf32, #tpu.memory_space<vmem>>, vector<16xf32>,
      tpu.vector_store %arg13[%swap3A_938, %swap3A_939], %broadcast_in_dim3A_937 {strides = array<i32>} : memref<128x128xf32, #tpu.memory_space<vmem>>, vector<16xf32>,
      %broadcast_in_dim3A_941 = arith.constant 0.000000e+00 : f32
      %broadcast_in_dim3A_942 = vector.broadcast %broadcast_in_dim3A_941 : f32 to vector<16xf32>
      %swap3A_943 = arith.index_cast %scan3A_927 : i32 to index
      %swap3A_944 = arith.constant 48 : index
      %swap3A_945 = tpu.vector_load %arg13[%swap3A_943, %swap3A_944] {strides = array<i32>} : memref<128x128xf32, #tpu.memory_space<vmem>>, vector<16xf32>,
      tpu.vector_store %arg13[%swap3A_943, %swap3A_944], %broadcast_in_dim3A_942 {strides = array<i32>} : memref<128x128xf32, #tpu.memory_space<vmem>>, vector<16xf32>,
      %broadcast_in_dim3A_946 = arith.constant 0.000000e+00 : f32
      %broadcast_in_dim3A_947 = vector.broadcast %broadcast_in_dim3A_946 : f32 to vector<16xf32>
      %swap3A_948 = arith.index_cast %scan3A_927 : i32 to index
      %swap3A_949 = arith.constant 64 : index
      %swap3A_950 = tpu.vector_load %arg13[%swap3A_948, %swap3A_949] {strides = array<i32>} : memref<128x128xf32, #tpu.memory_space<vmem>>, vector<16xf32>,
      tpu.vector_store %arg13[%swap3A_948, %swap3A_949], %broadcast_in_dim3A_947 {strides = array<i32>} : memref<128x128xf32, #tpu.memory_space<vmem>>, vector<16xf32>,
      %broadcast_in_dim3A_951 = arith.constant 0.000000e+00 : f32
      %broadcast_in_dim3A_952 = vector.broadcast %broadcast_in_dim3A_951 : f32 to vector<16xf32>
      %swap3A_953 = arith.index_cast %scan3A_927 : i32 to index
      %swap3A_954 = arith.constant 80 : index
      %swap3A_955 = tpu.vector_load %arg13[%swap3A_953, %swap3A_954] {strides = array<i32>} : memref<128x128xf32, #tpu.memory_space<vmem>>, vector<16xf32>,
      tpu.vector_store %arg13[%swap3A_953, %swap3A_954], %broadcast_in_dim3A_952 {strides = array<i32>} : memref<128x128xf32, #tpu.memory_space<vmem>>, vector<16xf32>,
      %broadcast_in_dim3A_956 = arith.constant 0.000000e+00 : f32
      %broadcast_in_dim3A_957 = vector.broadcast %broadcast_in_dim3A_956 : f32 to vector<16xf32>
      %swap3A_958 = arith.index_cast %scan3A_927 : i32 to index
      %swap3A_959 = arith.constant 96 : index
      %swap3A_960 = tpu.vector_load %arg13[%swap3A_958, %swap3A_959] {strides = array<i32>} : memref<128x128xf32, #tpu.memory_space<vmem>>, vector<16xf32>,
      tpu.vector_store %arg13[%swap3A_958, %swap3A_959], %broadcast_in_dim3A_957 {strides = array<i32>} : memref<128x128xf32, #tpu.memory_space<vmem>>, vector<16xf32>,
      %broadcast_in_dim3A_961 = arith.constant 0.000000e+00 : f32
      %broadcast_in_dim3A_962 = vector.broadcast %broadcast_in_dim3A_961 : f32 to vector<16xf32>
      %swap3A_963 = arith.index_cast %scan3A_927 : i32 to index
      %swap3A_964 = arith.constant 112 : index
      %swap3A_965 = tpu.vector_load %arg13[%swap3A_963, %swap3A_964] {strides = array<i32>} : memref<128x128xf32, #tpu.memory_space<vmem>>, vector<16xf32>,
      tpu.vector_store %arg13[%swap3A_963, %swap3A_964], %broadcast_in_dim3A_962 {strides = array<i32>} : memref<128x128xf32, #tpu.memory_space<vmem>>, vector<16xf32>,
    }
    %scan3A_31 = arith.constant 25 : i32
    %mul3A_32 = arith.constant 625 : i32
    %mul3A_33 = arith.muli %arg1, %mul3A_32 : i32
    %add3A_34 = arith.constant 0 : i32
    %add3A_35 = arith.addi %mul3A_33, %add3A_34 : i32
    %dma_start3A_36 = arith.constant 0 : i32
    %dma_start3A_37 = arith.constant 0 : i32
    %dma_start3A_38 = tpu.memref_slice %arg13[%dma_start3A_36, %dma_start3A_37] : memref<128x128xf32, #tpu.memory_space<vmem>> -> memref<25x128xf32, #tpu.memory_space<vmem>>
    %dma_start3A_39 = arith.constant 0 : i32
    %dma_start3A_40 = tpu.memref_slice %arg15[%add3A_35, %dma_start3A_39] : memref<10000x128xf32, #tpu.memory_space<vmem_shared>> -> memref<25x128xf32, #tpu.memory_space<vmem_shared>>
    %dma_start3A_41 = arith.constant 0 : i32
    %dma_start3A_42 = tpu.memref_slice %arg15[%add3A_35, %dma_start3A_41] : memref<10000x128xf32, #tpu.memory_space<vmem_shared>> -> memref<25x128xf32, #tpu.memory_space<vmem_shared>>
    %dma_start3A_43 = arith.constant 0 : i32
    %dma_start3A_44 = arith.constant 0 : i32
    %dma_start3A_45 = tpu.memref_slice %arg13[%dma_start3A_43, %dma_start3A_44] : memref<128x128xf32, #tpu.memory_space<vmem>> -> memref<25x128xf32, #tpu.memory_space<vmem>>
    tpu.enqueue_dma source(%dma_start3A_45 : memref<25x128xf32, #tpu.memory_space<vmem>>) target(%dma_start3A_42 : memref<25x128xf32, #tpu.memory_space<vmem_shared>>) target_semaphore(%arg20 : memref<!tpu.dma_semaphore, #tpu.memory_space<semaphore_mem>>)
    %mul3A_46 = arith.constant 625 : i32
    %mul3A_47 = arith.muli %arg1, %mul3A_46 : i32
    %add3A_48 = arith.constant 25 : i32
    %add3A_49 = arith.addi %mul3A_47, %add3A_48 : i32
    %dma_start3A_50 = arith.constant 0 : i32
    %dma_start3A_51 = arith.constant 0 : i32
    %dma_start3A_52 = tpu.memref_slice %arg13[%dma_start3A_50, %dma_start3A_51] : memref<128x128xf32, #tpu.memory_space<vmem>> -> memref<25x128xf32, #tpu.memory_space<vmem>>
    %dma_start3A_53 = arith.constant 0 : i32
    %dma_start3A_54 = tpu.memref_slice %arg15[%add3A_49, %dma_start3A_53] : memref<10000x128xf32, #tpu.memory_space<vmem_shared>> -> memref<25x128xf32, #tpu.memory_space<vmem_shared>>
    %dma_start3A_55 = arith.constant 0 : i32
    %dma_start3A_56 = tpu.memref_slice %arg15[%add3A_49, %dma_start3A_55] : memref<10000x128xf32, #tpu.memory_space<vmem_shared>> -> memref<25x128xf32, #tpu.memory_space<vmem_shared>>
    %dma_start3A_57 = arith.constant 0 : i32
    %dma_start3A_58 = arith.constant 0 : i32
    %dma_start3A_59 = tpu.memref_slice %arg13[%dma_start3A_57, %dma_start3A_58] : memref<128x128xf32, #tpu.memory_space<vmem>> -> memref<25x128xf32, #tpu.memory_space<vmem>>
    tpu.enqueue_dma source(%dma_start3A_59 : memref<25x128xf32, #tpu.memory_space<vmem>>) target(%dma_start3A_56 : memref<25x128xf32, #tpu.memory_space<vmem_shared>>) target_semaphore(%arg20 : memref<!tpu.dma_semaphore, #tpu.memory_space<semaphore_mem>>)
    %mul3A_60 = arith.constant 625 : i32
    %mul3A_61 = arith.muli %arg1, %mul3A_60 : i32
    %add3A_62 = arith.constant 50 : i32
    %add3A_63 = arith.addi %mul3A_61, %add3A_62 : i32
    %dma_start3A_64 = arith.constant 0 : i32
    %dma_start3A_65 = arith.constant 0 : i32
    %dma_start3A_66 = tpu.memref_slice %arg13[%dma_start3A_64, %dma_start3A_65] : memref<128x128xf32, #tpu.memory_space<vmem>> -> memref<25x128xf32, #tpu.memory_space<vmem>>
    %dma_start3A_67 = arith.constant 0 : i32
    %dma_start3A_68 = tpu.memref_slice %arg15[%add3A_63, %dma_start3A_67] : memref<10000x128xf32, #tpu.memory_space<vmem_shared>> -> memref<25x128xf32, #tpu.memory_space<vmem_shared>>
    %dma_start3A_69 = arith.constant 0 : i32
    %dma_start3A_70 = tpu.memref_slice %arg15[%add3A_63, %dma_start3A_69] : memref<10000x128xf32, #tpu.memory_space<vmem_shared>> -> memref<25x128xf32, #tpu.memory_space<vmem_shared>>
    %dma_start3A_71 = arith.constant 0 : i32
    %dma_start3A_72 = arith.constant 0 : i32
    %dma_start3A_73 = tpu.memref_slice %arg13[%dma_start3A_71, %dma_start3A_72] : memref<128x128xf32, #tpu.memory_space<vmem>> -> memref<25x128xf32, #tpu.memory_space<vmem>>
    tpu.enqueue_dma source(%dma_start3A_73 : memref<25x128xf32, #tpu.memory_space<vmem>>) target(%dma_start3A_70 : memref<25x128xf32, #tpu.memory_space<vmem_shared>>) target_semaphore(%arg20 : memref<!tpu.dma_semaphore, #tpu.memory_space<semaphore_mem>>)
    %mul3A_74 = arith.constant 625 : i32
    %mul3A_75 = arith.muli %arg1, %mul3A_74 : i32
    %add3A_76 = arith.constant 75 : i32
    %add3A_77 = arith.addi %mul3A_75, %add3A_76 : i32
    %dma_start3A_78 = arith.constant 0 : i32
    %dma_start3A_79 = arith.constant 0 : i32
    %dma_start3A_80 = tpu.memref_slice %arg13[%dma_start3A_78, %dma_start3A_79] : memref<128x128xf32, #tpu.memory_space<vmem>> -> memref<25x128xf32, #tpu.memory_space<vmem>>
    %dma_start3A_81 = arith.constant 0 : i32
    %dma_start3A_82 = tpu.memref_slice %arg15[%add3A_77, %dma_start3A_81] : memref<10000x128xf32, #tpu.memory_space<vmem_shared>> -> memref<25x128xf32, #tpu.memory_space<vmem_shared>>
    %dma_start3A_83 = arith.constant 0 : i32
    %dma_start3A_84 = tpu.memref_slice %arg15[%add3A_77, %dma_start3A_83] : memref<10000x128xf32, #tpu.memory_space<vmem_shared>> -> memref<25x128xf32, #tpu.memory_space<vmem_shared>>
    %dma_start3A_85 = arith.constant 0 : i32
    %dma_start3A_86 = arith.constant 0 : i32
    %dma_start3A_87 = tpu.memref_slice %arg13[%dma_start3A_85, %dma_start3A_86] : memref<128x128xf32, #tpu.memory_space<vmem>> -> memref<25x128xf32, #tpu.memory_space<vmem>>
    tpu.enqueue_dma source(%dma_start3A_87 : memref<25x128xf32, #tpu.memory_space<vmem>>) target(%dma_start3A_84 : memref<25x128xf32, #tpu.memory_space<vmem_shared>>) target_semaphore(%arg20 : memref<!tpu.dma_semaphore, #tpu.memory_space<semaphore_mem>>)
    %mul3A_88 = arith.constant 625 : i32
    %mul3A_89 = arith.muli %arg1, %mul3A_88 : i32
    %add3A_90 = arith.constant 100 : i32
    %add3A_91 = arith.addi %mul3A_89, %add3A_90 : i32
    %dma_start3A_92 = arith.constant 0 : i32
    %dma_start3A_93 = arith.constant 0 : i32
    %dma_start3A_94 = tpu.memref_slice %arg13[%dma_start3A_92, %dma_start3A_93] : memref<128x128xf32, #tpu.memory_space<vmem>> -> memref<25x128xf32, #tpu.memory_space<vmem>>
    %dma_start3A_95 = arith.constant 0 : i32
    %dma_start3A_96 = tpu.memref_slice %arg15[%add3A_91, %dma_start3A_95] : memref<10000x128xf32, #tpu.memory_space<vmem_shared>> -> memref<25x128xf32, #tpu.memory_space<vmem_shared>>
    %dma_start3A_97 = arith.constant 0 : i32
    %dma_start3A_98 = tpu.memref_slice %arg15[%add3A_91, %dma_start3A_97] : memref<10000x128xf32, #tpu.memory_space<vmem_shared>> -> memref<25x128xf32, #tpu.memory_space<vmem_shared>>
    %dma_start3A_99 = arith.constant 0 : i32
    %dma_start3A_100 = arith.constant 0 : i32
    %dma_start3A_101 = tpu.memref_slice %arg13[%dma_start3A_99, %dma_start3A_100] : memref<128x128xf32, #tpu.memory_space<vmem>> -> memref<25x128xf32, #tpu.memory_space<vmem>>
    tpu.enqueue_dma source(%dma_start3A_101 : memref<25x128xf32, #tpu.memory_space<vmem>>) target(%dma_start3A_98 : memref<25x128xf32, #tpu.memory_space<vmem_shared>>) target_semaphore(%arg20 : memref<!tpu.dma_semaphore, #tpu.memory_space<semaphore_mem>>)
    %mul3A_102 = arith.constant 625 : i32
    %mul3A_103 = arith.muli %arg1, %mul3A_102 : i32
    %add3A_104 = arith.constant 125 : i32
    %add3A_105 = arith.addi %mul3A_103, %add3A_104 : i32
    %dma_start3A_106 = arith.constant 0 : i32
    %dma_start3A_107 = arith.constant 0 : i32
    %dma_start3A_108 = tpu.memref_slice %arg13[%dma_start3A_106, %dma_start3A_107] : memref<128x128xf32, #tpu.memory_space<vmem>> -> memref<25x128xf32, #tpu.memory_space<vmem>>
    %dma_start3A_109 = arith.constant 0 : i32
    %dma_start3A_110 = tpu.memref_slice %arg15[%add3A_105, %dma_start3A_109] : memref<10000x128xf32, #tpu.memory_space<vmem_shared>> -> memref<25x128xf32, #tpu.memory_space<vmem_shared>>
    %dma_start3A_111 = arith.constant 0 : i32
    %dma_start3A_112 = tpu.memref_slice %arg15[%add3A_105, %dma_start3A_111] : memref<10000x128xf32, #tpu.memory_space<vmem_shared>> -> memref<25x128xf32, #tpu.memory_space<vmem_shared>>
    %dma_start3A_113 = arith.constant 0 : i32
    %dma_start3A_114 = arith.constant 0 : i32
    %dma_start3A_115 = tpu.memref_slice %arg13[%dma_start3A_113, %dma_start3A_114] : memref<128x128xf32, #tpu.memory_space<vmem>> -> memref<25x128xf32, #tpu.memory_space<vmem>>
    tpu.enqueue_dma source(%dma_start3A_115 : memref<25x128xf32, #tpu.memory_space<vmem>>) target(%dma_start3A_112 : memref<25x128xf32, #tpu.memory_space<vmem_shared>>) target_semaphore(%arg20 : memref<!tpu.dma_semaphore, #tpu.memory_space<semaphore_mem>>)
    %mul3A_116 = arith.constant 625 : i32
    %mul3A_117 = arith.muli %arg1, %mul3A_116 : i32
    %add3A_118 = arith.constant 150 : i32
    %add3A_119 = arith.addi %mul3A_117, %add3A_118 : i32
    %dma_start3A_120 = arith.constant 0 : i32
    %dma_start3A_121 = arith.constant 0 : i32
    %dma_start3A_122 = tpu.memref_slice %arg13[%dma_start3A_120, %dma_start3A_121] : memref<128x128xf32, #tpu.memory_space<vmem>> -> memref<25x128xf32, #tpu.memory_space<vmem>>
    %dma_start3A_123 = arith.constant 0 : i32
    %dma_start3A_124 = tpu.memref_slice %arg15[%add3A_119, %dma_start3A_123] : memref<10000x128xf32, #tpu.memory_space<vmem_shared>> -> memref<25x128xf32, #tpu.memory_space<vmem_shared>>
    %dma_start3A_125 = arith.constant 0 : i32
    %dma_start3A_126 = tpu.memref_slice %arg15[%add3A_119, %dma_start3A_125] : memref<10000x128xf32, #tpu.memory_space<vmem_shared>> -> memref<25x128xf32, #tpu.memory_space<vmem_shared>>
    %dma_start3A_127 = arith.constant 0 : i32
    %dma_start3A_128 = arith.constant 0 : i32
    %dma_start3A_129 = tpu.memref_slice %arg13[%dma_start3A_127, %dma_start3A_128] : memref<128x128xf32, #tpu.memory_space<vmem>> -> memref<25x128xf32, #tpu.memory_space<vmem>>
    tpu.enqueue_dma source(%dma_start3A_129 : memref<25x128xf32, #tpu.memory_space<vmem>>) target(%dma_start3A_126 : memref<25x128xf32, #tpu.memory_space<vmem_shared>>) target_semaphore(%arg20 : memref<!tpu.dma_semaphore, #tpu.memory_space<semaphore_mem>>)
    %mul3A_130 = arith.constant 625 : i32
    %mul3A_131 = arith.muli %arg1, %mul3A_130 : i32
    %add3A_132 = arith.constant 175 : i32
    %add3A_133 = arith.addi %mul3A_131, %add3A_132 : i32
    %dma_start3A_134 = arith.constant 0 : i32
    %dma_start3A_135 = arith.constant 0 : i32
    %dma_start3A_136 = tpu.memref_slice %arg13[%dma_start3A_134, %dma_start3A_135] : memref<128x128xf32, #tpu.memory_space<vmem>> -> memref<25x128xf32, #tpu.memory_space<vmem>>
    %dma_start3A_137 = arith.constant 0 : i32
    %dma_start3A_138 = tpu.memref_slice %arg15[%add3A_133, %dma_start3A_137] : memref<10000x128xf32, #tpu.memory_space<vmem_shared>> -> memref<25x128xf32, #tpu.memory_space<vmem_shared>>
    %dma_start3A_139 = arith.constant 0 : i32
    %dma_start3A_140 = tpu.memref_slice %arg15[%add3A_133, %dma_start3A_139] : memref<10000x128xf32, #tpu.memory_space<vmem_shared>> -> memref<25x128xf32, #tpu.memory_space<vmem_shared>>
    %dma_start3A_141 = arith.constant 0 : i32
    %dma_start3A_142 = arith.constant 0 : i32
    %dma_start3A_143 = tpu.memref_slice %arg13[%dma_start3A_141, %dma_start3A_142] : memref<128x128xf32, #tpu.memory_space<vmem>> -> memref<25x128xf32, #tpu.memory_space<vmem>>
    tpu.enqueue_dma source(%dma_start3A_143 : memref<25x128xf32, #tpu.memory_space<vmem>>) target(%dma_start3A_140 : memref<25x128xf32, #tpu.memory_space<vmem_shared>>) target_semaphore(%arg20 : memref<!tpu.dma_semaphore, #tpu.memory_space<semaphore_mem>>)
    %mul3A_144 = arith.constant 625 : i32
    %mul3A_145 = arith.muli %arg1, %mul3A_144 : i32
    %add3A_146 = arith.constant 200 : i32
    %add3A_147 = arith.addi %mul3A_145, %add3A_146 : i32
    %dma_start3A_148 = arith.constant 0 : i32
    %dma_start3A_149 = arith.constant 0 : i32
    %dma_start3A_150 = tpu.memref_slice %arg13[%dma_start3A_148, %dma_start3A_149] : memref<128x128xf32, #tpu.memory_space<vmem>> -> memref<25x128xf32, #tpu.memory_space<vmem>>
    %dma_start3A_151 = arith.constant 0 : i32
    %dma_start3A_152 = tpu.memref_slice %arg15[%add3A_147, %dma_start3A_151] : memref<10000x128xf32, #tpu.memory_space<vmem_shared>> -> memref<25x128xf32, #tpu.memory_space<vmem_shared>>
    %dma_start3A_153 = arith.constant 0 : i32
    %dma_start3A_154 = tpu.memref_slice %arg15[%add3A_147, %dma_start3A_153] : memref<10000x128xf32, #tpu.memory_space<vmem_shared>> -> memref<25x128xf32, #tpu.memory_space<vmem_shared>>
    %dma_start3A_155 = arith.constant 0 : i32
    %dma_start3A_156 = arith.constant 0 : i32
    %dma_start3A_157 = tpu.memref_slice %arg13[%dma_start3A_155, %dma_start3A_156] : memref<128x128xf32, #tpu.memory_space<vmem>> -> memref<25x128xf32, #tpu.memory_space<vmem>>
    tpu.enqueue_dma source(%dma_start3A_157 : memref<25x128xf32, #tpu.memory_space<vmem>>) target(%dma_start3A_154 : memref<25x128xf32, #tpu.memory_space<vmem_shared>>) target_semaphore(%arg20 : memref<!tpu.dma_semaphore, #tpu.memory_space<semaphore_mem>>)
    %mul3A_158 = arith.constant 625 : i32
    %mul3A_159 = arith.muli %arg1, %mul3A_158 : i32
    %add3A_160 = arith.constant 225 : i32
    %add3A_161 = arith.addi %mul3A_159, %add3A_160 : i32
    %dma_start3A_162 = arith.constant 0 : i32
    %dma_start3A_163 = arith.constant 0 : i32
    %dma_start3A_164 = tpu.memref_slice %arg13[%dma_start3A_162, %dma_start3A_163] : memref<128x128xf32, #tpu.memory_space<vmem>> -> memref<25x128xf32, #tpu.memory_space<vmem>>
    %dma_start3A_165 = arith.constant 0 : i32
    %dma_start3A_166 = tpu.memref_slice %arg15[%add3A_161, %dma_start3A_165] : memref<10000x128xf32, #tpu.memory_space<vmem_shared>> -> memref<25x128xf32, #tpu.memory_space<vmem_shared>>
    %dma_start3A_167 = arith.constant 0 : i32
    %dma_start3A_168 = tpu.memref_slice %arg15[%add3A_161, %dma_start3A_167] : memref<10000x128xf32, #tpu.memory_space<vmem_shared>> -> memref<25x128xf32, #tpu.memory_space<vmem_shared>>
    %dma_start3A_169 = arith.constant 0 : i32
    %dma_start3A_170 = arith.constant 0 : i32
    %dma_start3A_171 = tpu.memref_slice %arg13[%dma_start3A_169, %dma_start3A_170] : memref<128x128xf32, #tpu.memory_space<vmem>> -> memref<25x128xf32, #tpu.memory_space<vmem>>
    tpu.enqueue_dma source(%dma_start3A_171 : memref<25x128xf32, #tpu.memory_space<vmem>>) target(%dma_start3A_168 : memref<25x128xf32, #tpu.memory_space<vmem_shared>>) target_semaphore(%arg20 : memref<!tpu.dma_semaphore, #tpu.memory_space<semaphore_mem>>)
    %mul3A_172 = arith.constant 625 : i32
    %mul3A_173 = arith.muli %arg1, %mul3A_172 : i32
    %add3A_174 = arith.constant 250 : i32
    %add3A_175 = arith.addi %mul3A_173, %add3A_174 : i32
    %dma_start3A_176 = arith.constant 0 : i32
    %dma_start3A_177 = arith.constant 0 : i32
    %dma_start3A_178 = tpu.memref_slice %arg13[%dma_start3A_176, %dma_start3A_177] : memref<128x128xf32, #tpu.memory_space<vmem>> -> memref<25x128xf32, #tpu.memory_space<vmem>>
    %dma_start3A_179 = arith.constant 0 : i32
    %dma_start3A_180 = tpu.memref_slice %arg15[%add3A_175, %dma_start3A_179] : memref<10000x128xf32, #tpu.memory_space<vmem_shared>> -> memref<25x128xf32, #tpu.memory_space<vmem_shared>>
    %dma_start3A_181 = arith.constant 0 : i32
    %dma_start3A_182 = tpu.memref_slice %arg15[%add3A_175, %dma_start3A_181] : memref<10000x128xf32, #tpu.memory_space<vmem_shared>> -> memref<25x128xf32, #tpu.memory_space<vmem_shared>>
    %dma_start3A_183 = arith.constant 0 : i32
    %dma_start3A_184 = arith.constant 0 : i32
    %dma_start3A_185 = tpu.memref_slice %arg13[%dma_start3A_183, %dma_start3A_184] : memref<128x128xf32, #tpu.memory_space<vmem>> -> memref<25x128xf32, #tpu.memory_space<vmem>>
    tpu.enqueue_dma source(%dma_start3A_185 : memref<25x128xf32, #tpu.memory_space<vmem>>) target(%dma_start3A_182 : memref<25x128xf32, #tpu.memory_space<vmem_shared>>) target_semaphore(%arg20 : memref<!tpu.dma_semaphore, #tpu.memory_space<semaphore_mem>>)
    %mul3A_186 = arith.constant 625 : i32
    %mul3A_187 = arith.muli %arg1, %mul3A_186 : i32
    %add3A_188 = arith.constant 275 : i32
    %add3A_189 = arith.addi %mul3A_187, %add3A_188 : i32
    %dma_start3A_190 = arith.constant 0 : i32
    %dma_start3A_191 = arith.constant 0 : i32
    %dma_start3A_192 = tpu.memref_slice %arg13[%dma_start3A_190, %dma_start3A_191] : memref<128x128xf32, #tpu.memory_space<vmem>> -> memref<25x128xf32, #tpu.memory_space<vmem>>
    %dma_start3A_193 = arith.constant 0 : i32
    %dma_start3A_194 = tpu.memref_slice %arg15[%add3A_189, %dma_start3A_193] : memref<10000x128xf32, #tpu.memory_space<vmem_shared>> -> memref<25x128xf32, #tpu.memory_space<vmem_shared>>
    %dma_start3A_195 = arith.constant 0 : i32
    %dma_start3A_196 = tpu.memref_slice %arg15[%add3A_189, %dma_start3A_195] : memref<10000x128xf32, #tpu.memory_space<vmem_shared>> -> memref<25x128xf32, #tpu.memory_space<vmem_shared>>
    %dma_start3A_197 = arith.constant 0 : i32
    %dma_start3A_198 = arith.constant 0 : i32
    %dma_start3A_199 = tpu.memref_slice %arg13[%dma_start3A_197, %dma_start3A_198] : memref<128x128xf32, #tpu.memory_space<vmem>> -> memref<25x128xf32, #tpu.memory_space<vmem>>
    tpu.enqueue_dma source(%dma_start3A_199 : memref<25x128xf32, #tpu.memory_space<vmem>>) target(%dma_start3A_196 : memref<25x128xf32, #tpu.memory_space<vmem_shared>>) target_semaphore(%arg20 : memref<!tpu.dma_semaphore, #tpu.memory_space<semaphore_mem>>)
    %mul3A_200 = arith.constant 625 : i32
    %mul3A_201 = arith.muli %arg1, %mul3A_200 : i32
    %add3A_202 = arith.constant 300 : i32
    %add3A_203 = arith.addi %mul3A_201, %add3A_202 : i32
    %dma_start3A_204 = arith.constant 0 : i32
    %dma_start3A_205 = arith.constant 0 : i32
    %dma_start3A_206 = tpu.memref_slice %arg13[%dma_start3A_204, %dma_start3A_205] : memref<128x128xf32, #tpu.memory_space<vmem>> -> memref<25x128xf32, #tpu.memory_space<vmem>>
    %dma_start3A_207 = arith.constant 0 : i32
    %dma_start3A_208 = tpu.memref_slice %arg15[%add3A_203, %dma_start3A_207] : memref<10000x128xf32, #tpu.memory_space<vmem_shared>> -> memref<25x128xf32, #tpu.memory_space<vmem_shared>>
    %dma_start3A_209 = arith.constant 0 : i32
    %dma_start3A_210 = tpu.memref_slice %arg15[%add3A_203, %dma_start3A_209] : memref<10000x128xf32, #tpu.memory_space<vmem_shared>> -> memref<25x128xf32, #tpu.memory_space<vmem_shared>>
    %dma_start3A_211 = arith.constant 0 : i32
    %dma_start3A_212 = arith.constant 0 : i32
    %dma_start3A_213 = tpu.memref_slice %arg13[%dma_start3A_211, %dma_start3A_212] : memref<128x128xf32, #tpu.memory_space<vmem>> -> memref<25x128xf32, #tpu.memory_space<vmem>>
    tpu.enqueue_dma source(%dma_start3A_213 : memref<25x128xf32, #tpu.memory_space<vmem>>) target(%dma_start3A_210 : memref<25x128xf32, #tpu.memory_space<vmem_shared>>) target_semaphore(%arg20 : memref<!tpu.dma_semaphore, #tpu.memory_space<semaphore_mem>>)
    %mul3A_214 = arith.constant 625 : i32
    %mul3A_215 = arith.muli %arg1, %mul3A_214 : i32
    %add3A_216 = arith.constant 325 : i32
    %add3A_217 = arith.addi %mul3A_215, %add3A_216 : i32
    %dma_start3A_218 = arith.constant 0 : i32
    %dma_start3A_219 = arith.constant 0 : i32
    %dma_start3A_220 = tpu.memref_slice %arg13[%dma_start3A_218, %dma_start3A_219] : memref<128x128xf32, #tpu.memory_space<vmem>> -> memref<25x128xf32, #tpu.memory_space<vmem>>
    %dma_start3A_221 = arith.constant 0 : i32
    %dma_start3A_222 = tpu.memref_slice %arg15[%add3A_217, %dma_start3A_221] : memref<10000x128xf32, #tpu.memory_space<vmem_shared>> -> memref<25x128xf32, #tpu.memory_space<vmem_shared>>
    %dma_start3A_223 = arith.constant 0 : i32
    %dma_start3A_224 = tpu.memref_slice %arg15[%add3A_217, %dma_start3A_223] : memref<10000x128xf32, #tpu.memory_space<vmem_shared>> -> memref<25x128xf32, #tpu.memory_space<vmem_shared>>
    %dma_start3A_225 = arith.constant 0 : i32
    %dma_start3A_226 = arith.constant 0 : i32
    %dma_start3A_227 = tpu.memref_slice %arg13[%dma_start3A_225, %dma_start3A_226] : memref<128x128xf32, #tpu.memory_space<vmem>> -> memref<25x128xf32, #tpu.memory_space<vmem>>
    tpu.enqueue_dma source(%dma_start3A_227 : memref<25x128xf32, #tpu.memory_space<vmem>>) target(%dma_start3A_224 : memref<25x128xf32, #tpu.memory_space<vmem_shared>>) target_semaphore(%arg20 : memref<!tpu.dma_semaphore, #tpu.memory_space<semaphore_mem>>)
    %mul3A_228 = arith.constant 625 : i32
    %mul3A_229 = arith.muli %arg1, %mul3A_228 : i32
    %add3A_230 = arith.constant 350 : i32
    %add3A_231 = arith.addi %mul3A_229, %add3A_230 : i32
    %dma_start3A_232 = arith.constant 0 : i32
    %dma_start3A_233 = arith.constant 0 : i32
    %dma_start3A_234 = tpu.memref_slice %arg13[%dma_start3A_232, %dma_start3A_233] : memref<128x128xf32, #tpu.memory_space<vmem>> -> memref<25x128xf32, #tpu.memory_space<vmem>>
    %dma_start3A_235 = arith.constant 0 : i32
    %dma_start3A_236 = tpu.memref_slice %arg15[%add3A_231, %dma_start3A_235] : memref<10000x128xf32, #tpu.memory_space<vmem_shared>> -> memref<25x128xf32, #tpu.memory_space<vmem_shared>>
    %dma_start3A_237 = arith.constant 0 : i32
    %dma_start3A_238 = tpu.memref_slice %arg15[%add3A_231, %dma_start3A_237] : memref<10000x128xf32, #tpu.memory_space<vmem_shared>> -> memref<25x128xf32, #tpu.memory_space<vmem_shared>>
    %dma_start3A_239 = arith.constant 0 : i32
    %dma_start3A_240 = arith.constant 0 : i32
    %dma_start3A_241 = tpu.memref_slice %arg13[%dma_start3A_239, %dma_start3A_240] : memref<128x128xf32, #tpu.memory_space<vmem>> -> memref<25x128xf32, #tpu.memory_space<vmem>>
    tpu.enqueue_dma source(%dma_start3A_241 : memref<25x128xf32, #tpu.memory_space<vmem>>) target(%dma_start3A_238 : memref<25x128xf32, #tpu.memory_space<vmem_shared>>) target_semaphore(%arg20 : memref<!tpu.dma_semaphore, #tpu.memory_space<semaphore_mem>>)
    %mul3A_242 = arith.constant 625 : i32
    %mul3A_243 = arith.muli %arg1, %mul3A_242 : i32
    %add3A_244 = arith.constant 375 : i32
    %add3A_245 = arith.addi %mul3A_243, %add3A_244 : i32
    %dma_start3A_246 = arith.constant 0 : i32
    %dma_start3A_247 = arith.constant 0 : i32
    %dma_start3A_248 = tpu.memref_slice %arg13[%dma_start3A_246, %dma_start3A_247] : memref<128x128xf32, #tpu.memory_space<vmem>> -> memref<25x128xf32, #tpu.memory_space<vmem>>
    %dma_start3A_249 = arith.constant 0 : i32
    %dma_start3A_250 = tpu.memref_slice %arg15[%add3A_245, %dma_start3A_249] : memref<10000x128xf32, #tpu.memory_space<vmem_shared>> -> memref<25x128xf32, #tpu.memory_space<vmem_shared>>
    %dma_start3A_251 = arith.constant 0 : i32
    %dma_start3A_252 = tpu.memref_slice %arg15[%add3A_245, %dma_start3A_251] : memref<10000x128xf32, #tpu.memory_space<vmem_shared>> -> memref<25x128xf32, #tpu.memory_space<vmem_shared>>
    %dma_start3A_253 = arith.constant 0 : i32
    %dma_start3A_254 = arith.constant 0 : i32
    %dma_start3A_255 = tpu.memref_slice %arg13[%dma_start3A_253, %dma_start3A_254] : memref<128x128xf32, #tpu.memory_space<vmem>> -> memref<25x128xf32, #tpu.memory_space<vmem>>
    tpu.enqueue_dma source(%dma_start3A_255 : memref<25x128xf32, #tpu.memory_space<vmem>>) target(%dma_start3A_252 : memref<25x128xf32, #tpu.memory_space<vmem_shared>>) target_semaphore(%arg20 : memref<!tpu.dma_semaphore, #tpu.memory_space<semaphore_mem>>)
    %mul3A_256 = arith.constant 625 : i32
    %mul3A_257 = arith.muli %arg1, %mul3A_256 : i32
    %add3A_258 = arith.constant 400 : i32
    %add3A_259 = arith.addi %mul3A_257, %add3A_258 : i32
    %dma_start3A_260 = arith.constant 0 : i32
    %dma_start3A_261 = arith.constant 0 : i32
    %dma_start3A_262 = tpu.memref_slice %arg13[%dma_start3A_260, %dma_start3A_261] : memref<128x128xf32, #tpu.memory_space<vmem>> -> memref<25x128xf32, #tpu.memory_space<vmem>>
    %dma_start3A_263 = arith.constant 0 : i32
    %dma_start3A_264 = tpu.memref_slice %arg15[%add3A_259, %dma_start3A_263] : memref<10000x128xf32, #tpu.memory_space<vmem_shared>> -> memref<25x128xf32, #tpu.memory_space<vmem_shared>>
    %dma_start3A_265 = arith.constant 0 : i32
    %dma_start3A_266 = tpu.memref_slice %arg15[%add3A_259, %dma_start3A_265] : memref<10000x128xf32, #tpu.memory_space<vmem_shared>> -> memref<25x128xf32, #tpu.memory_space<vmem_shared>>
    %dma_start3A_267 = arith.constant 0 : i32
    %dma_start3A_268 = arith.constant 0 : i32
    %dma_start3A_269 = tpu.memref_slice %arg13[%dma_start3A_267, %dma_start3A_268] : memref<128x128xf32, #tpu.memory_space<vmem>> -> memref<25x128xf32, #tpu.memory_space<vmem>>
    tpu.enqueue_dma source(%dma_start3A_269 : memref<25x128xf32, #tpu.memory_space<vmem>>) target(%dma_start3A_266 : memref<25x128xf32, #tpu.memory_space<vmem_shared>>) target_semaphore(%arg20 : memref<!tpu.dma_semaphore, #tpu.memory_space<semaphore_mem>>)
    %mul3A_270 = arith.constant 625 : i32
    %mul3A_271 = arith.muli %arg1, %mul3A_270 : i32
    %add3A_272 = arith.constant 425 : i32
    %add3A_273 = arith.addi %mul3A_271, %add3A_272 : i32
    %dma_start3A_274 = arith.constant 0 : i32
    %dma_start3A_275 = arith.constant 0 : i32
    %dma_start3A_276 = tpu.memref_slice %arg13[%dma_start3A_274, %dma_start3A_275] : memref<128x128xf32, #tpu.memory_space<vmem>> -> memref<25x128xf32, #tpu.memory_space<vmem>>
    %dma_start3A_277 = arith.constant 0 : i32
    %dma_start3A_278 = tpu.memref_slice %arg15[%add3A_273, %dma_start3A_277] : memref<10000x128xf32, #tpu.memory_space<vmem_shared>> -> memref<25x128xf32, #tpu.memory_space<vmem_shared>>
    %dma_start3A_279 = arith.constant 0 : i32
    %dma_start3A_280 = tpu.memref_slice %arg15[%add3A_273, %dma_start3A_279] : memref<10000x128xf32, #tpu.memory_space<vmem_shared>> -> memref<25x128xf32, #tpu.memory_space<vmem_shared>>
    %dma_start3A_281 = arith.constant 0 : i32
    %dma_start3A_282 = arith.constant 0 : i32
    %dma_start3A_283 = tpu.memref_slice %arg13[%dma_start3A_281, %dma_start3A_282] : memref<128x128xf32, #tpu.memory_space<vmem>> -> memref<25x128xf32, #tpu.memory_space<vmem>>
    tpu.enqueue_dma source(%dma_start3A_283 : memref<25x128xf32, #tpu.memory_space<vmem>>) target(%dma_start3A_280 : memref<25x128xf32, #tpu.memory_space<vmem_shared>>) target_semaphore(%arg20 : memref<!tpu.dma_semaphore, #tpu.memory_space<semaphore_mem>>)
    %mul3A_284 = arith.constant 625 : i32
    %mul3A_285 = arith.muli %arg1, %mul3A_284 : i32
    %add3A_286 = arith.constant 450 : i32
    %add3A_287 = arith.addi %mul3A_285, %add3A_286 : i32
    %dma_start3A_288 = arith.constant 0 : i32
    %dma_start3A_289 = arith.constant 0 : i32
    %dma_start3A_290 = tpu.memref_slice %arg13[%dma_start3A_288, %dma_start3A_289] : memref<128x128xf32, #tpu.memory_space<vmem>> -> memref<25x128xf32, #tpu.memory_space<vmem>>
    %dma_start3A_291 = arith.constant 0 : i32
    %dma_start3A_292 = tpu.memref_slice %arg15[%add3A_287, %dma_start3A_291] : memref<10000x128xf32, #tpu.memory_space<vmem_shared>> -> memref<25x128xf32, #tpu.memory_space<vmem_shared>>
    %dma_start3A_293 = arith.constant 0 : i32
    %dma_start3A_294 = tpu.memref_slice %arg15[%add3A_287, %dma_start3A_293] : memref<10000x128xf32, #tpu.memory_space<vmem_shared>> -> memref<25x128xf32, #tpu.memory_space<vmem_shared>>
    %dma_start3A_295 = arith.constant 0 : i32
    %dma_start3A_296 = arith.constant 0 : i32
    %dma_start3A_297 = tpu.memref_slice %arg13[%dma_start3A_295, %dma_start3A_296] : memref<128x128xf32, #tpu.memory_space<vmem>> -> memref<25x128xf32, #tpu.memory_space<vmem>>
    tpu.enqueue_dma source(%dma_start3A_297 : memref<25x128xf32, #tpu.memory_space<vmem>>) target(%dma_start3A_294 : memref<25x128xf32, #tpu.memory_space<vmem_shared>>) target_semaphore(%arg20 : memref<!tpu.dma_semaphore, #tpu.memory_space<semaphore_mem>>)
    %mul3A_298 = arith.constant 625 : i32
    %mul3A_299 = arith.muli %arg1, %mul3A_298 : i32
    %add3A_300 = arith.constant 475 : i32
    %add3A_301 = arith.addi %mul3A_299, %add3A_300 : i32
    %dma_start3A_302 = arith.constant 0 : i32
    %dma_start3A_303 = arith.constant 0 : i32
    %dma_start3A_304 = tpu.memref_slice %arg13[%dma_start3A_302, %dma_start3A_303] : memref<128x128xf32, #tpu.memory_space<vmem>> -> memref<25x128xf32, #tpu.memory_space<vmem>>
    %dma_start3A_305 = arith.constant 0 : i32
    %dma_start3A_306 = tpu.memref_slice %arg15[%add3A_301, %dma_start3A_305] : memref<10000x128xf32, #tpu.memory_space<vmem_shared>> -> memref<25x128xf32, #tpu.memory_space<vmem_shared>>
    %dma_start3A_307 = arith.constant 0 : i32
    %dma_start3A_308 = tpu.memref_slice %arg15[%add3A_301, %dma_start3A_307] : memref<10000x128xf32, #tpu.memory_space<vmem_shared>> -> memref<25x128xf32, #tpu.memory_space<vmem_shared>>
    %dma_start3A_309 = arith.constant 0 : i32
    %dma_start3A_310 = arith.constant 0 : i32
    %dma_start3A_311 = tpu.memref_slice %arg13[%dma_start3A_309, %dma_start3A_310] : memref<128x128xf32, #tpu.memory_space<vmem>> -> memref<25x128xf32, #tpu.memory_space<vmem>>
    tpu.enqueue_dma source(%dma_start3A_311 : memref<25x128xf32, #tpu.memory_space<vmem>>) target(%dma_start3A_308 : memref<25x128xf32, #tpu.memory_space<vmem_shared>>) target_semaphore(%arg20 : memref<!tpu.dma_semaphore, #tpu.memory_space<semaphore_mem>>)
    %mul3A_312 = arith.constant 625 : i32
    %mul3A_313 = arith.muli %arg1, %mul3A_312 : i32
    %add3A_314 = arith.constant 500 : i32
    %add3A_315 = arith.addi %mul3A_313, %add3A_314 : i32
    %dma_start3A_316 = arith.constant 0 : i32
    %dma_start3A_317 = arith.constant 0 : i32
    %dma_start3A_318 = tpu.memref_slice %arg13[%dma_start3A_316, %dma_start3A_317] : memref<128x128xf32, #tpu.memory_space<vmem>> -> memref<25x128xf32, #tpu.memory_space<vmem>>
    %dma_start3A_319 = arith.constant 0 : i32
    %dma_start3A_320 = tpu.memref_slice %arg15[%add3A_315, %dma_start3A_319] : memref<10000x128xf32, #tpu.memory_space<vmem_shared>> -> memref<25x128xf32, #tpu.memory_space<vmem_shared>>
    %dma_start3A_321 = arith.constant 0 : i32
    %dma_start3A_322 = tpu.memref_slice %arg15[%add3A_315, %dma_start3A_321] : memref<10000x128xf32, #tpu.memory_space<vmem_shared>> -> memref<25x128xf32, #tpu.memory_space<vmem_shared>>
    %dma_start3A_323 = arith.constant 0 : i32
    %dma_start3A_324 = arith.constant 0 : i32
    %dma_start3A_325 = tpu.memref_slice %arg13[%dma_start3A_323, %dma_start3A_324] : memref<128x128xf32, #tpu.memory_space<vmem>> -> memref<25x128xf32, #tpu.memory_space<vmem>>
    tpu.enqueue_dma source(%dma_start3A_325 : memref<25x128xf32, #tpu.memory_space<vmem>>) target(%dma_start3A_322 : memref<25x128xf32, #tpu.memory_space<vmem_shared>>) target_semaphore(%arg20 : memref<!tpu.dma_semaphore, #tpu.memory_space<semaphore_mem>>)
    %mul3A_326 = arith.constant 625 : i32
    %mul3A_327 = arith.muli %arg1, %mul3A_326 : i32
    %add3A_328 = arith.constant 525 : i32
    %add3A_329 = arith.addi %mul3A_327, %add3A_328 : i32
    %dma_start3A_330 = arith.constant 0 : i32
    %dma_start3A_331 = arith.constant 0 : i32
    %dma_start3A_332 = tpu.memref_slice %arg13[%dma_start3A_330, %dma_start3A_331] : memref<128x128xf32, #tpu.memory_space<vmem>> -> memref<25x128xf32, #tpu.memory_space<vmem>>
    %dma_start3A_333 = arith.constant 0 : i32
    %dma_start3A_334 = tpu.memref_slice %arg15[%add3A_329, %dma_start3A_333] : memref<10000x128xf32, #tpu.memory_space<vmem_shared>> -> memref<25x128xf32, #tpu.memory_space<vmem_shared>>
    %dma_start3A_335 = arith.constant 0 : i32
    %dma_start3A_336 = tpu.memref_slice %arg15[%add3A_329, %dma_start3A_335] : memref<10000x128xf32, #tpu.memory_space<vmem_shared>> -> memref<25x128xf32, #tpu.memory_space<vmem_shared>>
    %dma_start3A_337 = arith.constant 0 : i32
    %dma_start3A_338 = arith.constant 0 : i32
    %dma_start3A_339 = tpu.memref_slice %arg13[%dma_start3A_337, %dma_start3A_338] : memref<128x128xf32, #tpu.memory_space<vmem>> -> memref<25x128xf32, #tpu.memory_space<vmem>>
    tpu.enqueue_dma source(%dma_start3A_339 : memref<25x128xf32, #tpu.memory_space<vmem>>) target(%dma_start3A_336 : memref<25x128xf32, #tpu.memory_space<vmem_shared>>) target_semaphore(%arg20 : memref<!tpu.dma_semaphore, #tpu.memory_space<semaphore_mem>>)
    %mul3A_340 = arith.constant 625 : i32
    %mul3A_341 = arith.muli %arg1, %mul3A_340 : i32
    %add3A_342 = arith.constant 550 : i32
    %add3A_343 = arith.addi %mul3A_341, %add3A_342 : i32
    %dma_start3A_344 = arith.constant 0 : i32
    %dma_start3A_345 = arith.constant 0 : i32
    %dma_start3A_346 = tpu.memref_slice %arg13[%dma_start3A_344, %dma_start3A_345] : memref<128x128xf32, #tpu.memory_space<vmem>> -> memref<25x128xf32, #tpu.memory_space<vmem>>
    %dma_start3A_347 = arith.constant 0 : i32
    %dma_start3A_348 = tpu.memref_slice %arg15[%add3A_343, %dma_start3A_347] : memref<10000x128xf32, #tpu.memory_space<vmem_shared>> -> memref<25x128xf32, #tpu.memory_space<vmem_shared>>
    %dma_start3A_349 = arith.constant 0 : i32
    %dma_start3A_350 = tpu.memref_slice %arg15[%add3A_343, %dma_start3A_349] : memref<10000x128xf32, #tpu.memory_space<vmem_shared>> -> memref<25x128xf32, #tpu.memory_space<vmem_shared>>
    %dma_start3A_351 = arith.constant 0 : i32
    %dma_start3A_352 = arith.constant 0 : i32
    %dma_start3A_353 = tpu.memref_slice %arg13[%dma_start3A_351, %dma_start3A_352] : memref<128x128xf32, #tpu.memory_space<vmem>> -> memref<25x128xf32, #tpu.memory_space<vmem>>
    tpu.enqueue_dma source(%dma_start3A_353 : memref<25x128xf32, #tpu.memory_space<vmem>>) target(%dma_start3A_350 : memref<25x128xf32, #tpu.memory_space<vmem_shared>>) target_semaphore(%arg20 : memref<!tpu.dma_semaphore, #tpu.memory_space<semaphore_mem>>)
    %mul3A_354 = arith.constant 625 : i32
    %mul3A_355 = arith.muli %arg1, %mul3A_354 : i32
    %add3A_356 = arith.constant 575 : i32
    %add3A_357 = arith.addi %mul3A_355, %add3A_356 : i32
    %dma_start3A_358 = arith.constant 0 : i32
    %dma_start3A_359 = arith.constant 0 : i32
    %dma_start3A_360 = tpu.memref_slice %arg13[%dma_start3A_358, %dma_start3A_359] : memref<128x128xf32, #tpu.memory_space<vmem>> -> memref<25x128xf32, #tpu.memory_space<vmem>>
    %dma_start3A_361 = arith.constant 0 : i32
    %dma_start3A_362 = tpu.memref_slice %arg15[%add3A_357, %dma_start3A_361] : memref<10000x128xf32, #tpu.memory_space<vmem_shared>> -> memref<25x128xf32, #tpu.memory_space<vmem_shared>>
    %dma_start3A_363 = arith.constant 0 : i32
    %dma_start3A_364 = tpu.memref_slice %arg15[%add3A_357, %dma_start3A_363] : memref<10000x128xf32, #tpu.memory_space<vmem_shared>> -> memref<25x128xf32, #tpu.memory_space<vmem_shared>>
    %dma_start3A_365 = arith.constant 0 : i32
    %dma_start3A_366 = arith.constant 0 : i32
    %dma_start3A_367 = tpu.memref_slice %arg13[%dma_start3A_365, %dma_start3A_366] : memref<128x128xf32, #tpu.memory_space<vmem>> -> memref<25x128xf32, #tpu.memory_space<vmem>>
    tpu.enqueue_dma source(%dma_start3A_367 : memref<25x128xf32, #tpu.memory_space<vmem>>) target(%dma_start3A_364 : memref<25x128xf32, #tpu.memory_space<vmem_shared>>) target_semaphore(%arg20 : memref<!tpu.dma_semaphore, #tpu.memory_space<semaphore_mem>>)
    %mul3A_368 = arith.constant 625 : i32
    %mul3A_369 = arith.muli %arg1, %mul3A_368 : i32
    %add3A_370 = arith.constant 600 : i32
    %add3A_371 = arith.addi %mul3A_369, %add3A_370 : i32
    %dma_start3A_372 = arith.constant 0 : i32
    %dma_start3A_373 = arith.constant 0 : i32
    %dma_start3A_374 = tpu.memref_slice %arg13[%dma_start3A_372, %dma_start3A_373] : memref<128x128xf32, #tpu.memory_space<vmem>> -> memref<25x128xf32, #tpu.memory_space<vmem>>
    %dma_start3A_375 = arith.constant 0 : i32
    %dma_start3A_376 = tpu.memref_slice %arg15[%add3A_371, %dma_start3A_375] : memref<10000x128xf32, #tpu.memory_space<vmem_shared>> -> memref<25x128xf32, #tpu.memory_space<vmem_shared>>
    %dma_start3A_377 = arith.constant 0 : i32
    %dma_start3A_378 = tpu.memref_slice %arg15[%add3A_371, %dma_start3A_377] : memref<10000x128xf32, #tpu.memory_space<vmem_shared>> -> memref<25x128xf32, #tpu.memory_space<vmem_shared>>
    %dma_start3A_379 = arith.constant 0 : i32
    %dma_start3A_380 = arith.constant 0 : i32
    %dma_start3A_381 = tpu.memref_slice %arg13[%dma_start3A_379, %dma_start3A_380] : memref<128x128xf32, #tpu.memory_space<vmem>> -> memref<25x128xf32, #tpu.memory_space<vmem>>
    tpu.enqueue_dma source(%dma_start3A_381 : memref<25x128xf32, #tpu.memory_space<vmem>>) target(%dma_start3A_378 : memref<25x128xf32, #tpu.memory_space<vmem_shared>>) target_semaphore(%arg20 : memref<!tpu.dma_semaphore, #tpu.memory_space<semaphore_mem>>)
    %mul3A_382 = arith.constant 625 : i32
    %mul3A_383 = arith.muli %arg1, %mul3A_382 : i32
    %dma_wait3A = arith.constant 0 : i32
    %dma_wait3A_384 = arith.constant 0 : i32
    %dma_wait3A_385 = tpu.memref_slice %arg13[%dma_wait3A, %dma_wait3A_384] : memref<128x128xf32, #tpu.memory_space<vmem>> -> memref<25x128xf32, #tpu.memory_space<vmem>>
    %dma_wait3A_386 = arith.constant 0 : i32
    %dma_wait3A_387 = tpu.memref_slice %arg15[%mul3A_383, %dma_wait3A_386] : memref<10000x128xf32, #tpu.memory_space<vmem_shared>> -> memref<25x128xf32, #tpu.memory_space<vmem_shared>>
    %dma_wait3A_388 = arith.constant 0 : i32
    %dma_wait3A_389 = tpu.memref_slice %arg15[%mul3A_383, %dma_wait3A_388] : memref<10000x128xf32, #tpu.memory_space<vmem_shared>> -> memref<25x128xf32, #tpu.memory_space<vmem_shared>>
    %dma_wait3A_390 = arith.constant 0 : i32
    %dma_wait3A_391 = arith.constant 0 : i32
    %dma_wait3A_392 = tpu.memref_slice %arg13[%dma_wait3A_390, %dma_wait3A_391] : memref<128x128xf32, #tpu.memory_space<vmem>> -> memref<25x128xf32, #tpu.memory_space<vmem>>
    tpu.wait_dma2 semaphore(%arg20 : memref<!tpu.dma_semaphore, #tpu.memory_space<semaphore_mem>>) src(%dma_wait3A_392 : memref<25x128xf32, #tpu.memory_space<vmem>>) dst(%dma_wait3A_389 : memref<25x128xf32, #tpu.memory_space<vmem_shared>>)
    %mul3A_393 = arith.constant 625 : i32
    %mul3A_394 = arith.muli %arg1, %mul3A_393 : i32
    %dma_wait3A_395 = arith.constant 0 : i32
    %dma_wait3A_396 = arith.constant 0 : i32
    %dma_wait3A_397 = tpu.memref_slice %arg13[%dma_wait3A_395, %dma_wait3A_396] : memref<128x128xf32, #tpu.memory_space<vmem>> -> memref<25x128xf32, #tpu.memory_space<vmem>>
    %dma_wait3A_398 = arith.constant 0 : i32
    %dma_wait3A_399 = tpu.memref_slice %arg15[%mul3A_394, %dma_wait3A_398] : memref<10000x128xf32, #tpu.memory_space<vmem_shared>> -> memref<25x128xf32, #tpu.memory_space<vmem_shared>>
    %dma_wait3A_400 = arith.constant 0 : i32
    %dma_wait3A_401 = tpu.memref_slice %arg15[%mul3A_394, %dma_wait3A_400] : memref<10000x128xf32, #tpu.memory_space<vmem_shared>> -> memref<25x128xf32, #tpu.memory_space<vmem_shared>>
    %dma_wait3A_402 = arith.constant 0 : i32
    %dma_wait3A_403 = arith.constant 0 : i32
    %dma_wait3A_404 = tpu.memref_slice %arg13[%dma_wait3A_402, %dma_wait3A_403] : memref<128x128xf32, #tpu.memory_space<vmem>> -> memref<25x128xf32, #tpu.memory_space<vmem>>
    tpu.wait_dma2 semaphore(%arg20 : memref<!tpu.dma_semaphore, #tpu.memory_space<semaphore_mem>>) src(%dma_wait3A_404 : memref<25x128xf32, #tpu.memory_space<vmem>>) dst(%dma_wait3A_401 : memref<25x128xf32, #tpu.memory_space<vmem_shared>>)
    %mul3A_405 = arith.constant 625 : i32
    %mul3A_406 = arith.muli %arg1, %mul3A_405 : i32
    %dma_wait3A_407 = arith.constant 0 : i32
    %dma_wait3A_408 = arith.constant 0 : i32
    %dma_wait3A_409 = tpu.memref_slice %arg13[%dma_wait3A_407, %dma_wait3A_408] : memref<128x128xf32, #tpu.memory_space<vmem>> -> memref<25x128xf32, #tpu.memory_space<vmem>>
    %dma_wait3A_410 = arith.constant 0 : i32
    %dma_wait3A_411 = tpu.memref_slice %arg15[%mul3A_406, %dma_wait3A_410] : memref<10000x128xf32, #tpu.memory_space<vmem_shared>> -> memref<25x128xf32, #tpu.memory_space<vmem_shared>>
    %dma_wait3A_412 = arith.constant 0 : i32
    %dma_wait3A_413 = tpu.memref_slice %arg15[%mul3A_406, %dma_wait3A_412] : memref<10000x128xf32, #tpu.memory_space<vmem_shared>> -> memref<25x128xf32, #tpu.memory_space<vmem_shared>>
    %dma_wait3A_414 = arith.constant 0 : i32
    %dma_wait3A_415 = arith.constant 0 : i32
    %dma_wait3A_416 = tpu.memref_slice %arg13[%dma_wait3A_414, %dma_wait3A_415] : memref<128x128xf32, #tpu.memory_space<vmem>> -> memref<25x128xf32, #tpu.memory_space<vmem>>
    tpu.wait_dma2 semaphore(%arg20 : memref<!tpu.dma_semaphore, #tpu.memory_space<semaphore_mem>>) src(%dma_wait3A_416 : memref<25x128xf32, #tpu.memory_space<vmem>>) dst(%dma_wait3A_413 : memref<25x128xf32, #tpu.memory_space<vmem_shared>>)
    %mul3A_417 = arith.constant 625 : i32
    %mul3A_418 = arith.muli %arg1, %mul3A_417 : i32
    %dma_wait3A_419 = arith.constant 0 : i32
    %dma_wait3A_420 = arith.constant 0 : i32
    %dma_wait3A_421 = tpu.memref_slice %arg13[%dma_wait3A_419, %dma_wait3A_420] : memref<128x128xf32, #tpu.memory_space<vmem>> -> memref<25x128xf32, #tpu.memory_space<vmem>>
    %dma_wait3A_422 = arith.constant 0 : i32
    %dma_wait3A_423 = tpu.memref_slice %arg15[%mul3A_418, %dma_wait3A_422] : memref<10000x128xf32, #tpu.memory_space<vmem_shared>> -> memref<25x128xf32, #tpu.memory_space<vmem_shared>>
    %dma_wait3A_424 = arith.constant 0 : i32
    %dma_wait3A_425 = tpu.memref_slice %arg15[%mul3A_418, %dma_wait3A_424] : memref<10000x128xf32, #tpu.memory_space<vmem_shared>> -> memref<25x128xf32, #tpu.memory_space<vmem_shared>>
    %dma_wait3A_426 = arith.constant 0 : i32
    %dma_wait3A_427 = arith.constant 0 : i32
    %dma_wait3A_428 = tpu.memref_slice %arg13[%dma_wait3A_426, %dma_wait3A_427] : memref<128x128xf32, #tpu.memory_space<vmem>> -> memref<25x128xf32, #tpu.memory_space<vmem>>
    tpu.wait_dma2 semaphore(%arg20 : memref<!tpu.dma_semaphore, #tpu.memory_space<semaphore_mem>>) src(%dma_wait3A_428 : memref<25x128xf32, #tpu.memory_space<vmem>>) dst(%dma_wait3A_425 : memref<25x128xf32, #tpu.memory_space<vmem_shared>>)
    %mul3A_429 = arith.constant 625 : i32
    %mul3A_430 = arith.muli %arg1, %mul3A_429 : i32
    %dma_wait3A_431 = arith.constant 0 : i32
    %dma_wait3A_432 = arith.constant 0 : i32
    %dma_wait3A_433 = tpu.memref_slice %arg13[%dma_wait3A_431, %dma_wait3A_432] : memref<128x128xf32, #tpu.memory_space<vmem>> -> memref<25x128xf32, #tpu.memory_space<vmem>>
    %dma_wait3A_434 = arith.constant 0 : i32
    %dma_wait3A_435 = tpu.memref_slice %arg15[%mul3A_430, %dma_wait3A_434] : memref<10000x128xf32, #tpu.memory_space<vmem_shared>> -> memref<25x128xf32, #tpu.memory_space<vmem_shared>>
    %dma_wait3A_436 = arith.constant 0 : i32
    %dma_wait3A_437 = tpu.memref_slice %arg15[%mul3A_430, %dma_wait3A_436] : memref<10000x128xf32, #tpu.memory_space<vmem_shared>> -> memref<25x128xf32, #tpu.memory_space<vmem_shared>>
    %dma_wait3A_438 = arith.constant 0 : i32
    %dma_wait3A_439 = arith.constant 0 : i32
    %dma_wait3A_440 = tpu.memref_slice %arg13[%dma_wait3A_438, %dma_wait3A_439] : memref<128x128xf32, #tpu.memory_space<vmem>> -> memref<25x128xf32, #tpu.memory_space<vmem>>
    tpu.wait_dma2 semaphore(%arg20 : memref<!tpu.dma_semaphore, #tpu.memory_space<semaphore_mem>>) src(%dma_wait3A_440 : memref<25x128xf32, #tpu.memory_space<vmem>>) dst(%dma_wait3A_437 : memref<25x128xf32, #tpu.memory_space<vmem_shared>>)
    %mul3A_441 = arith.constant 625 : i32
    %mul3A_442 = arith.muli %arg1, %mul3A_441 : i32
    %dma_wait3A_443 = arith.constant 0 : i32
    %dma_wait3A_444 = arith.constant 0 : i32
    %dma_wait3A_445 = tpu.memref_slice %arg13[%dma_wait3A_443, %dma_wait3A_444] : memref<128x128xf32, #tpu.memory_space<vmem>> -> memref<25x128xf32, #tpu.memory_space<vmem>>
    %dma_wait3A_446 = arith.constant 0 : i32
    %dma_wait3A_447 = tpu.memref_slice %arg15[%mul3A_442, %dma_wait3A_446] : memref<10000x128xf32, #tpu.memory_space<vmem_shared>> -> memref<25x128xf32, #tpu.memory_space<vmem_shared>>
    %dma_wait3A_448 = arith.constant 0 : i32
    %dma_wait3A_449 = tpu.memref_slice %arg15[%mul3A_442, %dma_wait3A_448] : memref<10000x128xf32, #tpu.memory_space<vmem_shared>> -> memref<25x128xf32, #tpu.memory_space<vmem_shared>>
    %dma_wait3A_450 = arith.constant 0 : i32
    %dma_wait3A_451 = arith.constant 0 : i32
    %dma_wait3A_452 = tpu.memref_slice %arg13[%dma_wait3A_450, %dma_wait3A_451] : memref<128x128xf32, #tpu.memory_space<vmem>> -> memref<25x128xf32, #tpu.memory_space<vmem>>
    tpu.wait_dma2 semaphore(%arg20 : memref<!tpu.dma_semaphore, #tpu.memory_space<semaphore_mem>>) src(%dma_wait3A_452 : memref<25x128xf32, #tpu.memory_space<vmem>>) dst(%dma_wait3A_449 : memref<25x128xf32, #tpu.memory_space<vmem_shared>>)
    %mul3A_453 = arith.constant 625 : i32
    %mul3A_454 = arith.muli %arg1, %mul3A_453 : i32
    %dma_wait3A_455 = arith.constant 0 : i32
    %dma_wait3A_456 = arith.constant 0 : i32
    %dma_wait3A_457 = tpu.memref_slice %arg13[%dma_wait3A_455, %dma_wait3A_456] : memref<128x128xf32, #tpu.memory_space<vmem>> -> memref<25x128xf32, #tpu.memory_space<vmem>>
    %dma_wait3A_458 = arith.constant 0 : i32
    %dma_wait3A_459 = tpu.memref_slice %arg15[%mul3A_454, %dma_wait3A_458] : memref<10000x128xf32, #tpu.memory_space<vmem_shared>> -> memref<25x128xf32, #tpu.memory_space<vmem_shared>>
    %dma_wait3A_460 = arith.constant 0 : i32
    %dma_wait3A_461 = tpu.memref_slice %arg15[%mul3A_454, %dma_wait3A_460] : memref<10000x128xf32, #tpu.memory_space<vmem_shared>> -> memref<25x128xf32, #tpu.memory_space<vmem_shared>>
    %dma_wait3A_462 = arith.constant 0 : i32
    %dma_wait3A_463 = arith.constant 0 : i32
    %dma_wait3A_464 = tpu.memref_slice %arg13[%dma_wait3A_462, %dma_wait3A_463] : memref<128x128xf32, #tpu.memory_space<vmem>> -> memref<25x128xf32, #tpu.memory_space<vmem>>
    tpu.wait_dma2 semaphore(%arg20 : memref<!tpu.dma_semaphore, #tpu.memory_space<semaphore_mem>>) src(%dma_wait3A_464 : memref<25x128xf32, #tpu.memory_space<vmem>>) dst(%dma_wait3A_461 : memref<25x128xf32, #tpu.memory_space<vmem_shared>>)
    %mul3A_465 = arith.constant 625 : i32
    %mul3A_466 = arith.muli %arg1, %mul3A_465 : i32
    %dma_wait3A_467 = arith.constant 0 : i32
    %dma_wait3A_468 = arith.constant 0 : i32
    %dma_wait3A_469 = tpu.memref_slice %arg13[%dma_wait3A_467, %dma_wait3A_468] : memref<128x128xf32, #tpu.memory_space<vmem>> -> memref<25x128xf32, #tpu.memory_space<vmem>>
    %dma_wait3A_470 = arith.constant 0 : i32
    %dma_wait3A_471 = tpu.memref_slice %arg15[%mul3A_466, %dma_wait3A_470] : memref<10000x128xf32, #tpu.memory_space<vmem_shared>> -> memref<25x128xf32, #tpu.memory_space<vmem_shared>>
    %dma_wait3A_472 = arith.constant 0 : i32
    %dma_wait3A_473 = tpu.memref_slice %arg15[%mul3A_466, %dma_wait3A_472] : memref<10000x128xf32, #tpu.memory_space<vmem_shared>> -> memref<25x128xf32, #tpu.memory_space<vmem_shared>>
    %dma_wait3A_474 = arith.constant 0 : i32
    %dma_wait3A_475 = arith.constant 0 : i32
    %dma_wait3A_476 = tpu.memref_slice %arg13[%dma_wait3A_474, %dma_wait3A_475] : memref<128x128xf32, #tpu.memory_space<vmem>> -> memref<25x128xf32, #tpu.memory_space<vmem>>
    tpu.wait_dma2 semaphore(%arg20 : memref<!tpu.dma_semaphore, #tpu.memory_space<semaphore_mem>>) src(%dma_wait3A_476 : memref<25x128xf32, #tpu.memory_space<vmem>>) dst(%dma_wait3A_473 : memref<25x128xf32, #tpu.memory_space<vmem_shared>>)
    %mul3A_477 = arith.constant 625 : i32
    %mul3A_478 = arith.muli %arg1, %mul3A_477 : i32
    %dma_wait3A_479 = arith.constant 0 : i32
    %dma_wait3A_480 = arith.constant 0 : i32
    %dma_wait3A_481 = tpu.memref_slice %arg13[%dma_wait3A_479, %dma_wait3A_480] : memref<128x128xf32, #tpu.memory_space<vmem>> -> memref<25x128xf32, #tpu.memory_space<vmem>>
    %dma_wait3A_482 = arith.constant 0 : i32
    %dma_wait3A_483 = tpu.memref_slice %arg15[%mul3A_478, %dma_wait3A_482] : memref<10000x128xf32, #tpu.memory_space<vmem_shared>> -> memref<25x128xf32, #tpu.memory_space<vmem_shared>>
    %dma_wait3A_484 = arith.constant 0 : i32
    %dma_wait3A_485 = tpu.memref_slice %arg15[%mul3A_478, %dma_wait3A_484] : memref<10000x128xf32, #tpu.memory_space<vmem_shared>> -> memref<25x128xf32, #tpu.memory_space<vmem_shared>>
    %dma_wait3A_486 = arith.constant 0 : i32
    %dma_wait3A_487 = arith.constant 0 : i32
    %dma_wait3A_488 = tpu.memref_slice %arg13[%dma_wait3A_486, %dma_wait3A_487] : memref<128x128xf32, #tpu.memory_space<vmem>> -> memref<25x128xf32, #tpu.memory_space<vmem>>
    tpu.wait_dma2 semaphore(%arg20 : memref<!tpu.dma_semaphore, #tpu.memory_space<semaphore_mem>>) src(%dma_wait3A_488 : memref<25x128xf32, #tpu.memory_space<vmem>>) dst(%dma_wait3A_485 : memref<25x128xf32, #tpu.memory_space<vmem_shared>>)
    %mul3A_489 = arith.constant 625 : i32
    %mul3A_490 = arith.muli %arg1, %mul3A_489 : i32
    %dma_wait3A_491 = arith.constant 0 : i32
    %dma_wait3A_492 = arith.constant 0 : i32
    %dma_wait3A_493 = tpu.memref_slice %arg13[%dma_wait3A_491, %dma_wait3A_492] : memref<128x128xf32, #tpu.memory_space<vmem>> -> memref<25x128xf32, #tpu.memory_space<vmem>>
    %dma_wait3A_494 = arith.constant 0 : i32
    %dma_wait3A_495 = tpu.memref_slice %arg15[%mul3A_490, %dma_wait3A_494] : memref<10000x128xf32, #tpu.memory_space<vmem_shared>> -> memref<25x128xf32, #tpu.memory_space<vmem_shared>>
    %dma_wait3A_496 = arith.constant 0 : i32
    %dma_wait3A_497 = tpu.memref_slice %arg15[%mul3A_490, %dma_wait3A_496] : memref<10000x128xf32, #tpu.memory_space<vmem_shared>> -> memref<25x128xf32, #tpu.memory_space<vmem_shared>>
    %dma_wait3A_498 = arith.constant 0 : i32
    %dma_wait3A_499 = arith.constant 0 : i32
    %dma_wait3A_500 = tpu.memref_slice %arg13[%dma_wait3A_498, %dma_wait3A_499] : memref<128x128xf32, #tpu.memory_space<vmem>> -> memref<25x128xf32, #tpu.memory_space<vmem>>
    tpu.wait_dma2 semaphore(%arg20 : memref<!tpu.dma_semaphore, #tpu.memory_space<semaphore_mem>>) src(%dma_wait3A_500 : memref<25x128xf32, #tpu.memory_space<vmem>>) dst(%dma_wait3A_497 : memref<25x128xf32, #tpu.memory_space<vmem_shared>>)
    %mul3A_501 = arith.constant 625 : i32
    %mul3A_502 = arith.muli %arg1, %mul3A_501 : i32
    %dma_wait3A_503 = arith.constant 0 : i32
    %dma_wait3A_504 = arith.constant 0 : i32
    %dma_wait3A_505 = tpu.memref_slice %arg13[%dma_wait3A_503, %dma_wait3A_504] : memref<128x128xf32, #tpu.memory_space<vmem>> -> memref<25x128xf32, #tpu.memory_space<vmem>>
    %dma_wait3A_506 = arith.constant 0 : i32
    %dma_wait3A_507 = tpu.memref_slice %arg15[%mul3A_502, %dma_wait3A_506] : memref<10000x128xf32, #tpu.memory_space<vmem_shared>> -> memref<25x128xf32, #tpu.memory_space<vmem_shared>>
    %dma_wait3A_508 = arith.constant 0 : i32
    %dma_wait3A_509 = tpu.memref_slice %arg15[%mul3A_502, %dma_wait3A_508] : memref<10000x128xf32, #tpu.memory_space<vmem_shared>> -> memref<25x128xf32, #tpu.memory_space<vmem_shared>>
    %dma_wait3A_510 = arith.constant 0 : i32
    %dma_wait3A_511 = arith.constant 0 : i32
    %dma_wait3A_512 = tpu.memref_slice %arg13[%dma_wait3A_510, %dma_wait3A_511] : memref<128x128xf32, #tpu.memory_space<vmem>> -> memref<25x128xf32, #tpu.memory_space<vmem>>
    tpu.wait_dma2 semaphore(%arg20 : memref<!tpu.dma_semaphore, #tpu.memory_space<semaphore_mem>>) src(%dma_wait3A_512 : memref<25x128xf32, #tpu.memory_space<vmem>>) dst(%dma_wait3A_509 : memref<25x128xf32, #tpu.memory_space<vmem_shared>>)
    %mul3A_513 = arith.constant 625 : i32
    %mul3A_514 = arith.muli %arg1, %mul3A_513 : i32
    %dma_wait3A_515 = arith.constant 0 : i32
    %dma_wait3A_516 = arith.constant 0 : i32
    %dma_wait3A_517 = tpu.memref_slice %arg13[%dma_wait3A_515, %dma_wait3A_516] : memref<128x128xf32, #tpu.memory_space<vmem>> -> memref<25x128xf32, #tpu.memory_space<vmem>>
    %dma_wait3A_518 = arith.constant 0 : i32
    %dma_wait3A_519 = tpu.memref_slice %arg15[%mul3A_514, %dma_wait3A_518] : memref<10000x128xf32, #tpu.memory_space<vmem_shared>> -> memref<25x128xf32, #tpu.memory_space<vmem_shared>>
    %dma_wait3A_520 = arith.constant 0 : i32
    %dma_wait3A_521 = tpu.memref_slice %arg15[%mul3A_514, %dma_wait3A_520] : memref<10000x128xf32, #tpu.memory_space<vmem_shared>> -> memref<25x128xf32, #tpu.memory_space<vmem_shared>>
    %dma_wait3A_522 = arith.constant 0 : i32
    %dma_wait3A_523 = arith.constant 0 : i32
    %dma_wait3A_524 = tpu.memref_slice %arg13[%dma_wait3A_522, %dma_wait3A_523] : memref<128x128xf32, #tpu.memory_space<vmem>> -> memref<25x128xf32, #tpu.memory_space<vmem>>
    tpu.wait_dma2 semaphore(%arg20 : memref<!tpu.dma_semaphore, #tpu.memory_space<semaphore_mem>>) src(%dma_wait3A_524 : memref<25x128xf32, #tpu.memory_space<vmem>>) dst(%dma_wait3A_521 : memref<25x128xf32, #tpu.memory_space<vmem_shared>>)
    %mul3A_525 = arith.constant 625 : i32
    %mul3A_526 = arith.muli %arg1, %mul3A_525 : i32
    %dma_wait3A_527 = arith.constant 0 : i32
    %dma_wait3A_528 = arith.constant 0 : i32
    %dma_wait3A_529 = tpu.memref_slice %arg13[%dma_wait3A_527, %dma_wait3A_528] : memref<128x128xf32, #tpu.memory_space<vmem>> -> memref<25x128xf32, #tpu.memory_space<vmem>>
    %dma_wait3A_530 = arith.constant 0 : i32
    %dma_wait3A_531 = tpu.memref_slice %arg15[%mul3A_526, %dma_wait3A_530] : memref<10000x128xf32, #tpu.memory_space<vmem_shared>> -> memref<25x128xf32, #tpu.memory_space<vmem_shared>>
    %dma_wait3A_532 = arith.constant 0 : i32
    %dma_wait3A_533 = tpu.memref_slice %arg15[%mul3A_526, %dma_wait3A_532] : memref<10000x128xf32, #tpu.memory_space<vmem_shared>> -> memref<25x128xf32, #tpu.memory_space<vmem_shared>>
    %dma_wait3A_534 = arith.constant 0 : i32
    %dma_wait3A_535 = arith.constant 0 : i32
    %dma_wait3A_536 = tpu.memref_slice %arg13[%dma_wait3A_534, %dma_wait3A_535] : memref<128x128xf32, #tpu.memory_space<vmem>> -> memref<25x128xf32, #tpu.memory_space<vmem>>
    tpu.wait_dma2 semaphore(%arg20 : memref<!tpu.dma_semaphore, #tpu.memory_space<semaphore_mem>>) src(%dma_wait3A_536 : memref<25x128xf32, #tpu.memory_space<vmem>>) dst(%dma_wait3A_533 : memref<25x128xf32, #tpu.memory_space<vmem_shared>>)
    %mul3A_537 = arith.constant 625 : i32
    %mul3A_538 = arith.muli %arg1, %mul3A_537 : i32
    %dma_wait3A_539 = arith.constant 0 : i32
    %dma_wait3A_540 = arith.constant 0 : i32
    %dma_wait3A_541 = tpu.memref_slice %arg13[%dma_wait3A_539, %dma_wait3A_540] : memref<128x128xf32, #tpu.memory_space<vmem>> -> memref<25x128xf32, #tpu.memory_space<vmem>>
    %dma_wait3A_542 = arith.constant 0 : i32
    %dma_wait3A_543 = tpu.memref_slice %arg15[%mul3A_538, %dma_wait3A_542] : memref<10000x128xf32, #tpu.memory_space<vmem_shared>> -> memref<25x128xf32, #tpu.memory_space<vmem_shared>>
    %dma_wait3A_544 = arith.constant 0 : i32
    %dma_wait3A_545 = tpu.memref_slice %arg15[%mul3A_538, %dma_wait3A_544] : memref<10000x128xf32, #tpu.memory_space<vmem_shared>> -> memref<25x128xf32, #tpu.memory_space<vmem_shared>>
    %dma_wait3A_546 = arith.constant 0 : i32
    %dma_wait3A_547 = arith.constant 0 : i32
    %dma_wait3A_548 = tpu.memref_slice %arg13[%dma_wait3A_546, %dma_wait3A_547] : memref<128x128xf32, #tpu.memory_space<vmem>> -> memref<25x128xf32, #tpu.memory_space<vmem>>
    tpu.wait_dma2 semaphore(%arg20 : memref<!tpu.dma_semaphore, #tpu.memory_space<semaphore_mem>>) src(%dma_wait3A_548 : memref<25x128xf32, #tpu.memory_space<vmem>>) dst(%dma_wait3A_545 : memref<25x128xf32, #tpu.memory_space<vmem_shared>>)
    %mul3A_549 = arith.constant 625 : i32
    %mul3A_550 = arith.muli %arg1, %mul3A_549 : i32
    %dma_wait3A_551 = arith.constant 0 : i32
    %dma_wait3A_552 = arith.constant 0 : i32
    %dma_wait3A_553 = tpu.memref_slice %arg13[%dma_wait3A_551, %dma_wait3A_552] : memref<128x128xf32, #tpu.memory_space<vmem>> -> memref<25x128xf32, #tpu.memory_space<vmem>>
    %dma_wait3A_554 = arith.constant 0 : i32
    %dma_wait3A_555 = tpu.memref_slice %arg15[%mul3A_550, %dma_wait3A_554] : memref<10000x128xf32, #tpu.memory_space<vmem_shared>> -> memref<25x128xf32, #tpu.memory_space<vmem_shared>>
    %dma_wait3A_556 = arith.constant 0 : i32
    %dma_wait3A_557 = tpu.memref_slice %arg15[%mul3A_550, %dma_wait3A_556] : memref<10000x128xf32, #tpu.memory_space<vmem_shared>> -> memref<25x128xf32, #tpu.memory_space<vmem_shared>>
    %dma_wait3A_558 = arith.constant 0 : i32
    %dma_wait3A_559 = arith.constant 0 : i32
    %dma_wait3A_560 = tpu.memref_slice %arg13[%dma_wait3A_558, %dma_wait3A_559] : memref<128x128xf32, #tpu.memory_space<vmem>> -> memref<25x128xf32, #tpu.memory_space<vmem>>
    tpu.wait_dma2 semaphore(%arg20 : memref<!tpu.dma_semaphore, #tpu.memory_space<semaphore_mem>>) src(%dma_wait3A_560 : memref<25x128xf32, #tpu.memory_space<vmem>>) dst(%dma_wait3A_557 : memref<25x128xf32, #tpu.memory_space<vmem_shared>>)
    %mul3A_561 = arith.constant 625 : i32
    %mul3A_562 = arith.muli %arg1, %mul3A_561 : i32
    %dma_wait3A_563 = arith.constant 0 : i32
    %dma_wait3A_564 = arith.constant 0 : i32
    %dma_wait3A_565 = tpu.memref_slice %arg13[%dma_wait3A_563, %dma_wait3A_564] : memref<128x128xf32, #tpu.memory_space<vmem>> -> memref<25x128xf32, #tpu.memory_space<vmem>>
    %dma_wait3A_566 = arith.constant 0 : i32
    %dma_wait3A_567 = tpu.memref_slice %arg15[%mul3A_562, %dma_wait3A_566] : memref<10000x128xf32, #tpu.memory_space<vmem_shared>> -> memref<25x128xf32, #tpu.memory_space<vmem_shared>>
    %dma_wait3A_568 = arith.constant 0 : i32
    %dma_wait3A_569 = tpu.memref_slice %arg15[%mul3A_562, %dma_wait3A_568] : memref<10000x128xf32, #tpu.memory_space<vmem_shared>> -> memref<25x128xf32, #tpu.memory_space<vmem_shared>>
    %dma_wait3A_570 = arith.constant 0 : i32
    %dma_wait3A_571 = arith.constant 0 : i32
    %dma_wait3A_572 = tpu.memref_slice %arg13[%dma_wait3A_570, %dma_wait3A_571] : memref<128x128xf32, #tpu.memory_space<vmem>> -> memref<25x128xf32, #tpu.memory_space<vmem>>
    tpu.wait_dma2 semaphore(%arg20 : memref<!tpu.dma_semaphore, #tpu.memory_space<semaphore_mem>>) src(%dma_wait3A_572 : memref<25x128xf32, #tpu.memory_space<vmem>>) dst(%dma_wait3A_569 : memref<25x128xf32, #tpu.memory_space<vmem_shared>>)
    %mul3A_573 = arith.constant 625 : i32
    %mul3A_574 = arith.muli %arg1, %mul3A_573 : i32
    %dma_wait3A_575 = arith.constant 0 : i32
    %dma_wait3A_576 = arith.constant 0 : i32
    %dma_wait3A_577 = tpu.memref_slice %arg13[%dma_wait3A_575, %dma_wait3A_576] : memref<128x128xf32, #tpu.memory_space<vmem>> -> memref<25x128xf32, #tpu.memory_space<vmem>>
    %dma_wait3A_578 = arith.constant 0 : i32
    %dma_wait3A_579 = tpu.memref_slice %arg15[%mul3A_574, %dma_wait3A_578] : memref<10000x128xf32, #tpu.memory_space<vmem_shared>> -> memref<25x128xf32, #tpu.memory_space<vmem_shared>>
    %dma_wait3A_580 = arith.constant 0 : i32
    %dma_wait3A_581 = tpu.memref_slice %arg15[%mul3A_574, %dma_wait3A_580] : memref<10000x128xf32, #tpu.memory_space<vmem_shared>> -> memref<25x128xf32, #tpu.memory_space<vmem_shared>>
    %dma_wait3A_582 = arith.constant 0 : i32
    %dma_wait3A_583 = arith.constant 0 : i32
    %dma_wait3A_584 = tpu.memref_slice %arg13[%dma_wait3A_582, %dma_wait3A_583] : memref<128x128xf32, #tpu.memory_space<vmem>> -> memref<25x128xf32, #tpu.memory_space<vmem>>
    tpu.wait_dma2 semaphore(%arg20 : memref<!tpu.dma_semaphore, #tpu.memory_space<semaphore_mem>>) src(%dma_wait3A_584 : memref<25x128xf32, #tpu.memory_space<vmem>>) dst(%dma_wait3A_581 : memref<25x128xf32, #tpu.memory_space<vmem_shared>>)
    %mul3A_585 = arith.constant 625 : i32
    %mul3A_586 = arith.muli %arg1, %mul3A_585 : i32
    %dma_wait3A_587 = arith.constant 0 : i32
    %dma_wait3A_588 = arith.constant 0 : i32
    %dma_wait3A_589 = tpu.memref_slice %arg13[%dma_wait3A_587, %dma_wait3A_588] : memref<128x128xf32, #tpu.memory_space<vmem>> -> memref<25x128xf32, #tpu.memory_space<vmem>>
    %dma_wait3A_590 = arith.constant 0 : i32
    %dma_wait3A_591 = tpu.memref_slice %arg15[%mul3A_586, %dma_wait3A_590] : memref<10000x128xf32, #tpu.memory_space<vmem_shared>> -> memref<25x128xf32, #tpu.memory_space<vmem_shared>>
    %dma_wait3A_592 = arith.constant 0 : i32
    %dma_wait3A_593 = tpu.memref_slice %arg15[%mul3A_586, %dma_wait3A_592] : memref<10000x128xf32, #tpu.memory_space<vmem_shared>> -> memref<25x128xf32, #tpu.memory_space<vmem_shared>>
    %dma_wait3A_594 = arith.constant 0 : i32
    %dma_wait3A_595 = arith.constant 0 : i32
    %dma_wait3A_596 = tpu.memref_slice %arg13[%dma_wait3A_594, %dma_wait3A_595] : memref<128x128xf32, #tpu.memory_space<vmem>> -> memref<25x128xf32, #tpu.memory_space<vmem>>
    tpu.wait_dma2 semaphore(%arg20 : memref<!tpu.dma_semaphore, #tpu.memory_space<semaphore_mem>>) src(%dma_wait3A_596 : memref<25x128xf32, #tpu.memory_space<vmem>>) dst(%dma_wait3A_593 : memref<25x128xf32, #tpu.memory_space<vmem_shared>>)
    %mul3A_597 = arith.constant 625 : i32
    %mul3A_598 = arith.muli %arg1, %mul3A_597 : i32
    %dma_wait3A_599 = arith.constant 0 : i32
    %dma_wait3A_600 = arith.constant 0 : i32
    %dma_wait3A_601 = tpu.memref_slice %arg13[%dma_wait3A_599, %dma_wait3A_600] : memref<128x128xf32, #tpu.memory_space<vmem>> -> memref<25x128xf32, #tpu.memory_space<vmem>>
    %dma_wait3A_602 = arith.constant 0 : i32
    %dma_wait3A_603 = tpu.memref_slice %arg15[%mul3A_598, %dma_wait3A_602] : memref<10000x128xf32, #tpu.memory_space<vmem_shared>> -> memref<25x128xf32, #tpu.memory_space<vmem_shared>>
    %dma_wait3A_604 = arith.constant 0 : i32
    %dma_wait3A_605 = tpu.memref_slice %arg15[%mul3A_598, %dma_wait3A_604] : memref<10000x128xf32, #tpu.memory_space<vmem_shared>> -> memref<25x128xf32, #tpu.memory_space<vmem_shared>>
    %dma_wait3A_606 = arith.constant 0 : i32
    %dma_wait3A_607 = arith.constant 0 : i32
    %dma_wait3A_608 = tpu.memref_slice %arg13[%dma_wait3A_606, %dma_wait3A_607] : memref<128x128xf32, #tpu.memory_space<vmem>> -> memref<25x128xf32, #tpu.memory_space<vmem>>
    tpu.wait_dma2 semaphore(%arg20 : memref<!tpu.dma_semaphore, #tpu.memory_space<semaphore_mem>>) src(%dma_wait3A_608 : memref<25x128xf32, #tpu.memory_space<vmem>>) dst(%dma_wait3A_605 : memref<25x128xf32, #tpu.memory_space<vmem_shared>>)
    %mul3A_609 = arith.constant 625 : i32
    %mul3A_610 = arith.muli %arg1, %mul3A_609 : i32
    %dma_wait3A_611 = arith.constant 0 : i32
    %dma_wait3A_612 = arith.constant 0 : i32
    %dma_wait3A_613 = tpu.memref_slice %arg13[%dma_wait3A_611, %dma_wait3A_612] : memref<128x128xf32, #tpu.memory_space<vmem>> -> memref<25x128xf32, #tpu.memory_space<vmem>>
    %dma_wait3A_614 = arith.constant 0 : i32
    %dma_wait3A_615 = tpu.memref_slice %arg15[%mul3A_610, %dma_wait3A_614] : memref<10000x128xf32, #tpu.memory_space<vmem_shared>> -> memref<25x128xf32, #tpu.memory_space<vmem_shared>>
    %dma_wait3A_616 = arith.constant 0 : i32
    %dma_wait3A_617 = tpu.memref_slice %arg15[%mul3A_610, %dma_wait3A_616] : memref<10000x128xf32, #tpu.memory_space<vmem_shared>> -> memref<25x128xf32, #tpu.memory_space<vmem_shared>>
    %dma_wait3A_618 = arith.constant 0 : i32
    %dma_wait3A_619 = arith.constant 0 : i32
    %dma_wait3A_620 = tpu.memref_slice %arg13[%dma_wait3A_618, %dma_wait3A_619] : memref<128x128xf32, #tpu.memory_space<vmem>> -> memref<25x128xf32, #tpu.memory_space<vmem>>
    tpu.wait_dma2 semaphore(%arg20 : memref<!tpu.dma_semaphore, #tpu.memory_space<semaphore_mem>>) src(%dma_wait3A_620 : memref<25x128xf32, #tpu.memory_space<vmem>>) dst(%dma_wait3A_617 : memref<25x128xf32, #tpu.memory_space<vmem_shared>>)
    %mul3A_621 = arith.constant 625 : i32
    %mul3A_622 = arith.muli %arg1, %mul3A_621 : i32
    %dma_wait3A_623 = arith.constant 0 : i32
    %dma_wait3A_624 = arith.constant 0 : i32
    %dma_wait3A_625 = tpu.memref_slice %arg13[%dma_wait3A_623, %dma_wait3A_624] : memref<128x128xf32, #tpu.memory_space<vmem>> -> memref<25x128xf32, #tpu.memory_space<vmem>>
    %dma_wait3A_626 = arith.constant 0 : i32
    %dma_wait3A_627 = tpu.memref_slice %arg15[%mul3A_622, %dma_wait3A_626] : memref<10000x128xf32, #tpu.memory_space<vmem_shared>> -> memref<25x128xf32, #tpu.memory_space<vmem_shared>>
    %dma_wait3A_628 = arith.constant 0 : i32
    %dma_wait3A_629 = tpu.memref_slice %arg15[%mul3A_622, %dma_wait3A_628] : memref<10000x128xf32, #tpu.memory_space<vmem_shared>> -> memref<25x128xf32, #tpu.memory_space<vmem_shared>>
    %dma_wait3A_630 = arith.constant 0 : i32
    %dma_wait3A_631 = arith.constant 0 : i32
    %dma_wait3A_632 = tpu.memref_slice %arg13[%dma_wait3A_630, %dma_wait3A_631] : memref<128x128xf32, #tpu.memory_space<vmem>> -> memref<25x128xf32, #tpu.memory_space<vmem>>
    tpu.wait_dma2 semaphore(%arg20 : memref<!tpu.dma_semaphore, #tpu.memory_space<semaphore_mem>>) src(%dma_wait3A_632 : memref<25x128xf32, #tpu.memory_space<vmem>>) dst(%dma_wait3A_629 : memref<25x128xf32, #tpu.memory_space<vmem_shared>>)
    %mul3A_633 = arith.constant 625 : i32
    %mul3A_634 = arith.muli %arg1, %mul3A_633 : i32
    %dma_wait3A_635 = arith.constant 0 : i32
    %dma_wait3A_636 = arith.constant 0 : i32
    %dma_wait3A_637 = tpu.memref_slice %arg13[%dma_wait3A_635, %dma_wait3A_636] : memref<128x128xf32, #tpu.memory_space<vmem>> -> memref<25x128xf32, #tpu.memory_space<vmem>>
    %dma_wait3A_638 = arith.constant 0 : i32
    %dma_wait3A_639 = tpu.memref_slice %arg15[%mul3A_634, %dma_wait3A_638] : memref<10000x128xf32, #tpu.memory_space<vmem_shared>> -> memref<25x128xf32, #tpu.memory_space<vmem_shared>>
    %dma_wait3A_640 = arith.constant 0 : i32
    %dma_wait3A_641 = tpu.memref_slice %arg15[%mul3A_634, %dma_wait3A_640] : memref<10000x128xf32, #tpu.memory_space<vmem_shared>> -> memref<25x128xf32, #tpu.memory_space<vmem_shared>>
    %dma_wait3A_642 = arith.constant 0 : i32
    %dma_wait3A_643 = arith.constant 0 : i32
    %dma_wait3A_644 = tpu.memref_slice %arg13[%dma_wait3A_642, %dma_wait3A_643] : memref<128x128xf32, #tpu.memory_space<vmem>> -> memref<25x128xf32, #tpu.memory_space<vmem>>
    tpu.wait_dma2 semaphore(%arg20 : memref<!tpu.dma_semaphore, #tpu.memory_space<semaphore_mem>>) src(%dma_wait3A_644 : memref<25x128xf32, #tpu.memory_space<vmem>>) dst(%dma_wait3A_641 : memref<25x128xf32, #tpu.memory_space<vmem_shared>>)
    %mul3A_645 = arith.constant 625 : i32
    %mul3A_646 = arith.muli %arg1, %mul3A_645 : i32
    %dma_wait3A_647 = arith.constant 0 : i32
    %dma_wait3A_648 = arith.constant 0 : i32
    %dma_wait3A_649 = tpu.memref_slice %arg13[%dma_wait3A_647, %dma_wait3A_648] : memref<128x128xf32, #tpu.memory_space<vmem>> -> memref<25x128xf32, #tpu.memory_space<vmem>>
    %dma_wait3A_650 = arith.constant 0 : i32
    %dma_wait3A_651 = tpu.memref_slice %arg15[%mul3A_646, %dma_wait3A_650] : memref<10000x128xf32, #tpu.memory_space<vmem_shared>> -> memref<25x128xf32, #tpu.memory_space<vmem_shared>>
    %dma_wait3A_652 = arith.constant 0 : i32
    %dma_wait3A_653 = tpu.memref_slice %arg15[%mul3A_646, %dma_wait3A_652] : memref<10000x128xf32, #tpu.memory_space<vmem_shared>> -> memref<25x128xf32, #tpu.memory_space<vmem_shared>>
    %dma_wait3A_654 = arith.constant 0 : i32
    %dma_wait3A_655 = arith.constant 0 : i32
    %dma_wait3A_656 = tpu.memref_slice %arg13[%dma_wait3A_654, %dma_wait3A_655] : memref<128x128xf32, #tpu.memory_space<vmem>> -> memref<25x128xf32, #tpu.memory_space<vmem>>
    tpu.wait_dma2 semaphore(%arg20 : memref<!tpu.dma_semaphore, #tpu.memory_space<semaphore_mem>>) src(%dma_wait3A_656 : memref<25x128xf32, #tpu.memory_space<vmem>>) dst(%dma_wait3A_653 : memref<25x128xf32, #tpu.memory_space<vmem_shared>>)
    %mul3A_657 = arith.constant 625 : i32
    %mul3A_658 = arith.muli %arg1, %mul3A_657 : i32
    %dma_wait3A_659 = arith.constant 0 : i32
    %dma_wait3A_660 = arith.constant 0 : i32
    %dma_wait3A_661 = tpu.memref_slice %arg13[%dma_wait3A_659, %dma_wait3A_660] : memref<128x128xf32, #tpu.memory_space<vmem>> -> memref<25x128xf32, #tpu.memory_space<vmem>>
    %dma_wait3A_662 = arith.constant 0 : i32
    %dma_wait3A_663 = tpu.memref_slice %arg15[%mul3A_658, %dma_wait3A_662] : memref<10000x128xf32, #tpu.memory_space<vmem_shared>> -> memref<25x128xf32, #tpu.memory_space<vmem_shared>>
    %dma_wait3A_664 = arith.constant 0 : i32
    %dma_wait3A_665 = tpu.memref_slice %arg15[%mul3A_658, %dma_wait3A_664] : memref<10000x128xf32, #tpu.memory_space<vmem_shared>> -> memref<25x128xf32, #tpu.memory_space<vmem_shared>>
    %dma_wait3A_666 = arith.constant 0 : i32
    %dma_wait3A_667 = arith.constant 0 : i32
    %dma_wait3A_668 = tpu.memref_slice %arg13[%dma_wait3A_666, %dma_wait3A_667] : memref<128x128xf32, #tpu.memory_space<vmem>> -> memref<25x128xf32, #tpu.memory_space<vmem>>
    tpu.wait_dma2 semaphore(%arg20 : memref<!tpu.dma_semaphore, #tpu.memory_space<semaphore_mem>>) src(%dma_wait3A_668 : memref<25x128xf32, #tpu.memory_space<vmem>>) dst(%dma_wait3A_665 : memref<25x128xf32, #tpu.memory_space<vmem_shared>>)
    %mul3A_669 = arith.constant 625 : i32
    %mul3A_670 = arith.muli %arg1, %mul3A_669 : i32
    %dma_wait3A_671 = arith.constant 0 : i32
    %dma_wait3A_672 = arith.constant 0 : i32
    %dma_wait3A_673 = tpu.memref_slice %arg13[%dma_wait3A_671, %dma_wait3A_672] : memref<128x128xf32, #tpu.memory_space<vmem>> -> memref<25x128xf32, #tpu.memory_space<vmem>>
    %dma_wait3A_674 = arith.constant 0 : i32
    %dma_wait3A_675 = tpu.memref_slice %arg15[%mul3A_670, %dma_wait3A_674] : memref<10000x128xf32, #tpu.memory_space<vmem_shared>> -> memref<25x128xf32, #tpu.memory_space<vmem_shared>>
    %dma_wait3A_676 = arith.constant 0 : i32
    %dma_wait3A_677 = tpu.memref_slice %arg15[%mul3A_670, %dma_wait3A_676] : memref<10000x128xf32, #tpu.memory_space<vmem_shared>> -> memref<25x128xf32, #tpu.memory_space<vmem_shared>>
    %dma_wait3A_678 = arith.constant 0 : i32
    %dma_wait3A_679 = arith.constant 0 : i32
    %dma_wait3A_680 = tpu.memref_slice %arg13[%dma_wait3A_678, %dma_wait3A_679] : memref<128x128xf32, #tpu.memory_space<vmem>> -> memref<25x128xf32, #tpu.memory_space<vmem>>
    tpu.wait_dma2 semaphore(%arg20 : memref<!tpu.dma_semaphore, #tpu.memory_space<semaphore_mem>>) src(%dma_wait3A_680 : memref<25x128xf32, #tpu.memory_space<vmem>>) dst(%dma_wait3A_677 : memref<25x128xf32, #tpu.memory_space<vmem_shared>>)
    %dma_wait3A_681 = arith.constant 0 : i32
    %dma_wait3A_682 = arith.constant 0 : i32
    %dma_wait3A_683 = arith.constant 0 : i32
    %dma_wait3A_684 = tpu.memref_slice %arg3[%add3A, %dma_wait3A_681, %dma_wait3A_682, %dma_wait3A_683] : memref<32x4x20x128xi32, #tpu.memory_space<hbm>> -> memref<1x1x20x128xi32, #tpu.memory_space<hbm>>
    %dma_wait3A_685 = tpu.memref_squeeze %dma_wait3A_684 : memref<1x1x20x128xi32, #tpu.memory_space<hbm>> -> memref<20x128xi32, #tpu.memory_space<hbm>>
    %dma_wait3A_686 = arith.constant 0 : i32
    %dma_wait3A_687 = arith.constant 0 : i32
    %dma_wait3A_688 = tpu.memref_slice %arg3[%add3A, %dma_wait3A_681, %dma_wait3A_686, %dma_wait3A_687] : memref<32x4x20x128xi32, #tpu.memory_space<hbm>> -> memref<1x1x20x128xi32, #tpu.memory_space<hbm>>
    %dma_wait3A_689 = tpu.memref_squeeze %dma_wait3A_688 : memref<1x1x20x128xi32, #tpu.memory_space<hbm>> -> memref<20x128xi32, #tpu.memory_space<hbm>>
    tpu.wait_dma2 semaphore(%arg19 : memref<!tpu.dma_semaphore, #tpu.memory_space<semaphore_mem>>) src(%dma_wait3A_689 : memref<20x128xi32, #tpu.memory_space<hbm>>) dst(%arg7 : memref<20x128xi32, #tpu.memory_space<vmem>>)
    %dma_wait3A_690 = arith.constant 0 : i32
    %dma_wait3A_691 = arith.constant 0 : i32
    %dma_wait3A_692 = arith.constant 0 : i32
    %dma_wait3A_693 = tpu.memref_slice %arg4[%add3A, %dma_wait3A_690, %dma_wait3A_691, %dma_wait3A_692] : memref<32x4x20x128xi32, #tpu.memory_space<hbm>> -> memref<1x1x20x128xi32, #tpu.memory_space<hbm>>
    %dma_wait3A_694 = tpu.memref_squeeze %dma_wait3A_693 : memref<1x1x20x128xi32, #tpu.memory_space<hbm>> -> memref<20x128xi32, #tpu.memory_space<hbm>>
    %dma_wait3A_695 = arith.constant 0 : i32
    %dma_wait3A_696 = arith.constant 0 : i32
    %dma_wait3A_697 = tpu.memref_slice %arg4[%add3A, %dma_wait3A_690, %dma_wait3A_695, %dma_wait3A_696] : memref<32x4x20x128xi32, #tpu.memory_space<hbm>> -> memref<1x1x20x128xi32, #tpu.memory_space<hbm>>
    %dma_wait3A_698 = tpu.memref_squeeze %dma_wait3A_697 : memref<1x1x20x128xi32, #tpu.memory_space<hbm>> -> memref<20x128xi32, #tpu.memory_space<hbm>>
    tpu.wait_dma2 semaphore(%arg19 : memref<!tpu.dma_semaphore, #tpu.memory_space<semaphore_mem>>) src(%dma_wait3A_698 : memref<20x128xi32, #tpu.memory_space<hbm>>) dst(%arg8 : memref<20x128xi32, #tpu.memory_space<vmem>>)
    %dma_wait3A_699 = arith.constant 0 : i32
    %dma_wait3A_700 = arith.constant 0 : i32
    %dma_wait3A_701 = arith.constant 0 : i32
    %dma_wait3A_702 = tpu.memref_slice %arg5[%add3A, %dma_wait3A_699, %dma_wait3A_700, %dma_wait3A_701] : memref<32x4x20x128xf32, #tpu.memory_space<hbm>> -> memref<1x1x20x128xf32, #tpu.memory_space<hbm>>
    %dma_wait3A_703 = tpu.memref_squeeze %dma_wait3A_702 : memref<1x1x20x128xf32, #tpu.memory_space<hbm>> -> memref<20x128xf32, #tpu.memory_space<hbm>>
    %dma_wait3A_704 = arith.constant 0 : i32
    %dma_wait3A_705 = arith.constant 0 : i32
    %dma_wait3A_706 = tpu.memref_slice %arg5[%add3A, %dma_wait3A_699, %dma_wait3A_704, %dma_wait3A_705] : memref<32x4x20x128xf32, #tpu.memory_space<hbm>> -> memref<1x1x20x128xf32, #tpu.memory_space<hbm>>
    %dma_wait3A_707 = tpu.memref_squeeze %dma_wait3A_706 : memref<1x1x20x128xf32, #tpu.memory_space<hbm>> -> memref<20x128xf32, #tpu.memory_space<hbm>>
    tpu.wait_dma2 semaphore(%arg19 : memref<!tpu.dma_semaphore, #tpu.memory_space<semaphore_mem>>) src(%dma_wait3A_707 : memref<20x128xf32, #tpu.memory_space<hbm>>) dst(%arg9 : memref<20x128xf32, #tpu.memory_space<vmem>>)
    %dma_start3A_708 = arith.constant 0 : i32
    %dma_start3A_709 = arith.constant 0 : i32
    %dma_start3A_710 = tpu.memref_slice %arg7[%dma_start3A_708, %dma_start3A_709] : memref<20x128xi32, #tpu.memory_space<vmem>> -> memref<1x128xi32, #tpu.memory_space<vmem>>
    %dma_start3A_711 = tpu.memref_squeeze %dma_start3A_710 : memref<1x128xi32, #tpu.memory_space<vmem>> -> memref<128xi32, #tpu.memory_space<vmem>>
    %dma_start3A_712 = arith.constant 0 : i32
    %dma_start3A_713 = arith.constant 0 : i32
    %dma_start3A_714 = tpu.memref_slice %arg2[%dma_start3A_712, %dma_start3A_713] : memref<10000x128xf32, #tpu.memory_space<hbm>> -> memref<10000x128xf32, #tpu.memory_space<hbm>>
    tpu.enqueue_indirect_dma source(%dma_start3A_714 : memref<10000x128xf32, #tpu.memory_space<hbm>>) target(%arg13 : memref<128x128xf32, #tpu.memory_space<vmem>>) offsets(%dma_start3A_711 : memref<128xi32, #tpu.memory_space<vmem>>) semaphore(%arg16 : memref<!tpu.dma_semaphore, #tpu.memory_space<semaphore_mem>>)
    %barrier3A = arith.constant 0 : index
    tpu.barrier barrier_id(%barrier3A)
    %dma_start3A_715 = arith.constant 1 : i32
    %dma_start3A_716 = arith.constant 0 : i32
    %dma_start3A_717 = arith.constant 0 : i32
    %dma_start3A_718 = tpu.memref_slice %arg3[%add3A, %dma_start3A_715, %dma_start3A_716, %dma_start3A_717] : memref<32x4x20x128xi32, #tpu.memory_space<hbm>> -> memref<1x1x20x128xi32, #tpu.memory_space<hbm>>
    %dma_start3A_719 = tpu.memref_squeeze %dma_start3A_718 : memref<1x1x20x128xi32, #tpu.memory_space<hbm>> -> memref<20x128xi32, #tpu.memory_space<hbm>>
    %dma_start3A_720 = arith.constant 0 : i32
    %dma_start3A_721 = arith.constant 0 : i32
    %dma_start3A_722 = tpu.memref_slice %arg3[%add3A, %dma_start3A_715, %dma_start3A_720, %dma_start3A_721] : memref<32x4x20x128xi32, #tpu.memory_space<hbm>> -> memref<1x1x20x128xi32, #tpu.memory_space<hbm>>
    %dma_start3A_723 = tpu.memref_squeeze %dma_start3A_722 : memref<1x1x20x128xi32, #tpu.memory_space<hbm>> -> memref<20x128xi32, #tpu.memory_space<hbm>>
    tpu.enqueue_dma source(%dma_start3A_723 : memref<20x128xi32, #tpu.memory_space<hbm>>) target(%arg10 : memref<20x128xi32, #tpu.memory_space<vmem>>) target_semaphore(%arg19 : memref<!tpu.dma_semaphore, #tpu.memory_space<semaphore_mem>>)
    %dma_start3A_724 = arith.constant 1 : i32
    %dma_start3A_725 = arith.constant 0 : i32
    %dma_start3A_726 = arith.constant 0 : i32
    %dma_start3A_727 = tpu.memref_slice %arg4[%add3A, %dma_start3A_724, %dma_start3A_725, %dma_start3A_726] : memref<32x4x20x128xi32, #tpu.memory_space<hbm>> -> memref<1x1x20x128xi32, #tpu.memory_space<hbm>>
    %dma_start3A_728 = tpu.memref_squeeze %dma_start3A_727 : memref<1x1x20x128xi32, #tpu.memory_space<hbm>> -> memref<20x128xi32, #tpu.memory_space<hbm>>
    %dma_start3A_729 = arith.constant 0 : i32
    %dma_start3A_730 = arith.constant 0 : i32
    %dma_start3A_731 = tpu.memref_slice %arg4[%add3A, %dma_start3A_724, %dma_start3A_729, %dma_start3A_730] : memref<32x4x20x128xi32, #tpu.memory_space<hbm>> -> memref<1x1x20x128xi32, #tpu.memory_space<hbm>>
    %dma_start3A_732 = tpu.memref_squeeze %dma_start3A_731 : memref<1x1x20x128xi32, #tpu.memory_space<hbm>> -> memref<20x128xi32, #tpu.memory_space<hbm>>
    tpu.enqueue_dma source(%dma_start3A_732 : memref<20x128xi32, #tpu.memory_space<hbm>>) target(%arg11 : memref<20x128xi32, #tpu.memory_space<vmem>>) target_semaphore(%arg19 : memref<!tpu.dma_semaphore, #tpu.memory_space<semaphore_mem>>)
    %dma_start3A_733 = arith.constant 1 : i32
    %dma_start3A_734 = arith.constant 0 : i32
    %dma_start3A_735 = arith.constant 0 : i32
    %dma_start3A_736 = tpu.memref_slice %arg5[%add3A, %dma_start3A_733, %dma_start3A_734, %dma_start3A_735] : memref<32x4x20x128xf32, #tpu.memory_space<hbm>> -> memref<1x1x20x128xf32, #tpu.memory_space<hbm>>
    %dma_start3A_737 = tpu.memref_squeeze %dma_start3A_736 : memref<1x1x20x128xf32, #tpu.memory_space<hbm>> -> memref<20x128xf32, #tpu.memory_space<hbm>>
    %dma_start3A_738 = arith.constant 0 : i32
    %dma_start3A_739 = arith.constant 0 : i32
    %dma_start3A_740 = tpu.memref_slice %arg5[%add3A, %dma_start3A_733, %dma_start3A_738, %dma_start3A_739] : memref<32x4x20x128xf32, #tpu.memory_space<hbm>> -> memref<1x1x20x128xf32, #tpu.memory_space<hbm>>
    %dma_start3A_741 = tpu.memref_squeeze %dma_start3A_740 : memref<1x1x20x128xf32, #tpu.memory_space<hbm>> -> memref<20x128xf32, #tpu.memory_space<hbm>>
    tpu.enqueue_dma source(%dma_start3A_741 : memref<20x128xf32, #tpu.memory_space<hbm>>) target(%arg12 : memref<20x128xf32, #tpu.memory_space<vmem>>) target_semaphore(%arg19 : memref<!tpu.dma_semaphore, #tpu.memory_space<semaphore_mem>>)
    %scan3A_742 = arith.constant 0 : i32
    %scan3A_743 = arith.constant 0 : i32
    %scan3A_744 = arith.constant 10 : i32
    %scan3A_745 = arith.addi %scan3A_743, %scan3A_744 : i32
    %scan3A_746 = arith.constant 1 : i32
    scf.for %scan3A_927 = %scan3A_743 to %scan3A_745 step %scan3A_746  : i32 {
      %mul3A_928 = arith.constant 2 : i32
      %mul3A_929 = arith.muli %mul3A_928, %scan3A_927 : i32
      %add3A_930 = arith.constant 1 : i32
      %add3A_931 = arith.addi %mul3A_929, %add3A_930 : i32
      %dma_start3A_932 = arith.constant 0 : i32
      %dma_start3A_933 = tpu.memref_slice %arg7[%add3A_931, %dma_start3A_932] : memref<20x128xi32, #tpu.memory_space<vmem>> -> memref<1x128xi32, #tpu.memory_space<vmem>>
      %dma_start3A_934 = tpu.memref_squeeze %dma_start3A_933 : memref<1x128xi32, #tpu.memory_space<vmem>> -> memref<128xi32, #tpu.memory_space<vmem>>
      %dma_start3A_935 = arith.constant 0 : i32
      %dma_start3A_936 = arith.constant 0 : i32
      %dma_start3A_937 = tpu.memref_slice %arg2[%dma_start3A_935, %dma_start3A_936] : memref<10000x128xf32, #tpu.memory_space<hbm>> -> memref<10000x128xf32, #tpu.memory_space<hbm>>
      tpu.enqueue_indirect_dma source(%dma_start3A_937 : memref<10000x128xf32, #tpu.memory_space<hbm>>) target(%arg14 : memref<128x128xf32, #tpu.memory_space<vmem>>) offsets(%dma_start3A_934 : memref<128xi32, #tpu.memory_space<vmem>>) semaphore(%arg17 : memref<!tpu.dma_semaphore, #tpu.memory_space<semaphore_mem>>)
      %dma_wait3A_938 = arith.constant 0 : i32
      %dma_wait3A_939 = arith.constant 0 : i32
      %dma_wait3A_940 = tpu.memref_slice %arg7[%dma_wait3A_938, %dma_wait3A_939] : memref<20x128xi32, #tpu.memory_space<vmem>> -> memref<1x128xi32, #tpu.memory_space<vmem>>
      %dma_wait3A_941 = tpu.memref_squeeze %dma_wait3A_940 : memref<1x128xi32, #tpu.memory_space<vmem>> -> memref<128xi32, #tpu.memory_space<vmem>>
      %dma_wait3A_942 = arith.constant 0 : i32
      %dma_wait3A_943 = arith.constant 0 : i32
      %dma_wait3A_944 = tpu.memref_slice %arg2[%dma_wait3A_942, %dma_wait3A_943] : memref<10000x128xf32, #tpu.memory_space<hbm>> -> memref<10000x128xf32, #tpu.memory_space<hbm>>
      tpu.wait_indirect_dma semaphore(%arg16 : memref<!tpu.dma_semaphore, #tpu.memory_space<semaphore_mem>>) src(%dma_wait3A_944 : memref<10000x128xf32, #tpu.memory_space<hbm>>) dst(%arg13 : memref<128x128xf32, #tpu.memory_space<vmem>>)
      %dma_start3A_945 = arith.constant 0 : i32
      %dma_start3A_946 = tpu.memref_slice %arg8[%mul3A_929, %dma_start3A_945] : memref<20x128xi32, #tpu.memory_space<vmem>> -> memref<1x128xi32, #tpu.memory_space<vmem>>
      %dma_start3A_947 = tpu.memref_squeeze %dma_start3A_946 : memref<1x128xi32, #tpu.memory_space<vmem>> -> memref<128xi32, #tpu.memory_space<vmem>>
      %dma_start3A_948 = arith.constant 0 : i32
      %dma_start3A_949 = arith.constant 0 : i32
      %dma_start3A_950 = tpu.memref_slice %arg15[%dma_start3A_948, %dma_start3A_949] : memref<10000x128xf32, #tpu.memory_space<vmem_shared>> -> memref<10000x128xf32, #tpu.memory_space<vmem_shared>>
      tpu.enqueue_indirect_dma source(%arg13 : memref<128x128xf32, #tpu.memory_space<vmem>>) target(%dma_start3A_950 : memref<10000x128xf32, #tpu.memory_space<vmem_shared>>) offsets(%dma_start3A_947 : memref<128xi32, #tpu.memory_space<vmem>>) semaphore(%arg18 : memref<!tpu.dma_semaphore, #tpu.memory_space<semaphore_mem>>) {add = true}
      %dma_wait3A_951 = arith.constant 0 : i32
      %dma_wait3A_952 = arith.constant 0 : i32
      %dma_wait3A_953 = tpu.memref_slice %arg7[%dma_wait3A_951, %dma_wait3A_952] : memref<20x128xi32, #tpu.memory_space<vmem>> -> memref<1x128xi32, #tpu.memory_space<vmem>>
      %dma_wait3A_954 = tpu.memref_squeeze %dma_wait3A_953 : memref<1x128xi32, #tpu.memory_space<vmem>> -> memref<128xi32, #tpu.memory_space<vmem>>
      %dma_wait3A_955 = arith.constant 0 : i32
      %dma_wait3A_956 = arith.constant 0 : i32
      %dma_wait3A_957 = tpu.memref_slice %arg2[%dma_wait3A_955, %dma_wait3A_956] : memref<10000x128xf32, #tpu.memory_space<hbm>> -> memref<10000x128xf32, #tpu.memory_space<hbm>>
      tpu.wait_indirect_dma semaphore(%arg17 : memref<!tpu.dma_semaphore, #tpu.memory_space<semaphore_mem>>) src(%dma_wait3A_957 : memref<10000x128xf32, #tpu.memory_space<hbm>>) dst(%arg14 : memref<128x128xf32, #tpu.memory_space<vmem>>)
      %dma_wait3A_958 = arith.constant 0 : i32
      %dma_wait3A_959 = arith.constant 0 : i32
      %dma_wait3A_960 = tpu.memref_slice %arg8[%dma_wait3A_958, %dma_wait3A_959] : memref<20x128xi32, #tpu.memory_space<vmem>> -> memref<1x128xi32, #tpu.memory_space<vmem>>
      %dma_wait3A_961 = tpu.memref_squeeze %dma_wait3A_960 : memref<1x128xi32, #tpu.memory_space<vmem>> -> memref<128xi32, #tpu.memory_space<vmem>>
      %dma_wait3A_962 = arith.constant 0 : i32
      %dma_wait3A_963 = arith.constant 0 : i32
      %dma_wait3A_964 = tpu.memref_slice %arg15[%dma_wait3A_962, %dma_wait3A_963] : memref<10000x128xf32, #tpu.memory_space<vmem_shared>> -> memref<10000x128xf32, #tpu.memory_space<vmem_shared>>
      tpu.wait_indirect_dma semaphore(%arg18 : memref<!tpu.dma_semaphore, #tpu.memory_space<semaphore_mem>>) src(%arg13 : memref<128x128xf32, #tpu.memory_space<vmem>>) dst(%dma_wait3A_964 : memref<10000x128xf32, #tpu.memory_space<vmem_shared>>)
      %lt3A = arith.constant 9 : i32
      %lt3A_965 = arith.cmpi slt, %scan3A_927, %lt3A : i32
      %convert_element_type3A = arith.extui %lt3A_965 : i1 to i32
      %cond3A = arith.constant 0 : i32
      %cond3A_966 = arith.cmpi ne, %convert_element_type3A, %cond3A : i32
      scf.if %cond3A_966 {
        %add3A_969 = arith.constant 2 : i32
        %add3A_970 = arith.addi %mul3A_929, %add3A_969 : i32
        %dma_start3A_971 = arith.constant 0 : i32
        %dma_start3A_972 = tpu.memref_slice %arg7[%add3A_970, %dma_start3A_971] : memref<20x128xi32, #tpu.memory_space<vmem>> -> memref<1x128xi32, #tpu.memory_space<vmem>>
        %dma_start3A_973 = tpu.memref_squeeze %dma_start3A_972 : memref<1x128xi32, #tpu.memory_space<vmem>> -> memref<128xi32, #tpu.memory_space<vmem>>
        %dma_start3A_974 = arith.constant 0 : i32
        %dma_start3A_975 = arith.constant 0 : i32
        %dma_start3A_976 = tpu.memref_slice %arg2[%dma_start3A_974, %dma_start3A_975] : memref<10000x128xf32, #tpu.memory_space<hbm>> -> memref<10000x128xf32, #tpu.memory_space<hbm>>
        tpu.enqueue_indirect_dma source(%dma_start3A_976 : memref<10000x128xf32, #tpu.memory_space<hbm>>) target(%arg13 : memref<128x128xf32, #tpu.memory_space<vmem>>) offsets(%dma_start3A_973 : memref<128xi32, #tpu.memory_space<vmem>>) semaphore(%arg16 : memref<!tpu.dma_semaphore, #tpu.memory_space<semaphore_mem>>)
      } else {
      }
      %add3A_967 = arith.constant 1 : i32
      %add3A_968 = arith.addi %mul3A_929, %add3A_967 : i32
      "tpu.region"() ({
        %run_scoped3A = tpu.sem_alloc : memref<!tpu.dma_semaphore, #tpu.memory_space<semaphore_mem>>
        %dma_start3A_969 = arith.constant 0 : i32
        %dma_start3A_970 = tpu.memref_slice %arg8[%add3A_968, %dma_start3A_969] : memref<20x128xi32, #tpu.memory_space<vmem>> -> memref<1x128xi32, #tpu.memory_space<vmem>>
        %dma_start3A_971 = tpu.memref_squeeze %dma_start3A_970 : memref<1x128xi32, #tpu.memory_space<vmem>> -> memref<128xi32, #tpu.memory_space<vmem>>
        %dma_start3A_972 = arith.constant 0 : i32
        %dma_start3A_973 = arith.constant 0 : i32
        %dma_start3A_974 = tpu.memref_slice %arg15[%dma_start3A_972, %dma_start3A_973] : memref<10000x128xf32, #tpu.memory_space<vmem_shared>> -> memref<10000x128xf32, #tpu.memory_space<vmem_shared>>
        tpu.enqueue_indirect_dma source(%arg14 : memref<128x128xf32, #tpu.memory_space<vmem>>) target(%dma_start3A_974 : memref<10000x128xf32, #tpu.memory_space<vmem_shared>>) offsets(%dma_start3A_971 : memref<128xi32, #tpu.memory_space<vmem>>) semaphore(%run_scoped3A : memref<!tpu.dma_semaphore, #tpu.memory_space<semaphore_mem>>) {add = true}
        %dma_wait3A_975 = arith.constant 0 : i32
        %dma_wait3A_976 = tpu.memref_slice %arg8[%add3A_968, %dma_wait3A_975] : memref<20x128xi32, #tpu.memory_space<vmem>> -> memref<1x128xi32, #tpu.memory_space<vmem>>
        %dma_wait3A_977 = tpu.memref_squeeze %dma_wait3A_976 : memref<1x128xi32, #tpu.memory_space<vmem>> -> memref<128xi32, #tpu.memory_space<vmem>>
        %dma_wait3A_978 = arith.constant 0 : i32
        %dma_wait3A_979 = arith.constant 0 : i32
        %dma_wait3A_980 = tpu.memref_slice %arg15[%dma_wait3A_978, %dma_wait3A_979] : memref<10000x128xf32, #tpu.memory_space<vmem_shared>> -> memref<10000x128xf32, #tpu.memory_space<vmem_shared>>
        tpu.wait_indirect_dma semaphore(%run_scoped3A : memref<!tpu.dma_semaphore, #tpu.memory_space<semaphore_mem>>) src(%arg14 : memref<128x128xf32, #tpu.memory_space<vmem>>) dst(%dma_wait3A_980 : memref<10000x128xf32, #tpu.memory_space<vmem_shared>>)
        tpu.yield
      }) : () -> ()
    }
    %scan3A_747 = arith.constant 10 : i32
    %dma_wait3A_748 = arith.constant 0 : i32
    %dma_wait3A_749 = arith.constant 0 : i32
    %dma_wait3A_750 = arith.constant 0 : i32
    %dma_wait3A_751 = tpu.memref_slice %arg3[%add3A, %dma_wait3A_748, %dma_wait3A_749, %dma_wait3A_750] : memref<32x4x20x128xi32, #tpu.memory_space<hbm>> -> memref<1x1x20x128xi32, #tpu.memory_space<hbm>>
    %dma_wait3A_752 = tpu.memref_squeeze %dma_wait3A_751 : memref<1x1x20x128xi32, #tpu.memory_space<hbm>> -> memref<20x128xi32, #tpu.memory_space<hbm>>
    %dma_wait3A_753 = arith.constant 0 : i32
    %dma_wait3A_754 = arith.constant 0 : i32
    %dma_wait3A_755 = tpu.memref_slice %arg3[%add3A, %dma_wait3A_748, %dma_wait3A_753, %dma_wait3A_754] : memref<32x4x20x128xi32, #tpu.memory_space<hbm>> -> memref<1x1x20x128xi32, #tpu.memory_space<hbm>>
    %dma_wait3A_756 = tpu.memref_squeeze %dma_wait3A_755 : memref<1x1x20x128xi32, #tpu.memory_space<hbm>> -> memref<20x128xi32, #tpu.memory_space<hbm>>
    tpu.wait_dma2 semaphore(%arg19 : memref<!tpu.dma_semaphore, #tpu.memory_space<semaphore_mem>>) src(%dma_wait3A_756 : memref<20x128xi32, #tpu.memory_space<hbm>>) dst(%arg10 : memref<20x128xi32, #tpu.memory_space<vmem>>)
    %dma_wait3A_757 = arith.constant 0 : i32
    %dma_wait3A_758 = arith.constant 0 : i32
    %dma_wait3A_759 = arith.constant 0 : i32
    %dma_wait3A_760 = tpu.memref_slice %arg4[%add3A, %dma_wait3A_757, %dma_wait3A_758, %dma_wait3A_759] : memref<32x4x20x128xi32, #tpu.memory_space<hbm>> -> memref<1x1x20x128xi32, #tpu.memory_space<hbm>>
    %dma_wait3A_761 = tpu.memref_squeeze %dma_wait3A_760 : memref<1x1x20x128xi32, #tpu.memory_space<hbm>> -> memref<20x128xi32, #tpu.memory_space<hbm>>
    %dma_wait3A_762 = arith.constant 0 : i32
    %dma_wait3A_763 = arith.constant 0 : i32
    %dma_wait3A_764 = tpu.memref_slice %arg4[%add3A, %dma_wait3A_757, %dma_wait3A_762, %dma_wait3A_763] : memref<32x4x20x128xi32, #tpu.memory_space<hbm>> -> memref<1x1x20x128xi32, #tpu.memory_space<hbm>>
    %dma_wait3A_765 = tpu.memref_squeeze %dma_wait3A_764 : memref<1x1x20x128xi32, #tpu.memory_space<hbm>> -> memref<20x128xi32, #tpu.memory_space<hbm>>
    tpu.wait_dma2 semaphore(%arg19 : memref<!tpu.dma_semaphore, #tpu.memory_space<semaphore_mem>>) src(%dma_wait3A_765 : memref<20x128xi32, #tpu.memory_space<hbm>>) dst(%arg11 : memref<20x128xi32, #tpu.memory_space<vmem>>)
    %dma_wait3A_766 = arith.constant 0 : i32
    %dma_wait3A_767 = arith.constant 0 : i32
    %dma_wait3A_768 = arith.constant 0 : i32
    %dma_wait3A_769 = tpu.memref_slice %arg5[%add3A, %dma_wait3A_766, %dma_wait3A_767, %dma_wait3A_768] : memref<32x4x20x128xf32, #tpu.memory_space<hbm>> -> memref<1x1x20x128xf32, #tpu.memory_space<hbm>>
    %dma_wait3A_770 = tpu.memref_squeeze %dma_wait3A_769 : memref<1x1x20x128xf32, #tpu.memory_space<hbm>> -> memref<20x128xf32, #tpu.memory_space<hbm>>
    %dma_wait3A_771 = arith.constant 0 : i32
    %dma_wait3A_772 = arith.constant 0 : i32
    %dma_wait3A_773 = tpu.memref_slice %arg5[%add3A, %dma_wait3A_766, %dma_wait3A_771, %dma_wait3A_772] : memref<32x4x20x128xf32, #tpu.memory_space<hbm>> -> memref<1x1x20x128xf32, #tpu.memory_space<hbm>>
    %dma_wait3A_774 = tpu.memref_squeeze %dma_wait3A_773 : memref<1x1x20x128xf32, #tpu.memory_space<hbm>> -> memref<20x128xf32, #tpu.memory_space<hbm>>
    tpu.wait_dma2 semaphore(%arg19 : memref<!tpu.dma_semaphore, #tpu.memory_space<semaphore_mem>>) src(%dma_wait3A_774 : memref<20x128xf32, #tpu.memory_space<hbm>>) dst(%arg12 : memref<20x128xf32, #tpu.memory_space<vmem>>)
    %dma_start3A_775 = arith.constant 0 : i32
    %dma_start3A_776 = arith.constant 0 : i32
    %dma_start3A_777 = tpu.memref_slice %arg10[%dma_start3A_775, %dma_start3A_776] : memref<20x128xi32, #tpu.memory_space<vmem>> -> memref<1x128xi32, #tpu.memory_space<vmem>>
    %dma_start3A_778 = tpu.memref_squeeze %dma_start3A_777 : memref<1x128xi32, #tpu.memory_space<vmem>> -> memref<128xi32, #tpu.memory_space<vmem>>
    %dma_start3A_779 = arith.constant 0 : i32
    %dma_start3A_780 = arith.constant 0 : i32
    %dma_start3A_781 = tpu.memref_slice %arg2[%dma_start3A_779, %dma_start3A_780] : memref<10000x128xf32, #tpu.memory_space<hbm>> -> memref<10000x128xf32, #tpu.memory_space<hbm>>
    tpu.enqueue_indirect_dma source(%dma_start3A_781 : memref<10000x128xf32, #tpu.memory_space<hbm>>) target(%arg13 : memref<128x128xf32, #tpu.memory_space<vmem>>) offsets(%dma_start3A_778 : memref<128xi32, #tpu.memory_space<vmem>>) semaphore(%arg16 : memref<!tpu.dma_semaphore, #tpu.memory_space<semaphore_mem>>)
    %dma_start3A_782 = arith.constant 2 : i32
    %dma_start3A_783 = arith.constant 0 : i32
    %dma_start3A_784 = arith.constant 0 : i32
    %dma_start3A_785 = tpu.memref_slice %arg3[%add3A, %dma_start3A_782, %dma_start3A_783, %dma_start3A_784] : memref<32x4x20x128xi32, #tpu.memory_space<hbm>> -> memref<1x1x20x128xi32, #tpu.memory_space<hbm>>
    %dma_start3A_786 = tpu.memref_squeeze %dma_start3A_785 : memref<1x1x20x128xi32, #tpu.memory_space<hbm>> -> memref<20x128xi32, #tpu.memory_space<hbm>>
    %dma_start3A_787 = arith.constant 0 : i32
    %dma_start3A_788 = arith.constant 0 : i32
    %dma_start3A_789 = tpu.memref_slice %arg3[%add3A, %dma_start3A_782, %dma_start3A_787, %dma_start3A_788] : memref<32x4x20x128xi32, #tpu.memory_space<hbm>> -> memref<1x1x20x128xi32, #tpu.memory_space<hbm>>
    %dma_start3A_790 = tpu.memref_squeeze %dma_start3A_789 : memref<1x1x20x128xi32, #tpu.memory_space<hbm>> -> memref<20x128xi32, #tpu.memory_space<hbm>>
    tpu.enqueue_dma source(%dma_start3A_790 : memref<20x128xi32, #tpu.memory_space<hbm>>) target(%arg7 : memref<20x128xi32, #tpu.memory_space<vmem>>) target_semaphore(%arg19 : memref<!tpu.dma_semaphore, #tpu.memory_space<semaphore_mem>>)
    %dma_start3A_791 = arith.constant 2 : i32
    %dma_start3A_792 = arith.constant 0 : i32
    %dma_start3A_793 = arith.constant 0 : i32
    %dma_start3A_794 = tpu.memref_slice %arg4[%add3A, %dma_start3A_791, %dma_start3A_792, %dma_start3A_793] : memref<32x4x20x128xi32, #tpu.memory_space<hbm>> -> memref<1x1x20x128xi32, #tpu.memory_space<hbm>>
    %dma_start3A_795 = tpu.memref_squeeze %dma_start3A_794 : memref<1x1x20x128xi32, #tpu.memory_space<hbm>> -> memref<20x128xi32, #tpu.memory_space<hbm>>
    %dma_start3A_796 = arith.constant 0 : i32
    %dma_start3A_797 = arith.constant 0 : i32
    %dma_start3A_798 = tpu.memref_slice %arg4[%add3A, %dma_start3A_791, %dma_start3A_796, %dma_start3A_797] : memref<32x4x20x128xi32, #tpu.memory_space<hbm>> -> memref<1x1x20x128xi32, #tpu.memory_space<hbm>>
    %dma_start3A_799 = tpu.memref_squeeze %dma_start3A_798 : memref<1x1x20x128xi32, #tpu.memory_space<hbm>> -> memref<20x128xi32, #tpu.memory_space<hbm>>
    tpu.enqueue_dma source(%dma_start3A_799 : memref<20x128xi32, #tpu.memory_space<hbm>>) target(%arg8 : memref<20x128xi32, #tpu.memory_space<vmem>>) target_semaphore(%arg19 : memref<!tpu.dma_semaphore, #tpu.memory_space<semaphore_mem>>)
    %dma_start3A_800 = arith.constant 2 : i32
    %dma_start3A_801 = arith.constant 0 : i32
    %dma_start3A_802 = arith.constant 0 : i32
    %dma_start3A_803 = tpu.memref_slice %arg5[%add3A, %dma_start3A_800, %dma_start3A_801, %dma_start3A_802] : memref<32x4x20x128xf32, #tpu.memory_space<hbm>> -> memref<1x1x20x128xf32, #tpu.memory_space<hbm>>
    %dma_start3A_804 = tpu.memref_squeeze %dma_start3A_803 : memref<1x1x20x128xf32, #tpu.memory_space<hbm>> -> memref<20x128xf32, #tpu.memory_space<hbm>>
    %dma_start3A_805 = arith.constant 0 : i32
    %dma_start3A_806 = arith.constant 0 : i32
    %dma_start3A_807 = tpu.memref_slice %arg5[%add3A, %dma_start3A_800, %dma_start3A_805, %dma_start3A_806] : memref<32x4x20x128xf32, #tpu.memory_space<hbm>> -> memref<1x1x20x128xf32, #tpu.memory_space<hbm>>
    %dma_start3A_808 = tpu.memref_squeeze %dma_start3A_807 : memref<1x1x20x128xf32, #tpu.memory_space<hbm>> -> memref<20x128xf32, #tpu.memory_space<hbm>>
    tpu.enqueue_dma source(%dma_start3A_808 : memref<20x128xf32, #tpu.memory_space<hbm>>) target(%arg9 : memref<20x128xf32, #tpu.memory_space<vmem>>) target_semaphore(%arg19 : memref<!tpu.dma_semaphore, #tpu.memory_space<semaphore_mem>>)
    %scan3A_809 = arith.constant 0 : i32
    %scan3A_810 = arith.constant 0 : i32
    %scan3A_811 = arith.constant 10 : i32
    %scan3A_812 = arith.addi %scan3A_810, %scan3A_811 : i32
    %scan3A_813 = arith.constant 1 : i32
    scf.for %scan3A_927 = %scan3A_810 to %scan3A_812 step %scan3A_813  : i32 {
      %mul3A_928 = arith.constant 2 : i32
      %mul3A_929 = arith.muli %mul3A_928, %scan3A_927 : i32
      %add3A_930 = arith.constant 1 : i32
      %add3A_931 = arith.addi %mul3A_929, %add3A_930 : i32
      %dma_start3A_932 = arith.constant 0 : i32
      %dma_start3A_933 = tpu.memref_slice %arg10[%add3A_931, %dma_start3A_932] : memref<20x128xi32, #tpu.memory_space<vmem>> -> memref<1x128xi32, #tpu.memory_space<vmem>>
      %dma_start3A_934 = tpu.memref_squeeze %dma_start3A_933 : memref<1x128xi32, #tpu.memory_space<vmem>> -> memref<128xi32, #tpu.memory_space<vmem>>
      %dma_start3A_935 = arith.constant 0 : i32
      %dma_start3A_936 = arith.constant 0 : i32
      %dma_start3A_937 = tpu.memref_slice %arg2[%dma_start3A_935, %dma_start3A_936] : memref<10000x128xf32, #tpu.memory_space<hbm>> -> memref<10000x128xf32, #tpu.memory_space<hbm>>
      tpu.enqueue_indirect_dma source(%dma_start3A_937 : memref<10000x128xf32, #tpu.memory_space<hbm>>) target(%arg14 : memref<128x128xf32, #tpu.memory_space<vmem>>) offsets(%dma_start3A_934 : memref<128xi32, #tpu.memory_space<vmem>>) semaphore(%arg17 : memref<!tpu.dma_semaphore, #tpu.memory_space<semaphore_mem>>)
      %dma_wait3A_938 = arith.constant 0 : i32
      %dma_wait3A_939 = arith.constant 0 : i32
      %dma_wait3A_940 = tpu.memref_slice %arg7[%dma_wait3A_938, %dma_wait3A_939] : memref<20x128xi32, #tpu.memory_space<vmem>> -> memref<1x128xi32, #tpu.memory_space<vmem>>
      %dma_wait3A_941 = tpu.memref_squeeze %dma_wait3A_940 : memref<1x128xi32, #tpu.memory_space<vmem>> -> memref<128xi32, #tpu.memory_space<vmem>>
      %dma_wait3A_942 = arith.constant 0 : i32
      %dma_wait3A_943 = arith.constant 0 : i32
      %dma_wait3A_944 = tpu.memref_slice %arg2[%dma_wait3A_942, %dma_wait3A_943] : memref<10000x128xf32, #tpu.memory_space<hbm>> -> memref<10000x128xf32, #tpu.memory_space<hbm>>
      tpu.wait_indirect_dma semaphore(%arg16 : memref<!tpu.dma_semaphore, #tpu.memory_space<semaphore_mem>>) src(%dma_wait3A_944 : memref<10000x128xf32, #tpu.memory_space<hbm>>) dst(%arg13 : memref<128x128xf32, #tpu.memory_space<vmem>>)
      %dma_start3A_945 = arith.constant 0 : i32
      %dma_start3A_946 = tpu.memref_slice %arg11[%mul3A_929, %dma_start3A_945] : memref<20x128xi32, #tpu.memory_space<vmem>> -> memref<1x128xi32, #tpu.memory_space<vmem>>
      %dma_start3A_947 = tpu.memref_squeeze %dma_start3A_946 : memref<1x128xi32, #tpu.memory_space<vmem>> -> memref<128xi32, #tpu.memory_space<vmem>>
      %dma_start3A_948 = arith.constant 0 : i32
      %dma_start3A_949 = arith.constant 0 : i32
      %dma_start3A_950 = tpu.memref_slice %arg15[%dma_start3A_948, %dma_start3A_949] : memref<10000x128xf32, #tpu.memory_space<vmem_shared>> -> memref<10000x128xf32, #tpu.memory_space<vmem_shared>>
      tpu.enqueue_indirect_dma source(%arg13 : memref<128x128xf32, #tpu.memory_space<vmem>>) target(%dma_start3A_950 : memref<10000x128xf32, #tpu.memory_space<vmem_shared>>) offsets(%dma_start3A_947 : memref<128xi32, #tpu.memory_space<vmem>>) semaphore(%arg18 : memref<!tpu.dma_semaphore, #tpu.memory_space<semaphore_mem>>) {add = true}
      %dma_wait3A_951 = arith.constant 0 : i32
      %dma_wait3A_952 = arith.constant 0 : i32
      %dma_wait3A_953 = tpu.memref_slice %arg7[%dma_wait3A_951, %dma_wait3A_952] : memref<20x128xi32, #tpu.memory_space<vmem>> -> memref<1x128xi32, #tpu.memory_space<vmem>>
      %dma_wait3A_954 = tpu.memref_squeeze %dma_wait3A_953 : memref<1x128xi32, #tpu.memory_space<vmem>> -> memref<128xi32, #tpu.memory_space<vmem>>
      %dma_wait3A_955 = arith.constant 0 : i32
      %dma_wait3A_956 = arith.constant 0 : i32
      %dma_wait3A_957 = tpu.memref_slice %arg2[%dma_wait3A_955, %dma_wait3A_956] : memref<10000x128xf32, #tpu.memory_space<hbm>> -> memref<10000x128xf32, #tpu.memory_space<hbm>>
      tpu.wait_indirect_dma semaphore(%arg17 : memref<!tpu.dma_semaphore, #tpu.memory_space<semaphore_mem>>) src(%dma_wait3A_957 : memref<10000x128xf32, #tpu.memory_space<hbm>>) dst(%arg14 : memref<128x128xf32, #tpu.memory_space<vmem>>)
      %dma_wait3A_958 = arith.constant 0 : i32
      %dma_wait3A_959 = arith.constant 0 : i32
      %dma_wait3A_960 = tpu.memref_slice %arg11[%dma_wait3A_958, %dma_wait3A_959] : memref<20x128xi32, #tpu.memory_space<vmem>> -> memref<1x128xi32, #tpu.memory_space<vmem>>
      %dma_wait3A_961 = tpu.memref_squeeze %dma_wait3A_960 : memref<1x128xi32, #tpu.memory_space<vmem>> -> memref<128xi32, #tpu.memory_space<vmem>>
      %dma_wait3A_962 = arith.constant 0 : i32
      %dma_wait3A_963 = arith.constant 0 : i32
      %dma_wait3A_964 = tpu.memref_slice %arg15[%dma_wait3A_962, %dma_wait3A_963] : memref<10000x128xf32, #tpu.memory_space<vmem_shared>> -> memref<10000x128xf32, #tpu.memory_space<vmem_shared>>
      tpu.wait_indirect_dma semaphore(%arg18 : memref<!tpu.dma_semaphore, #tpu.memory_space<semaphore_mem>>) src(%arg13 : memref<128x128xf32, #tpu.memory_space<vmem>>) dst(%dma_wait3A_964 : memref<10000x128xf32, #tpu.memory_space<vmem_shared>>)
      %lt3A = arith.constant 9 : i32
      %lt3A_965 = arith.cmpi slt, %scan3A_927, %lt3A : i32
      %convert_element_type3A = arith.extui %lt3A_965 : i1 to i32
      %cond3A = arith.constant 0 : i32
      %cond3A_966 = arith.cmpi ne, %convert_element_type3A, %cond3A : i32
      scf.if %cond3A_966 {
        %add3A_969 = arith.constant 2 : i32
        %add3A_970 = arith.addi %mul3A_929, %add3A_969 : i32
        %dma_start3A_971 = arith.constant 0 : i32
        %dma_start3A_972 = tpu.memref_slice %arg10[%add3A_970, %dma_start3A_971] : memref<20x128xi32, #tpu.memory_space<vmem>> -> memref<1x128xi32, #tpu.memory_space<vmem>>
        %dma_start3A_973 = tpu.memref_squeeze %dma_start3A_972 : memref<1x128xi32, #tpu.memory_space<vmem>> -> memref<128xi32, #tpu.memory_space<vmem>>
        %dma_start3A_974 = arith.constant 0 : i32
        %dma_start3A_975 = arith.constant 0 : i32
        %dma_start3A_976 = tpu.memref_slice %arg2[%dma_start3A_974, %dma_start3A_975] : memref<10000x128xf32, #tpu.memory_space<hbm>> -> memref<10000x128xf32, #tpu.memory_space<hbm>>
        tpu.enqueue_indirect_dma source(%dma_start3A_976 : memref<10000x128xf32, #tpu.memory_space<hbm>>) target(%arg13 : memref<128x128xf32, #tpu.memory_space<vmem>>) offsets(%dma_start3A_973 : memref<128xi32, #tpu.memory_space<vmem>>) semaphore(%arg16 : memref<!tpu.dma_semaphore, #tpu.memory_space<semaphore_mem>>)
      } else {
      }
      %add3A_967 = arith.constant 1 : i32
      %add3A_968 = arith.addi %mul3A_929, %add3A_967 : i32
      "tpu.region"() ({
        %run_scoped3A = tpu.sem_alloc : memref<!tpu.dma_semaphore, #tpu.memory_space<semaphore_mem>>
        %dma_start3A_969 = arith.constant 0 : i32
        %dma_start3A_970 = tpu.memref_slice %arg11[%add3A_968, %dma_start3A_969] : memref<20x128xi32, #tpu.memory_space<vmem>> -> memref<1x128xi32, #tpu.memory_space<vmem>>
        %dma_start3A_971 = tpu.memref_squeeze %dma_start3A_970 : memref<1x128xi32, #tpu.memory_space<vmem>> -> memref<128xi32, #tpu.memory_space<vmem>>
        %dma_start3A_972 = arith.constant 0 : i32
        %dma_start3A_973 = arith.constant 0 : i32
        %dma_start3A_974 = tpu.memref_slice %arg15[%dma_start3A_972, %dma_start3A_973] : memref<10000x128xf32, #tpu.memory_space<vmem_shared>> -> memref<10000x128xf32, #tpu.memory_space<vmem_shared>>
        tpu.enqueue_indirect_dma source(%arg14 : memref<128x128xf32, #tpu.memory_space<vmem>>) target(%dma_start3A_974 : memref<10000x128xf32, #tpu.memory_space<vmem_shared>>) offsets(%dma_start3A_971 : memref<128xi32, #tpu.memory_space<vmem>>) semaphore(%run_scoped3A : memref<!tpu.dma_semaphore, #tpu.memory_space<semaphore_mem>>) {add = true}
        %dma_wait3A_975 = arith.constant 0 : i32
        %dma_wait3A_976 = tpu.memref_slice %arg11[%add3A_968, %dma_wait3A_975] : memref<20x128xi32, #tpu.memory_space<vmem>> -> memref<1x128xi32, #tpu.memory_space<vmem>>
        %dma_wait3A_977 = tpu.memref_squeeze %dma_wait3A_976 : memref<1x128xi32, #tpu.memory_space<vmem>> -> memref<128xi32, #tpu.memory_space<vmem>>
        %dma_wait3A_978 = arith.constant 0 : i32
        %dma_wait3A_979 = arith.constant 0 : i32
        %dma_wait3A_980 = tpu.memref_slice %arg15[%dma_wait3A_978, %dma_wait3A_979] : memref<10000x128xf32, #tpu.memory_space<vmem_shared>> -> memref<10000x128xf32, #tpu.memory_space<vmem_shared>>
        tpu.wait_indirect_dma semaphore(%run_scoped3A : memref<!tpu.dma_semaphore, #tpu.memory_space<semaphore_mem>>) src(%arg14 : memref<128x128xf32, #tpu.memory_space<vmem>>) dst(%dma_wait3A_980 : memref<10000x128xf32, #tpu.memory_space<vmem_shared>>)
        tpu.yield
      }) : () -> ()
    }
    %scan3A_814 = arith.constant 10 : i32
    %dma_wait3A_815 = arith.constant 0 : i32
    %dma_wait3A_816 = arith.constant 0 : i32
    %dma_wait3A_817 = arith.constant 0 : i32
    %dma_wait3A_818 = tpu.memref_slice %arg3[%add3A, %dma_wait3A_815, %dma_wait3A_816, %dma_wait3A_817] : memref<32x4x20x128xi32, #tpu.memory_space<hbm>> -> memref<1x1x20x128xi32, #tpu.memory_space<hbm>>
    %dma_wait3A_819 = tpu.memref_squeeze %dma_wait3A_818 : memref<1x1x20x128xi32, #tpu.memory_space<hbm>> -> memref<20x128xi32, #tpu.memory_space<hbm>>
    %dma_wait3A_820 = arith.constant 0 : i32
    %dma_wait3A_821 = arith.constant 0 : i32
    %dma_wait3A_822 = tpu.memref_slice %arg3[%add3A, %dma_wait3A_815, %dma_wait3A_820, %dma_wait3A_821] : memref<32x4x20x128xi32, #tpu.memory_space<hbm>> -> memref<1x1x20x128xi32, #tpu.memory_space<hbm>>
    %dma_wait3A_823 = tpu.memref_squeeze %dma_wait3A_822 : memref<1x1x20x128xi32, #tpu.memory_space<hbm>> -> memref<20x128xi32, #tpu.memory_space<hbm>>
    tpu.wait_dma2 semaphore(%arg19 : memref<!tpu.dma_semaphore, #tpu.memory_space<semaphore_mem>>) src(%dma_wait3A_823 : memref<20x128xi32, #tpu.memory_space<hbm>>) dst(%arg7 : memref<20x128xi32, #tpu.memory_space<vmem>>)
    %dma_wait3A_824 = arith.constant 0 : i32
    %dma_wait3A_825 = arith.constant 0 : i32
    %dma_wait3A_826 = arith.constant 0 : i32
    %dma_wait3A_827 = tpu.memref_slice %arg4[%add3A, %dma_wait3A_824, %dma_wait3A_825, %dma_wait3A_826] : memref<32x4x20x128xi32, #tpu.memory_space<hbm>> -> memref<1x1x20x128xi32, #tpu.memory_space<hbm>>
    %dma_wait3A_828 = tpu.memref_squeeze %dma_wait3A_827 : memref<1x1x20x128xi32, #tpu.memory_space<hbm>> -> memref<20x128xi32, #tpu.memory_space<hbm>>
    %dma_wait3A_829 = arith.constant 0 : i32
    %dma_wait3A_830 = arith.constant 0 : i32
    %dma_wait3A_831 = tpu.memref_slice %arg4[%add3A, %dma_wait3A_824, %dma_wait3A_829, %dma_wait3A_830] : memref<32x4x20x128xi32, #tpu.memory_space<hbm>> -> memref<1x1x20x128xi32, #tpu.memory_space<hbm>>
    %dma_wait3A_832 = tpu.memref_squeeze %dma_wait3A_831 : memref<1x1x20x128xi32, #tpu.memory_space<hbm>> -> memref<20x128xi32, #tpu.memory_space<hbm>>
    tpu.wait_dma2 semaphore(%arg19 : memref<!tpu.dma_semaphore, #tpu.memory_space<semaphore_mem>>) src(%dma_wait3A_832 : memref<20x128xi32, #tpu.memory_space<hbm>>) dst(%arg8 : memref<20x128xi32, #tpu.memory_space<vmem>>)
    %dma_wait3A_833 = arith.constant 0 : i32
    %dma_wait3A_834 = arith.constant 0 : i32
    %dma_wait3A_835 = arith.constant 0 : i32
    %dma_wait3A_836 = tpu.memref_slice %arg5[%add3A, %dma_wait3A_833, %dma_wait3A_834, %dma_wait3A_835] : memref<32x4x20x128xf32, #tpu.memory_space<hbm>> -> memref<1x1x20x128xf32, #tpu.memory_space<hbm>>
    %dma_wait3A_837 = tpu.memref_squeeze %dma_wait3A_836 : memref<1x1x20x128xf32, #tpu.memory_space<hbm>> -> memref<20x128xf32, #tpu.memory_space<hbm>>
    %dma_wait3A_838 = arith.constant 0 : i32
    %dma_wait3A_839 = arith.constant 0 : i32
    %dma_wait3A_840 = tpu.memref_slice %arg5[%add3A, %dma_wait3A_833, %dma_wait3A_838, %dma_wait3A_839] : memref<32x4x20x128xf32, #tpu.memory_space<hbm>> -> memref<1x1x20x128xf32, #tpu.memory_space<hbm>>
    %dma_wait3A_841 = tpu.memref_squeeze %dma_wait3A_840 : memref<1x1x20x128xf32, #tpu.memory_space<hbm>> -> memref<20x128xf32, #tpu.memory_space<hbm>>
    tpu.wait_dma2 semaphore(%arg19 : memref<!tpu.dma_semaphore, #tpu.memory_space<semaphore_mem>>) src(%dma_wait3A_841 : memref<20x128xf32, #tpu.memory_space<hbm>>) dst(%arg9 : memref<20x128xf32, #tpu.memory_space<vmem>>)
    %dma_start3A_842 = arith.constant 0 : i32
    %dma_start3A_843 = arith.constant 0 : i32
    %dma_start3A_844 = tpu.memref_slice %arg7[%dma_start3A_842, %dma_start3A_843] : memref<20x128xi32, #tpu.memory_space<vmem>> -> memref<1x128xi32, #tpu.memory_space<vmem>>
    %dma_start3A_845 = tpu.memref_squeeze %dma_start3A_844 : memref<1x128xi32, #tpu.memory_space<vmem>> -> memref<128xi32, #tpu.memory_space<vmem>>
    %dma_start3A_846 = arith.constant 0 : i32
    %dma_start3A_847 = arith.constant 0 : i32
    %dma_start3A_848 = tpu.memref_slice %arg2[%dma_start3A_846, %dma_start3A_847] : memref<10000x128xf32, #tpu.memory_space<hbm>> -> memref<10000x128xf32, #tpu.memory_space<hbm>>
    tpu.enqueue_indirect_dma source(%dma_start3A_848 : memref<10000x128xf32, #tpu.memory_space<hbm>>) target(%arg13 : memref<128x128xf32, #tpu.memory_space<vmem>>) offsets(%dma_start3A_845 : memref<128xi32, #tpu.memory_space<vmem>>) semaphore(%arg16 : memref<!tpu.dma_semaphore, #tpu.memory_space<semaphore_mem>>)
    %dma_start3A_849 = arith.constant 3 : i32
    %dma_start3A_850 = arith.constant 0 : i32
    %dma_start3A_851 = arith.constant 0 : i32
    %dma_start3A_852 = tpu.memref_slice %arg3[%add3A, %dma_start3A_849, %dma_start3A_850, %dma_start3A_851] : memref<32x4x20x128xi32, #tpu.memory_space<hbm>> -> memref<1x1x20x128xi32, #tpu.memory_space<hbm>>
    %dma_start3A_853 = tpu.memref_squeeze %dma_start3A_852 : memref<1x1x20x128xi32, #tpu.memory_space<hbm>> -> memref<20x128xi32, #tpu.memory_space<hbm>>
    %dma_start3A_854 = arith.constant 0 : i32
    %dma_start3A_855 = arith.constant 0 : i32
    %dma_start3A_856 = tpu.memref_slice %arg3[%add3A, %dma_start3A_849, %dma_start3A_854, %dma_start3A_855] : memref<32x4x20x128xi32, #tpu.memory_space<hbm>> -> memref<1x1x20x128xi32, #tpu.memory_space<hbm>>
    %dma_start3A_857 = tpu.memref_squeeze %dma_start3A_856 : memref<1x1x20x128xi32, #tpu.memory_space<hbm>> -> memref<20x128xi32, #tpu.memory_space<hbm>>
    tpu.enqueue_dma source(%dma_start3A_857 : memref<20x128xi32, #tpu.memory_space<hbm>>) target(%arg10 : memref<20x128xi32, #tpu.memory_space<vmem>>) target_semaphore(%arg19 : memref<!tpu.dma_semaphore, #tpu.memory_space<semaphore_mem>>)
    %dma_start3A_858 = arith.constant 3 : i32
    %dma_start3A_859 = arith.constant 0 : i32
    %dma_start3A_860 = arith.constant 0 : i32
    %dma_start3A_861 = tpu.memref_slice %arg4[%add3A, %dma_start3A_858, %dma_start3A_859, %dma_start3A_860] : memref<32x4x20x128xi32, #tpu.memory_space<hbm>> -> memref<1x1x20x128xi32, #tpu.memory_space<hbm>>
    %dma_start3A_862 = tpu.memref_squeeze %dma_start3A_861 : memref<1x1x20x128xi32, #tpu.memory_space<hbm>> -> memref<20x128xi32, #tpu.memory_space<hbm>>
    %dma_start3A_863 = arith.constant 0 : i32
    %dma_start3A_864 = arith.constant 0 : i32
    %dma_start3A_865 = tpu.memref_slice %arg4[%add3A, %dma_start3A_858, %dma_start3A_863, %dma_start3A_864] : memref<32x4x20x128xi32, #tpu.memory_space<hbm>> -> memref<1x1x20x128xi32, #tpu.memory_space<hbm>>
    %dma_start3A_866 = tpu.memref_squeeze %dma_start3A_865 : memref<1x1x20x128xi32, #tpu.memory_space<hbm>> -> memref<20x128xi32, #tpu.memory_space<hbm>>
    tpu.enqueue_dma source(%dma_start3A_866 : memref<20x128xi32, #tpu.memory_space<hbm>>) target(%arg11 : memref<20x128xi32, #tpu.memory_space<vmem>>) target_semaphore(%arg19 : memref<!tpu.dma_semaphore, #tpu.memory_space<semaphore_mem>>)
    %dma_start3A_867 = arith.constant 3 : i32
    %dma_start3A_868 = arith.constant 0 : i32
    %dma_start3A_869 = arith.constant 0 : i32
    %dma_start3A_870 = tpu.memref_slice %arg5[%add3A, %dma_start3A_867, %dma_start3A_868, %dma_start3A_869] : memref<32x4x20x128xf32, #tpu.memory_space<hbm>> -> memref<1x1x20x128xf32, #tpu.memory_space<hbm>>
    %dma_start3A_871 = tpu.memref_squeeze %dma_start3A_870 : memref<1x1x20x128xf32, #tpu.memory_space<hbm>> -> memref<20x128xf32, #tpu.memory_space<hbm>>
    %dma_start3A_872 = arith.constant 0 : i32
    %dma_start3A_873 = arith.constant 0 : i32
    %dma_start3A_874 = tpu.memref_slice %arg5[%add3A, %dma_start3A_867, %dma_start3A_872, %dma_start3A_873] : memref<32x4x20x128xf32, #tpu.memory_space<hbm>> -> memref<1x1x20x128xf32, #tpu.memory_space<hbm>>
    %dma_start3A_875 = tpu.memref_squeeze %dma_start3A_874 : memref<1x1x20x128xf32, #tpu.memory_space<hbm>> -> memref<20x128xf32, #tpu.memory_space<hbm>>
    tpu.enqueue_dma source(%dma_start3A_875 : memref<20x128xf32, #tpu.memory_space<hbm>>) target(%arg12 : memref<20x128xf32, #tpu.memory_space<vmem>>) target_semaphore(%arg19 : memref<!tpu.dma_semaphore, #tpu.memory_space<semaphore_mem>>)
    %scan3A_876 = arith.constant 0 : i32
    %scan3A_877 = arith.constant 0 : i32
    %scan3A_878 = arith.constant 10 : i32
    %scan3A_879 = arith.addi %scan3A_877, %scan3A_878 : i32
    %scan3A_880 = arith.constant 1 : i32
    scf.for %scan3A_927 = %scan3A_877 to %scan3A_879 step %scan3A_880  : i32 {
      %mul3A_928 = arith.constant 2 : i32
      %mul3A_929 = arith.muli %mul3A_928, %scan3A_927 : i32
      %add3A_930 = arith.constant 1 : i32
      %add3A_931 = arith.addi %mul3A_929, %add3A_930 : i32
      %dma_start3A_932 = arith.constant 0 : i32
      %dma_start3A_933 = tpu.memref_slice %arg7[%add3A_931, %dma_start3A_932] : memref<20x128xi32, #tpu.memory_space<vmem>> -> memref<1x128xi32, #tpu.memory_space<vmem>>
      %dma_start3A_934 = tpu.memref_squeeze %dma_start3A_933 : memref<1x128xi32, #tpu.memory_space<vmem>> -> memref<128xi32, #tpu.memory_space<vmem>>
      %dma_start3A_935 = arith.constant 0 : i32
      %dma_start3A_936 = arith.constant 0 : i32
      %dma_start3A_937 = tpu.memref_slice %arg2[%dma_start3A_935, %dma_start3A_936] : memref<10000x128xf32, #tpu.memory_space<hbm>> -> memref<10000x128xf32, #tpu.memory_space<hbm>>
      tpu.enqueue_indirect_dma source(%dma_start3A_937 : memref<10000x128xf32, #tpu.memory_space<hbm>>) target(%arg14 : memref<128x128xf32, #tpu.memory_space<vmem>>) offsets(%dma_start3A_934 : memref<128xi32, #tpu.memory_space<vmem>>) semaphore(%arg17 : memref<!tpu.dma_semaphore, #tpu.memory_space<semaphore_mem>>)
      %dma_wait3A_938 = arith.constant 0 : i32
      %dma_wait3A_939 = arith.constant 0 : i32
      %dma_wait3A_940 = tpu.memref_slice %arg7[%dma_wait3A_938, %dma_wait3A_939] : memref<20x128xi32, #tpu.memory_space<vmem>> -> memref<1x128xi32, #tpu.memory_space<vmem>>
      %dma_wait3A_941 = tpu.memref_squeeze %dma_wait3A_940 : memref<1x128xi32, #tpu.memory_space<vmem>> -> memref<128xi32, #tpu.memory_space<vmem>>
      %dma_wait3A_942 = arith.constant 0 : i32
      %dma_wait3A_943 = arith.constant 0 : i32
      %dma_wait3A_944 = tpu.memref_slice %arg2[%dma_wait3A_942, %dma_wait3A_943] : memref<10000x128xf32, #tpu.memory_space<hbm>> -> memref<10000x128xf32, #tpu.memory_space<hbm>>
      tpu.wait_indirect_dma semaphore(%arg16 : memref<!tpu.dma_semaphore, #tpu.memory_space<semaphore_mem>>) src(%dma_wait3A_944 : memref<10000x128xf32, #tpu.memory_space<hbm>>) dst(%arg13 : memref<128x128xf32, #tpu.memory_space<vmem>>)
      %dma_start3A_945 = arith.constant 0 : i32
      %dma_start3A_946 = tpu.memref_slice %arg8[%mul3A_929, %dma_start3A_945] : memref<20x128xi32, #tpu.memory_space<vmem>> -> memref<1x128xi32, #tpu.memory_space<vmem>>
      %dma_start3A_947 = tpu.memref_squeeze %dma_start3A_946 : memref<1x128xi32, #tpu.memory_space<vmem>> -> memref<128xi32, #tpu.memory_space<vmem>>
      %dma_start3A_948 = arith.constant 0 : i32
      %dma_start3A_949 = arith.constant 0 : i32
      %dma_start3A_950 = tpu.memref_slice %arg15[%dma_start3A_948, %dma_start3A_949] : memref<10000x128xf32, #tpu.memory_space<vmem_shared>> -> memref<10000x128xf32, #tpu.memory_space<vmem_shared>>
      tpu.enqueue_indirect_dma source(%arg13 : memref<128x128xf32, #tpu.memory_space<vmem>>) target(%dma_start3A_950 : memref<10000x128xf32, #tpu.memory_space<vmem_shared>>) offsets(%dma_start3A_947 : memref<128xi32, #tpu.memory_space<vmem>>) semaphore(%arg18 : memref<!tpu.dma_semaphore, #tpu.memory_space<semaphore_mem>>) {add = true}
      %dma_wait3A_951 = arith.constant 0 : i32
      %dma_wait3A_952 = arith.constant 0 : i32
      %dma_wait3A_953 = tpu.memref_slice %arg7[%dma_wait3A_951, %dma_wait3A_952] : memref<20x128xi32, #tpu.memory_space<vmem>> -> memref<1x128xi32, #tpu.memory_space<vmem>>
      %dma_wait3A_954 = tpu.memref_squeeze %dma_wait3A_953 : memref<1x128xi32, #tpu.memory_space<vmem>> -> memref<128xi32, #tpu.memory_space<vmem>>
      %dma_wait3A_955 = arith.constant 0 : i32
      %dma_wait3A_956 = arith.constant 0 : i32
      %dma_wait3A_957 = tpu.memref_slice %arg2[%dma_wait3A_955, %dma_wait3A_956] : memref<10000x128xf32, #tpu.memory_space<hbm>> -> memref<10000x128xf32, #tpu.memory_space<hbm>>
      tpu.wait_indirect_dma semaphore(%arg17 : memref<!tpu.dma_semaphore, #tpu.memory_space<semaphore_mem>>) src(%dma_wait3A_957 : memref<10000x128xf32, #tpu.memory_space<hbm>>) dst(%arg14 : memref<128x128xf32, #tpu.memory_space<vmem>>)
      %dma_wait3A_958 = arith.constant 0 : i32
      %dma_wait3A_959 = arith.constant 0 : i32
      %dma_wait3A_960 = tpu.memref_slice %arg8[%dma_wait3A_958, %dma_wait3A_959] : memref<20x128xi32, #tpu.memory_space<vmem>> -> memref<1x128xi32, #tpu.memory_space<vmem>>
      %dma_wait3A_961 = tpu.memref_squeeze %dma_wait3A_960 : memref<1x128xi32, #tpu.memory_space<vmem>> -> memref<128xi32, #tpu.memory_space<vmem>>
      %dma_wait3A_962 = arith.constant 0 : i32
      %dma_wait3A_963 = arith.constant 0 : i32
      %dma_wait3A_964 = tpu.memref_slice %arg15[%dma_wait3A_962, %dma_wait3A_963] : memref<10000x128xf32, #tpu.memory_space<vmem_shared>> -> memref<10000x128xf32, #tpu.memory_space<vmem_shared>>
      tpu.wait_indirect_dma semaphore(%arg18 : memref<!tpu.dma_semaphore, #tpu.memory_space<semaphore_mem>>) src(%arg13 : memref<128x128xf32, #tpu.memory_space<vmem>>) dst(%dma_wait3A_964 : memref<10000x128xf32, #tpu.memory_space<vmem_shared>>)
      %lt3A = arith.constant 9 : i32
      %lt3A_965 = arith.cmpi slt, %scan3A_927, %lt3A : i32
      %convert_element_type3A = arith.extui %lt3A_965 : i1 to i32
      %cond3A = arith.constant 0 : i32
      %cond3A_966 = arith.cmpi ne, %convert_element_type3A, %cond3A : i32
      scf.if %cond3A_966 {
        %add3A_969 = arith.constant 2 : i32
        %add3A_970 = arith.addi %mul3A_929, %add3A_969 : i32
        %dma_start3A_971 = arith.constant 0 : i32
        %dma_start3A_972 = tpu.memref_slice %arg7[%add3A_970, %dma_start3A_971] : memref<20x128xi32, #tpu.memory_space<vmem>> -> memref<1x128xi32, #tpu.memory_space<vmem>>
        %dma_start3A_973 = tpu.memref_squeeze %dma_start3A_972 : memref<1x128xi32, #tpu.memory_space<vmem>> -> memref<128xi32, #tpu.memory_space<vmem>>
        %dma_start3A_974 = arith.constant 0 : i32
        %dma_start3A_975 = arith.constant 0 : i32
        %dma_start3A_976 = tpu.memref_slice %arg2[%dma_start3A_974, %dma_start3A_975] : memref<10000x128xf32, #tpu.memory_space<hbm>> -> memref<10000x128xf32, #tpu.memory_space<hbm>>
        tpu.enqueue_indirect_dma source(%dma_start3A_976 : memref<10000x128xf32, #tpu.memory_space<hbm>>) target(%arg13 : memref<128x128xf32, #tpu.memory_space<vmem>>) offsets(%dma_start3A_973 : memref<128xi32, #tpu.memory_space<vmem>>) semaphore(%arg16 : memref<!tpu.dma_semaphore, #tpu.memory_space<semaphore_mem>>)
      } else {
      }
      %add3A_967 = arith.constant 1 : i32
      %add3A_968 = arith.addi %mul3A_929, %add3A_967 : i32
      "tpu.region"() ({
        %run_scoped3A = tpu.sem_alloc : memref<!tpu.dma_semaphore, #tpu.memory_space<semaphore_mem>>
        %dma_start3A_969 = arith.constant 0 : i32
        %dma_start3A_970 = tpu.memref_slice %arg8[%add3A_968, %dma_start3A_969] : memref<20x128xi32, #tpu.memory_space<vmem>> -> memref<1x128xi32, #tpu.memory_space<vmem>>
        %dma_start3A_971 = tpu.memref_squeeze %dma_start3A_970 : memref<1x128xi32, #tpu.memory_space<vmem>> -> memref<128xi32, #tpu.memory_space<vmem>>
        %dma_start3A_972 = arith.constant 0 : i32
        %dma_start3A_973 = arith.constant 0 : i32
        %dma_start3A_974 = tpu.memref_slice %arg15[%dma_start3A_972, %dma_start3A_973] : memref<10000x128xf32, #tpu.memory_space<vmem_shared>> -> memref<10000x128xf32, #tpu.memory_space<vmem_shared>>
        tpu.enqueue_indirect_dma source(%arg14 : memref<128x128xf32, #tpu.memory_space<vmem>>) target(%dma_start3A_974 : memref<10000x128xf32, #tpu.memory_space<vmem_shared>>) offsets(%dma_start3A_971 : memref<128xi32, #tpu.memory_space<vmem>>) semaphore(%run_scoped3A : memref<!tpu.dma_semaphore, #tpu.memory_space<semaphore_mem>>) {add = true}
        %dma_wait3A_975 = arith.constant 0 : i32
        %dma_wait3A_976 = tpu.memref_slice %arg8[%add3A_968, %dma_wait3A_975] : memref<20x128xi32, #tpu.memory_space<vmem>> -> memref<1x128xi32, #tpu.memory_space<vmem>>
        %dma_wait3A_977 = tpu.memref_squeeze %dma_wait3A_976 : memref<1x128xi32, #tpu.memory_space<vmem>> -> memref<128xi32, #tpu.memory_space<vmem>>
        %dma_wait3A_978 = arith.constant 0 : i32
        %dma_wait3A_979 = arith.constant 0 : i32
        %dma_wait3A_980 = tpu.memref_slice %arg15[%dma_wait3A_978, %dma_wait3A_979] : memref<10000x128xf32, #tpu.memory_space<vmem_shared>> -> memref<10000x128xf32, #tpu.memory_space<vmem_shared>>
        tpu.wait_indirect_dma semaphore(%run_scoped3A : memref<!tpu.dma_semaphore, #tpu.memory_space<semaphore_mem>>) src(%arg14 : memref<128x128xf32, #tpu.memory_space<vmem>>) dst(%dma_wait3A_980 : memref<10000x128xf32, #tpu.memory_space<vmem_shared>>)
        tpu.yield
      }) : () -> ()
    }
    %scan3A_881 = arith.constant 10 : i32
    %dma_wait3A_882 = arith.constant 0 : i32
    %dma_wait3A_883 = arith.constant 0 : i32
    %dma_wait3A_884 = arith.constant 0 : i32
    %dma_wait3A_885 = tpu.memref_slice %arg3[%add3A, %dma_wait3A_882, %dma_wait3A_883, %dma_wait3A_884] : memref<32x4x20x128xi32, #tpu.memory_space<hbm>> -> memref<1x1x20x128xi32, #tpu.memory_space<hbm>>
    %dma_wait3A_886 = tpu.memref_squeeze %dma_wait3A_885 : memref<1x1x20x128xi32, #tpu.memory_space<hbm>> -> memref<20x128xi32, #tpu.memory_space<hbm>>
    %dma_wait3A_887 = arith.constant 0 : i32
    %dma_wait3A_888 = arith.constant 0 : i32
    %dma_wait3A_889 = tpu.memref_slice %arg3[%add3A, %dma_wait3A_882, %dma_wait3A_887, %dma_wait3A_888] : memref<32x4x20x128xi32, #tpu.memory_space<hbm>> -> memref<1x1x20x128xi32, #tpu.memory_space<hbm>>
    %dma_wait3A_890 = tpu.memref_squeeze %dma_wait3A_889 : memref<1x1x20x128xi32, #tpu.memory_space<hbm>> -> memref<20x128xi32, #tpu.memory_space<hbm>>
    tpu.wait_dma2 semaphore(%arg19 : memref<!tpu.dma_semaphore, #tpu.memory_space<semaphore_mem>>) src(%dma_wait3A_890 : memref<20x128xi32, #tpu.memory_space<hbm>>) dst(%arg10 : memref<20x128xi32, #tpu.memory_space<vmem>>)
    %dma_wait3A_891 = arith.constant 0 : i32
    %dma_wait3A_892 = arith.constant 0 : i32
    %dma_wait3A_893 = arith.constant 0 : i32
    %dma_wait3A_894 = tpu.memref_slice %arg4[%add3A, %dma_wait3A_891, %dma_wait3A_892, %dma_wait3A_893] : memref<32x4x20x128xi32, #tpu.memory_space<hbm>> -> memref<1x1x20x128xi32, #tpu.memory_space<hbm>>
    %dma_wait3A_895 = tpu.memref_squeeze %dma_wait3A_894 : memref<1x1x20x128xi32, #tpu.memory_space<hbm>> -> memref<20x128xi32, #tpu.memory_space<hbm>>
    %dma_wait3A_896 = arith.constant 0 : i32
    %dma_wait3A_897 = arith.constant 0 : i32
    %dma_wait3A_898 = tpu.memref_slice %arg4[%add3A, %dma_wait3A_891, %dma_wait3A_896, %dma_wait3A_897] : memref<32x4x20x128xi32, #tpu.memory_space<hbm>> -> memref<1x1x20x128xi32, #tpu.memory_space<hbm>>
    %dma_wait3A_899 = tpu.memref_squeeze %dma_wait3A_898 : memref<1x1x20x128xi32, #tpu.memory_space<hbm>> -> memref<20x128xi32, #tpu.memory_space<hbm>>
    tpu.wait_dma2 semaphore(%arg19 : memref<!tpu.dma_semaphore, #tpu.memory_space<semaphore_mem>>) src(%dma_wait3A_899 : memref<20x128xi32, #tpu.memory_space<hbm>>) dst(%arg11 : memref<20x128xi32, #tpu.memory_space<vmem>>)
    %dma_wait3A_900 = arith.constant 0 : i32
    %dma_wait3A_901 = arith.constant 0 : i32
    %dma_wait3A_902 = arith.constant 0 : i32
    %dma_wait3A_903 = tpu.memref_slice %arg5[%add3A, %dma_wait3A_900, %dma_wait3A_901, %dma_wait3A_902] : memref<32x4x20x128xf32, #tpu.memory_space<hbm>> -> memref<1x1x20x128xf32, #tpu.memory_space<hbm>>
    %dma_wait3A_904 = tpu.memref_squeeze %dma_wait3A_903 : memref<1x1x20x128xf32, #tpu.memory_space<hbm>> -> memref<20x128xf32, #tpu.memory_space<hbm>>
    %dma_wait3A_905 = arith.constant 0 : i32
    %dma_wait3A_906 = arith.constant 0 : i32
    %dma_wait3A_907 = tpu.memref_slice %arg5[%add3A, %dma_wait3A_900, %dma_wait3A_905, %dma_wait3A_906] : memref<32x4x20x128xf32, #tpu.memory_space<hbm>> -> memref<1x1x20x128xf32, #tpu.memory_space<hbm>>
    %dma_wait3A_908 = tpu.memref_squeeze %dma_wait3A_907 : memref<1x1x20x128xf32, #tpu.memory_space<hbm>> -> memref<20x128xf32, #tpu.memory_space<hbm>>
    tpu.wait_dma2 semaphore(%arg19 : memref<!tpu.dma_semaphore, #tpu.memory_space<semaphore_mem>>) src(%dma_wait3A_908 : memref<20x128xf32, #tpu.memory_space<hbm>>) dst(%arg12 : memref<20x128xf32, #tpu.memory_space<vmem>>)
    %dma_start3A_909 = arith.constant 0 : i32
    %dma_start3A_910 = arith.constant 0 : i32
    %dma_start3A_911 = tpu.memref_slice %arg10[%dma_start3A_909, %dma_start3A_910] : memref<20x128xi32, #tpu.memory_space<vmem>> -> memref<1x128xi32, #tpu.memory_space<vmem>>
    %dma_start3A_912 = tpu.memref_squeeze %dma_start3A_911 : memref<1x128xi32, #tpu.memory_space<vmem>> -> memref<128xi32, #tpu.memory_space<vmem>>
    %dma_start3A_913 = arith.constant 0 : i32
    %dma_start3A_914 = arith.constant 0 : i32
    %dma_start3A_915 = tpu.memref_slice %arg2[%dma_start3A_913, %dma_start3A_914] : memref<10000x128xf32, #tpu.memory_space<hbm>> -> memref<10000x128xf32, #tpu.memory_space<hbm>>
    tpu.enqueue_indirect_dma source(%dma_start3A_915 : memref<10000x128xf32, #tpu.memory_space<hbm>>) target(%arg13 : memref<128x128xf32, #tpu.memory_space<vmem>>) offsets(%dma_start3A_912 : memref<128xi32, #tpu.memory_space<vmem>>) semaphore(%arg16 : memref<!tpu.dma_semaphore, #tpu.memory_space<semaphore_mem>>)
    %scan3A_916 = arith.constant 0 : i32
    %scan3A_917 = arith.constant 0 : i32
    %scan3A_918 = arith.constant 10 : i32
    %scan3A_919 = arith.addi %scan3A_917, %scan3A_918 : i32
    %scan3A_920 = arith.constant 1 : i32
    scf.for %scan3A_927 = %scan3A_917 to %scan3A_919 step %scan3A_920  : i32 {
      %mul3A_928 = arith.constant 2 : i32
      %mul3A_929 = arith.muli %mul3A_928, %scan3A_927 : i32
      %add3A_930 = arith.constant 1 : i32
      %add3A_931 = arith.addi %mul3A_929, %add3A_930 : i32
      %dma_start3A_932 = arith.constant 0 : i32
      %dma_start3A_933 = tpu.memref_slice %arg10[%add3A_931, %dma_start3A_932] : memref<20x128xi32, #tpu.memory_space<vmem>> -> memref<1x128xi32, #tpu.memory_space<vmem>>
      %dma_start3A_934 = tpu.memref_squeeze %dma_start3A_933 : memref<1x128xi32, #tpu.memory_space<vmem>> -> memref<128xi32, #tpu.memory_space<vmem>>
      %dma_start3A_935 = arith.constant 0 : i32
      %dma_start3A_936 = arith.constant 0 : i32
      %dma_start3A_937 = tpu.memref_slice %arg2[%dma_start3A_935, %dma_start3A_936] : memref<10000x128xf32, #tpu.memory_space<hbm>> -> memref<10000x128xf32, #tpu.memory_space<hbm>>
      tpu.enqueue_indirect_dma source(%dma_start3A_937 : memref<10000x128xf32, #tpu.memory_space<hbm>>) target(%arg14 : memref<128x128xf32, #tpu.memory_space<vmem>>) offsets(%dma_start3A_934 : memref<128xi32, #tpu.memory_space<vmem>>) semaphore(%arg17 : memref<!tpu.dma_semaphore, #tpu.memory_space<semaphore_mem>>)
      %dma_wait3A_938 = arith.constant 0 : i32
      %dma_wait3A_939 = arith.constant 0 : i32
      %dma_wait3A_940 = tpu.memref_slice %arg7[%dma_wait3A_938, %dma_wait3A_939] : memref<20x128xi32, #tpu.memory_space<vmem>> -> memref<1x128xi32, #tpu.memory_space<vmem>>
      %dma_wait3A_941 = tpu.memref_squeeze %dma_wait3A_940 : memref<1x128xi32, #tpu.memory_space<vmem>> -> memref<128xi32, #tpu.memory_space<vmem>>
      %dma_wait3A_942 = arith.constant 0 : i32
      %dma_wait3A_943 = arith.constant 0 : i32
      %dma_wait3A_944 = tpu.memref_slice %arg2[%dma_wait3A_942, %dma_wait3A_943] : memref<10000x128xf32, #tpu.memory_space<hbm>> -> memref<10000x128xf32, #tpu.memory_space<hbm>>
      tpu.wait_indirect_dma semaphore(%arg16 : memref<!tpu.dma_semaphore, #tpu.memory_space<semaphore_mem>>) src(%dma_wait3A_944 : memref<10000x128xf32, #tpu.memory_space<hbm>>) dst(%arg13 : memref<128x128xf32, #tpu.memory_space<vmem>>)
      %dma_start3A_945 = arith.constant 0 : i32
      %dma_start3A_946 = tpu.memref_slice %arg11[%mul3A_929, %dma_start3A_945] : memref<20x128xi32, #tpu.memory_space<vmem>> -> memref<1x128xi32, #tpu.memory_space<vmem>>
      %dma_start3A_947 = tpu.memref_squeeze %dma_start3A_946 : memref<1x128xi32, #tpu.memory_space<vmem>> -> memref<128xi32, #tpu.memory_space<vmem>>
      %dma_start3A_948 = arith.constant 0 : i32
      %dma_start3A_949 = arith.constant 0 : i32
      %dma_start3A_950 = tpu.memref_slice %arg15[%dma_start3A_948, %dma_start3A_949] : memref<10000x128xf32, #tpu.memory_space<vmem_shared>> -> memref<10000x128xf32, #tpu.memory_space<vmem_shared>>
      tpu.enqueue_indirect_dma source(%arg13 : memref<128x128xf32, #tpu.memory_space<vmem>>) target(%dma_start3A_950 : memref<10000x128xf32, #tpu.memory_space<vmem_shared>>) offsets(%dma_start3A_947 : memref<128xi32, #tpu.memory_space<vmem>>) semaphore(%arg18 : memref<!tpu.dma_semaphore, #tpu.memory_space<semaphore_mem>>) {add = true}
      %dma_wait3A_951 = arith.constant 0 : i32
      %dma_wait3A_952 = arith.constant 0 : i32
      %dma_wait3A_953 = tpu.memref_slice %arg7[%dma_wait3A_951, %dma_wait3A_952] : memref<20x128xi32, #tpu.memory_space<vmem>> -> memref<1x128xi32, #tpu.memory_space<vmem>>
      %dma_wait3A_954 = tpu.memref_squeeze %dma_wait3A_953 : memref<1x128xi32, #tpu.memory_space<vmem>> -> memref<128xi32, #tpu.memory_space<vmem>>
      %dma_wait3A_955 = arith.constant 0 : i32
      %dma_wait3A_956 = arith.constant 0 : i32
      %dma_wait3A_957 = tpu.memref_slice %arg2[%dma_wait3A_955, %dma_wait3A_956] : memref<10000x128xf32, #tpu.memory_space<hbm>> -> memref<10000x128xf32, #tpu.memory_space<hbm>>
      tpu.wait_indirect_dma semaphore(%arg17 : memref<!tpu.dma_semaphore, #tpu.memory_space<semaphore_mem>>) src(%dma_wait3A_957 : memref<10000x128xf32, #tpu.memory_space<hbm>>) dst(%arg14 : memref<128x128xf32, #tpu.memory_space<vmem>>)
      %dma_wait3A_958 = arith.constant 0 : i32
      %dma_wait3A_959 = arith.constant 0 : i32
      %dma_wait3A_960 = tpu.memref_slice %arg11[%dma_wait3A_958, %dma_wait3A_959] : memref<20x128xi32, #tpu.memory_space<vmem>> -> memref<1x128xi32, #tpu.memory_space<vmem>>
      %dma_wait3A_961 = tpu.memref_squeeze %dma_wait3A_960 : memref<1x128xi32, #tpu.memory_space<vmem>> -> memref<128xi32, #tpu.memory_space<vmem>>
      %dma_wait3A_962 = arith.constant 0 : i32
      %dma_wait3A_963 = arith.constant 0 : i32
      %dma_wait3A_964 = tpu.memref_slice %arg15[%dma_wait3A_962, %dma_wait3A_963] : memref<10000x128xf32, #tpu.memory_space<vmem_shared>> -> memref<10000x128xf32, #tpu.memory_space<vmem_shared>>
      tpu.wait_indirect_dma semaphore(%arg18 : memref<!tpu.dma_semaphore, #tpu.memory_space<semaphore_mem>>) src(%arg13 : memref<128x128xf32, #tpu.memory_space<vmem>>) dst(%dma_wait3A_964 : memref<10000x128xf32, #tpu.memory_space<vmem_shared>>)
      %lt3A = arith.constant 9 : i32
      %lt3A_965 = arith.cmpi slt, %scan3A_927, %lt3A : i32
      %convert_element_type3A = arith.extui %lt3A_965 : i1 to i32
      %cond3A = arith.constant 0 : i32
      %cond3A_966 = arith.cmpi ne, %convert_element_type3A, %cond3A : i32
      scf.if %cond3A_966 {
        %add3A_969 = arith.constant 2 : i32
        %add3A_970 = arith.addi %mul3A_929, %add3A_969 : i32
        %dma_start3A_971 = arith.constant 0 : i32
        %dma_start3A_972 = tpu.memref_slice %arg10[%add3A_970, %dma_start3A_971] : memref<20x128xi32, #tpu.memory_space<vmem>> -> memref<1x128xi32, #tpu.memory_space<vmem>>
        %dma_start3A_973 = tpu.memref_squeeze %dma_start3A_972 : memref<1x128xi32, #tpu.memory_space<vmem>> -> memref<128xi32, #tpu.memory_space<vmem>>
        %dma_start3A_974 = arith.constant 0 : i32
        %dma_start3A_975 = arith.constant 0 : i32
        %dma_start3A_976 = tpu.memref_slice %arg2[%dma_start3A_974, %dma_start3A_975] : memref<10000x128xf32, #tpu.memory_space<hbm>> -> memref<10000x128xf32, #tpu.memory_space<hbm>>
        tpu.enqueue_indirect_dma source(%dma_start3A_976 : memref<10000x128xf32, #tpu.memory_space<hbm>>) target(%arg13 : memref<128x128xf32, #tpu.memory_space<vmem>>) offsets(%dma_start3A_973 : memref<128xi32, #tpu.memory_space<vmem>>) semaphore(%arg16 : memref<!tpu.dma_semaphore, #tpu.memory_space<semaphore_mem>>)
      } else {
      }
      %add3A_967 = arith.constant 1 : i32
      %add3A_968 = arith.addi %mul3A_929, %add3A_967 : i32
      "tpu.region"() ({
        %run_scoped3A = tpu.sem_alloc : memref<!tpu.dma_semaphore, #tpu.memory_space<semaphore_mem>>
        %dma_start3A_969 = arith.constant 0 : i32
        %dma_start3A_970 = tpu.memref_slice %arg11[%add3A_968, %dma_start3A_969] : memref<20x128xi32, #tpu.memory_space<vmem>> -> memref<1x128xi32, #tpu.memory_space<vmem>>
        %dma_start3A_971 = tpu.memref_squeeze %dma_start3A_970 : memref<1x128xi32, #tpu.memory_space<vmem>> -> memref<128xi32, #tpu.memory_space<vmem>>
        %dma_start3A_972 = arith.constant 0 : i32
        %dma_start3A_973 = arith.constant 0 : i32
        %dma_start3A_974 = tpu.memref_slice %arg15[%dma_start3A_972, %dma_start3A_973] : memref<10000x128xf32, #tpu.memory_space<vmem_shared>> -> memref<10000x128xf32, #tpu.memory_space<vmem_shared>>
        tpu.enqueue_indirect_dma source(%arg14 : memref<128x128xf32, #tpu.memory_space<vmem>>) target(%dma_start3A_974 : memref<10000x128xf32, #tpu.memory_space<vmem_shared>>) offsets(%dma_start3A_971 : memref<128xi32, #tpu.memory_space<vmem>>) semaphore(%run_scoped3A : memref<!tpu.dma_semaphore, #tpu.memory_space<semaphore_mem>>) {add = true}
        %dma_wait3A_975 = arith.constant 0 : i32
        %dma_wait3A_976 = tpu.memref_slice %arg11[%add3A_968, %dma_wait3A_975] : memref<20x128xi32, #tpu.memory_space<vmem>> -> memref<1x128xi32, #tpu.memory_space<vmem>>
        %dma_wait3A_977 = tpu.memref_squeeze %dma_wait3A_976 : memref<1x128xi32, #tpu.memory_space<vmem>> -> memref<128xi32, #tpu.memory_space<vmem>>
        %dma_wait3A_978 = arith.constant 0 : i32
        %dma_wait3A_979 = arith.constant 0 : i32
        %dma_wait3A_980 = tpu.memref_slice %arg15[%dma_wait3A_978, %dma_wait3A_979] : memref<10000x128xf32, #tpu.memory_space<vmem_shared>> -> memref<10000x128xf32, #tpu.memory_space<vmem_shared>>
        tpu.wait_indirect_dma semaphore(%run_scoped3A : memref<!tpu.dma_semaphore, #tpu.memory_space<semaphore_mem>>) src(%arg14 : memref<128x128xf32, #tpu.memory_space<vmem>>) dst(%dma_wait3A_980 : memref<10000x128xf32, #tpu.memory_space<vmem_shared>>)
        tpu.yield
      }) : () -> ()
    }
    %scan3A_921 = arith.constant 10 : i32
    %barrier3A_922 = arith.constant 0 : index
    tpu.barrier barrier_id(%barrier3A_922)
    %mul3A_923 = arith.constant 625 : i32
    %mul3A_924 = arith.muli %arg1, %mul3A_923 : i32
    %mul3A_925 = arith.constant 625 : i32
    %mul3A_926 = arith.muli %arg1, %mul3A_925 : i32
    "tpu.region"() ({
      %run_scoped3A = tpu.sem_alloc : memref<!tpu.dma_semaphore, #tpu.memory_space<semaphore_mem>>
      %dma_start3A_927 = arith.constant 0 : i32
      %dma_start3A_928 = tpu.memref_slice %arg6[%arg0, %mul3A_926, %dma_start3A_927] : memref<2x10000x128xf32, #tpu.memory_space<hbm>> -> memref<1x625x128xf32, #tpu.memory_space<hbm>>
      %dma_start3A_929 = tpu.memref_squeeze %dma_start3A_928 : memref<1x625x128xf32, #tpu.memory_space<hbm>> -> memref<625x128xf32, #tpu.memory_space<hbm>>
      %dma_start3A_930 = arith.constant 0 : i32
      %dma_start3A_931 = tpu.memref_slice %arg15[%mul3A_924, %dma_start3A_930] : memref<10000x128xf32, #tpu.memory_space<vmem_shared>> -> memref<625x128xf32, #tpu.memory_space<vmem_shared>>
      tpu.enqueue_dma source(%dma_start3A_931 : memref<625x128xf32, #tpu.memory_space<vmem_shared>>) target(%dma_start3A_929 : memref<625x128xf32, #tpu.memory_space<hbm>>) target_semaphore(%run_scoped3A : memref<!tpu.dma_semaphore, #tpu.memory_space<semaphore_mem>>)
      %dma_wait3A_932 = arith.constant 0 : i32
      %dma_wait3A_933 = tpu.memref_slice %arg6[%arg0, %mul3A_926, %dma_wait3A_932] : memref<2x10000x128xf32, #tpu.memory_space<hbm>> -> memref<1x625x128xf32, #tpu.memory_space<hbm>>
      %dma_wait3A_934 = tpu.memref_squeeze %dma_wait3A_933 : memref<1x625x128xf32, #tpu.memory_space<hbm>> -> memref<625x128xf32, #tpu.memory_space<hbm>>
      %dma_wait3A_935 = arith.constant 0 : i32
      %dma_wait3A_936 = tpu.memref_slice %arg15[%mul3A_924, %dma_wait3A_935] : memref<10000x128xf32, #tpu.memory_space<vmem_shared>> -> memref<625x128xf32, #tpu.memory_space<vmem_shared>>
      tpu.wait_dma2 semaphore(%run_scoped3A : memref<!tpu.dma_semaphore, #tpu.memory_space<semaphore_mem>>) src(%dma_wait3A_936 : memref<625x128xf32, #tpu.memory_space<vmem_shared>>) dst(%dma_wait3A_934 : memref<625x128xf32, #tpu.memory_space<hbm>>)
      tpu.yield
    }) : () -> ()
    return
  }
}

module attributes {stable_mosaic.version = 14 : i64} {
  func.func @_tc_tail_body(%arg0: i32, %arg1: memref<2x1000x128xf32, #tpu.memory_space<vmem>>, %arg2: memref<128x128xf32, #tpu.memory_space<vmem>>, %arg3: memref<1x128xf32, #tpu.memory_space<vmem>>, %arg4: memref<1000x128xf32, #tpu.memory_space<vmem>>) attributes {dimension_semantics = [#tpu.dimension_semantics<arbitrary>], iteration_bounds = array<i64: 10>, scalar_prefetch = 0 : i64, scratch_operands = 0 : i64, tpu.core_type = #tpu.core_type<tc>, window_params = [{transform_indices = @transform_0, window_bounds = array<i64: 2, 1000, 128>}, {pipeline_mode = #tpu.pipeline_mode<synchronous>, transform_indices = @transform_1, window_bounds = array<i64: 128, 128>}, {pipeline_mode = #tpu.pipeline_mode<synchronous>, transform_indices = @transform_2, window_bounds = array<i64: 1, 128>}, {transform_indices = @transform_3, window_bounds = array<i64: 1000, 128>}]} {
    %get3A = arith.constant 0 : index
    %get3A_0 = arith.constant 0 : index
    %get3A_1 = arith.constant 0 : index
    %get3A_2 = vector.load %arg1[%get3A, %get3A_0, %get3A_1] : memref<2x1000x128xf32, #tpu.memory_space<vmem>>, vector<1x1000x128xf32>
    %get3A_3 = vector.shape_cast %get3A_2 : vector<1x1000x128xf32> to vector<1000x128xf32>
    %get3A_4 = arith.constant 1 : index
    %get3A_5 = arith.constant 0 : index
    %get3A_6 = arith.constant 0 : index
    %get3A_7 = vector.load %arg1[%get3A_4, %get3A_5, %get3A_6] : memref<2x1000x128xf32, #tpu.memory_space<vmem>>, vector<1x1000x128xf32>
    %get3A_8 = vector.shape_cast %get3A_7 : vector<1x1000x128xf32> to vector<1000x128xf32>
    %add3A = arith.addf %get3A_3, %get3A_8 : vector<1000x128xf32>
    %get3A_9 = arith.constant 0 : index
    %get3A_10 = arith.constant 0 : index
    %get3A_11 = vector.load %arg2[%get3A_9, %get3A_10] : memref<128x128xf32, #tpu.memory_space<vmem>>, vector<128x128xf32>
    %dot_general3A = arith.constant dense<0.000000e+00> : vector<1000x128xf32>
    %dot_general3A_12 = tpu.matmul %add3A, %get3A_11, %dot_general3A {dimension_numbers = #tpu.dot_dimension_numbers<[1], [1], [0], [0], [0, 0, 1, 0], [], []>, transpose_lhs_hint = false} : vector<1000x128xf32>, vector<128x128xf32>, vector<1000x128xf32> -> vector<1000x128xf32>
    %get3A_13 = arith.constant 0 : index
    %get3A_14 = arith.constant 0 : index
    %get3A_15 = vector.load %arg3[%get3A_13, %get3A_14] : memref<1x128xf32, #tpu.memory_space<vmem>>, vector<1x128xf32>
    %add3A_16 = vector.broadcast %get3A_15 : vector<1x128xf32> to vector<1000x128xf32>
    %add3A_17 = arith.addf %dot_general3A_12, %add3A_16 : vector<1000x128xf32>
    %max3A = arith.constant 0.000000e+00 : f32
    %max3A_18 = vector.broadcast %max3A : f32 to vector<1000x128xf32>
    %max3A_19 = arith.maximumf %add3A_17, %max3A_18 : vector<1000x128xf32>
    %swap3A = arith.constant 0 : index
    %swap3A_20 = arith.constant 0 : index
    %swap3A_21 = vector.load %arg4[%swap3A, %swap3A_20] : memref<1000x128xf32, #tpu.memory_space<vmem>>, vector<1000x128xf32>
    tpu.vector_store %arg4[%swap3A, %swap3A_20], %max3A_19 {strides = array<i32>} : memref<1000x128xf32, #tpu.memory_space<vmem>>, vector<1000x128xf32>,
    return
  }
  func.func @transform_0(%arg0: i32) -> (i32, i32, i32) {
    %c0_i32 = arith.constant 0 : i32
    %c0_i32_0 = arith.constant 0 : i32
    %c0_i32_1 = arith.constant 0 : i32
    return %c0_i32, %arg0, %c0_i32_0 : i32, i32, i32
  }
  func.func @transform_1(%arg0: i32) -> (i32, i32) {
    %c0_i32 = arith.constant 0 : i32
    %c0_i32_0 = arith.constant 0 : i32
    %c0_i32_1 = arith.constant 0 : i32
    return %c0_i32, %c0_i32_0 : i32, i32
  }
  func.func @transform_2(%arg0: i32) -> (i32, i32) {
    %c0_i32 = arith.constant 0 : i32
    %c0_i32_0 = arith.constant 0 : i32
    %c0_i32_1 = arith.constant 0 : i32
    return %c0_i32, %c0_i32_0 : i32, i32
  }
  func.func @transform_3(%arg0: i32) -> (i32, i32) {
    %c0_i32 = arith.constant 0 : i32
    %c0_i32_0 = arith.constant 0 : i32
    return %arg0, %c0_i32 : i32, i32
  }
}

</mosaic_0001>

<sc_bundles>
// kernel: kernel.4.cloned.1.call-start
scs
__scs_entry_jumppad:
0x0: {  	(pc) =	sbr.rel $0x88, $3  }
0x1: {  	(tag) =	ssettag $0x0;
	lr =	simm.s32 $0x1  }
0x2: {  	[smem:$0x3F9C] =	sst lr;
	_ =	strace $0xD0000000  }
0x3: {  	_ = 	snop  }
0x4: {  	_ = 	snop  }
0x5: {  	_ = 	snop  }
0x6: {  	_ = 	snop  }
0x7: {  	_ = 	snop  }
__scs_overlays_trampoline_lowered:
0x8: {  	[smem:$0x3FAB] =	sst s0  }
0x9: {  	[smem:$0x3FAC] =	sst s1  }
0xa: {  	[smem:$0x3FAD] =	sst s2  }
0xb: {  	[smem:$0x3FAE] =	sst s3  }
0xc: {  	[smem:$0x3FAF] =	sst s4  }
0xd: {  	[smem:$0x3FB0] =	sst s5  }
0xe: {  	[smem:$0x3FB1] =	sst s6  }
0xf: {  	[smem:$0x3FB2] =	sst s7  }
0x10: {  	[smem:$0x3FB3] =	sst s8  }
0x11: {  	[smem:$0x3FB4] =	sst s9;
	s0 =	simm.s32 @!p0 $0x0  }
0x12: {  	s1 =	sld [smem:$0x3F9A];
	s0 =	simm.s32 @p0 $0x1  }
0x13: {  	[smem:$0x3FB5] =	sst s0;
	s0 =	simm.s32 @!p1 $0x0  }
0x14: {  	s2 =	sld [smem:$0x3F99];
	s0 =	simm.s32 @p1 $0x1  }
0x15: {  	[smem:$0x3FB6] =	sst s0;
	s0 =	simm.s32 @!p2 $0x0  }
0x16: {  	s3 =	sld [smem:$0x3FDB];
	s0 =	simm.s32 @p2 $0x1  }
0x17: {  	s4 =	simm.s32 $0x1BF5;
	[smem:$0x3FB8] =	sst s0  }
0x18: {  	s0 =	sld [smem:$0x3F9B];
	_ =	swait.ge [sflag:s4], $0x0  }
0x19: {  	s7 =	sld [smem:$0x3F9C]  }
0x1a: {  	s8 =	sadd.s32 $0xFFFFE003, lr  }
0x1b: {  	s9 =	sadd.s32 $0xFFFFFEF7, lr;
	s5 =	simm.s32 $0xFFFFFFFF;
	p2 =	slt.u32 s8, $0xFFFFF086  }
0x1c: {  	p1 =	slt.u32 s9, $0xF7A;
	s5 =	simm.s32 @!p2 $0x0  }
0x1d: {  	s5 =	simm.s32 @p1 $0x1;
	p0 =	seq.s32 s7, s2  }
0x1e: {  	s7 =	smul.u32 @!p0 $0xF7A, s2;
	p2 =	seq.s32 @!p0 s5, $0x0  }
0x1f: {  	s9 =	smul.u32 $0xF7A, s1;
	s8 =	simm.s32 @!p0 $0x1BF5;
	p2 =	por !p2, p0  }
0x20: {  	[sflag:s8] =	ssyncset.s32 @!p0 $0xFFFFF086;
	s6 =	sadd.s32 @!p0 s3, s7;
	s7 =	simm.s32 @!p0 $0x108  }
0x21: {  	s3 =	sadd.s32 s3, s9;
	s6 =	sadd.s32 @!p0 $0x88, s6;
	s7 =	simm.s32 @p2 $0x1082  }
0x22: {  	[simem:s7], [sflag:s8] =	dma.local @!p0 [hbm:s6], $0xF7A  }
0x23: {  	s9 =	sor.u32 $0xD0000000, s2;
	s6 =	simm.s32 $0x108;
	_ =	swait.ge @!p0 [sflag:s8], $0x0  }
0x24: {  	s3 =	sadd.s32 $0x88, s3;
	s6 =	simm.s32 @!p1 $0x1082;
	[sflag:s4] =	ssyncset.s32 $0xFFFFF086  }
0x25: {  	[simem:s6], [sflag:s4] =	dma.local [hbm:s3], $0xF7A  }
0x26: {  	[smem:$0x3F9C] =	sst s1;
	(tag) =	ssettag s2;
	_ =	strace s9  }
0x27: {  	s1 =	sld [smem:$0x3FAC]  }
0x28: {  	s2 =	sld [smem:$0x3FAD]  }
0x29: {  	s4 =	sld [smem:$0x3FAF]  }
0x2a: {  	p0 =	seq.s32 s5, $0x0;
	s5 =	sld [smem:$0x3FB0]  }
0x2b: {  	s6 =	sld [smem:$0x3FB1]  }
0x2c: {  	s7 =	sld [smem:$0x3FB2]  }
0x2d: {  	s3 =	simm.s32 $0x108;
	s8 =	sld [smem:$0x3FB3]  }
0x2e: {  	s3 =	simm.s32 @!p0 $0x1082;
	s9 =	sld [smem:$0x3FB4]  }
0x2f: {  	lr =	sadd.s32 s0, s3;
	s0 =	sld [smem:$0x3FAB]  }
0x30: {  	s3 =	sld [smem:$0x3FAE]  }
0x31: {  	[smem:$0x3FB7] =	sst s10  }
0x32: {  	s10 =	sld [smem:$0x3FB5];
	_ =	sdelay $0x3  }
0x33: {  	p0 =	seq.s32 s10, $0x1;
	s10 =	sld [smem:$0x3FB7];
	_ =	sdelay $0x3  }
0x34: {  	[smem:$0x3FB7] =	sst s10  }
0x35: {  	s10 =	sld [smem:$0x3FB6];
	_ =	sdelay $0x3  }
0x36: {  	p1 =	seq.s32 s10, $0x1;
	s10 =	sld [smem:$0x3FB7];
	_ =	sdelay $0x3  }
0x37: {  	[smem:$0x3FB7] =	sst s10  }
0x38: {  	s10 =	sld [smem:$0x3FB8]  }
0x39: {  	_ = 	snop;
	(pc) =	sbr.ind lr, $3  }
0x3a: {  	_ = 	snop  }
0x3b: {  	_ = 	snop  }
0x3c: {  	p2 =	seq.s32 s10, $0x1;
	s10 =	sld [smem:$0x3FB7]  }
0x3d: {  	_ =	shalt  }
0x3e: {  	_ =	shalt  }
0x3f: {  	_ =	shalt  }
0x40: {  	_ =	shalt  }
0x41: {  	_ =	shalt  }
0x42: {  	_ =	shalt  }
0x43: {  	_ =	shalt  }
0x44: {  	_ =	shalt  }
0x45: {  	_ =	shalt  }
0x46: {  	_ =	shalt  }
0x47: {  	_ =	shalt  }
0x48: {  	_ =	shalt  }
0x49: {  	_ =	shalt  }
0x4a: {  	_ =	shalt  }
0x4b: {  	_ =	shalt  }
0x4c: {  	_ =	shalt  }
0x4d: {  	_ =	shalt  }
0x4e: {  	_ =	shalt  }
0x4f: {  	_ =	shalt  }
0x50: {  	_ =	shalt  }
0x51: {  	_ =	shalt  }
0x52: {  	_ =	shalt  }
0x53: {  	_ =	shalt  }
0x54: {  	_ =	shalt  }
0x55: {  	_ =	shalt  }
0x56: {  	_ =	shalt  }
0x57: {  	_ =	shalt  }
0x58: {  	_ =	shalt  }
0x59: {  	_ =	shalt  }
0x5a: {  	_ =	shalt  }
0x5b: {  	_ =	shalt  }
0x5c: {  	_ =	shalt  }
0x5d: {  	_ =	shalt  }
0x5e: {  	_ =	shalt  }
0x5f: {  	_ =	shalt  }
0x60: {  	_ =	shalt  }
0x61: {  	_ =	shalt  }
0x62: {  	_ =	shalt  }
0x63: {  	_ =	shalt  }
0x64: {  	_ =	shalt  }
0x65: {  	_ =	shalt  }
0x66: {  	_ =	shalt  }
0x67: {  	_ =	shalt  }
0x68: {  	_ =	shalt  }
0x69: {  	_ =	shalt  }
0x6a: {  	_ =	shalt  }
0x6b: {  	_ =	shalt  }
0x6c: {  	_ =	shalt  }
0x6d: {  	_ =	shalt  }
0x6e: {  	_ =	shalt  }
0x6f: {  	_ =	shalt  }
0x70: {  	_ =	shalt  }
0x71: {  	_ =	shalt  }
0x72: {  	_ =	shalt  }
0x73: {  	_ =	shalt  }
0x74: {  	_ =	shalt  }
0x75: {  	_ =	shalt  }
0x76: {  	_ =	shalt  }
0x77: {  	_ =	shalt  }
0x78: {  	_ =	shalt  }
0x79: {  	_ =	shalt  }
0x7a: {  	_ =	shalt  }
0x7b: {  	_ =	shalt  }
0x7c: {  	_ =	shalt  }
0x7d: {  	_ =	shalt  }
0x7e: {  	_ =	shalt  }
0x7f: {  	_ =	shalt  }
0x80: {  	_ =	shalt  }
0x81: {  	_ =	shalt  }
0x82: {  	_ =	shalt  }
0x83: {  	_ =	shalt  }
0x84: {  	_ =	shalt  }
0x85: {  	_ =	shalt  }
0x86: {  	_ =	shalt  }
0x87: {  	_ =	shalt  }
.Lfunc_end0:
.L_simem_size_0:
called_computation_lowered:
.L_overlay_start_0:
0x88: {  	s2 =	sld [smem:$0x3FD9]  }
0x89: {  	s3 =	sld [smem:$0x3FFE];
	_ =	sdelay $0x1  }
0x8a: {  	s1 =	srdreg.scid  }
0x8b: {  	s0 =	sand.u32 $0x1, s1  }
0x8c: {  	s17 =	sshll.u32 s0, $0xA;
	s2 =	sadd.s32 s3, s2  }
0x8d: {  	s2 =	sadd.s32 s2, s17  }
0x8e: {  	[smem:$0x3FC3] =	sst s2  }
0x8f: {  	_ = 	snop  }
0x90: {  	s2 =	sld [smem:$0x3FC9]  }
0x91: {  	s18 =	sld [smem:$0x3FD0];
	(tm) =	ssettm $0x1  }
0x92: {  	s4 =	sld [smem:$0x3FFB];
	_ =	sdelay $0x3  }
0x93: {  	_ =	strace s4  }
0x94: {  	s4 =	sld [smem:$0x3FFC];
	_ =	sdelay $0x3  }
0x95: {  	_ =	strace s4  }
0x96: {  	s4 =	sld [smem:$0x3FFD];
	_ =	sdelay $0x3  }
0x97: {  	_ =	strace s4  }
0x98: {  	_ =	strace $0x8FFFFFFF  }
0x99: {  	s19 =	sld [smem:$0x3FDB];
	_ =	sdelay $0x1  }
0x9a: {  	s5 =	simm.s32 $_scs_section_size  }
0x9b: {  	s6 =	simm.s32 $_size__tile_overlayer_lowered;
	s7 =	simm.s32 $_tile_overlayer_lowered  }
0x9c: {  	s22 =	simm.s32 $0x1BFF;
	s21 =	sshll.u32 s7, $0x1;
	s4 =	sadd.s32 s5, s19  }
0x9d: {  	s8 =	simm.s32 $0x0;
	s20 =	sshll.u32 s6, $0x1;
	s6 =	sadd.s32 s21, s4  }
0x9e: {  	[timem:s8], [sflag:s22] =	dma.local [hbm:s6], s20  }
0x9f: {  	_ =	swait.ge [sflag:s22], s20  }
0xa0: {  	s5 =	ssub.s32 $0x0, s20;
	[sflag:s22] =	ssyncset.done $0x0  }
0xa1: {  	[sflag:s22] =	ssyncadd.s32 s5;
	_ =	sdelay $0x1  }
0xa2: {  	s23 =	simm.s32 $0x1B8B  }
0xa3: {  	_ =	swait.ge [sflag:s23], $0x1  }
0xa4: {  	[sflag:s23] =	ssyncset.done $0x0  }
0xa5: {  	s25 =	simm.s32 $0x1B8E;
	s24 =	sld [smem:$0x3FFE];
	[sflag:s23] =	ssyncadd.s32 $0xFFFFFFFF  }
0xa6: {  	s26 =	simm.s32 $execute0_lowered;
	[smem:$0x3FD2] =	sst s25  }
0xa7: {  	s6 =	sshll.u32 s26, $0x1;
	_ =	strace $0x80000046;
	[dreg:$0x1] =	wrdreg $0xFFFFFFFF  }
0xa8: {  	s28 =	simm.s32 $_size_execute0_lowered;
	s4 =	sadd.s32 s4, s6;
	[dreg:$0x0] =	wrdreg $0x0  }
0xa9: {  	s6 =	sshll.u32 s28, $0x1;
	[dreg:$0x2] =	wrdreg s4  }
0xaa: {  	[dreg:$0x3] =	wrdreg s6  }
0xab: {  	[dreg:$0x4] =	wrdreg $0xC0  }
0xac: {  	_ =	task [dreg:s8], $0x5FFFF  }
0xad: {  	[dreg:$0x1] =	wrdreg $0xFFFFFFFF  }
0xae: {  	[dreg:$0x0] =	wrdreg $0x60  }
0xaf: {  	[dreg:$0x2] =	wrdreg s2  }
0xb0: {  	[dreg:$0x3] =	wrdreg s24  }
0xb1: {  	[dreg:$0x4] =	wrdreg s18  }
0xb2: {  	[dreg:$0x5] =	wrdreg $0xBC000  }
0xb3: {  	[dreg:$0x6] =	wrdreg $0x9  }
0xb4: {  	_ =	task.clear_ibuf [dreg:s8], $0x7FFFF;
	_ =	strace $0x90000046  }
0xb5: {  	s29 =	simm.s32 $0x9;
	_ =	strace $0x80000048  }
0xb6: {  	_ =	swait.ge [sflag:s29], $0x1  }
0xb7: {  	[sflag:s29] =	ssyncadd.s32 $0xFFFFFFFF  }
0xb8: {  	_ =	strace $0x90000048  }
0xb9: {  	_ =	sfence  }
0xba: {  	s30 =	sld [smem:$0x0];
	_ =	sdelay $0x2  }
0xbb: {  	s31 =	sshll.u32 s1, $0xD;
	s1 =	sshrl.u32 s1, $0x2  }
0xbc: {  	s3 =	sand.u32 $0x4000, s31;
	s1 =	sadd.s32 s1, s30  }
0xbd: {  	s0 =	sor.u32 s3, s0;
	s1 =	sshll.u32 s1, $0x11  }
0xbe: {  	s0 =	sor.u32 s1, s0  }
0xbf: {  	s0 =	sadd.s32 $0x8F2B, s0  }
0xc0: {  	[sflag:s0] =	ssyncadd.remote.s32 $0x1  }
0xc1: {  	_ =	sfence.sel $0xFFFF  }
0xc2: {  	[dreg:$0x0] =	wrdreg $0xFFFFFFFF;
	(pc) =	sbr.abs _section_cstart, $3  }
0xc3: {  	[dreg:$0x1] =	wrdreg $0xFFFFFFFF  }
0xc4: {  	_ =	task.clear_ibuf [dreg:s8], $0x2FFFF;
	_ =	strace $0x9FFFFFFF  }
0xc5: {  	(tm) =	ssettm $0x7FFFFFFF  }
tec
execute0_lowered:
.L_overlay_start_1:
0x0: {  	(tag) =	ssettag $0x1  }
0x1: {  	s1 =	rddreg [dreg:$0x0]  }
0x2: {  	s0 =	rddreg [dreg:$0x1]  }
0x3: {  	s2 =	rddreg [dreg:$0x2]  }
0x4: {  	s3 =	rddreg [dreg:$0x3];
	s11 =	stileid.u32  }
0x5: {  	s5 =	srdreg.scid;
	s6 =	smul.u32 $0x13880, s11  }
0x6: {  	s5 =	sand.u32 $0x1, s5;
	s8 =	sshll.u32 s11, $0x1;
	s11 =	smul.u32 $0x4E200, s11  }
0x7: {  	s4 =	simm.s32 $0x0;
	s7 =	smul.u32 $0x138800, s5;
	s8 =	sor.u32 s5, s8  }
0x8: {  	[smem:$0x7FF] =	sst s4;
	s9 =	sadd.s32 $0xA600, s0;
	s8 =	smul.u32 $0x2800, s8  }
0x9: {  	s10 =	sadd.s32 $0x600, s0;
	_ =	strace $0x80000047;
	s11 =	sshrl.u32 s11, $0x2  }
0xa: {  	s7 =	sadd.s32 s6, s7;
	s6 =	sadd.s32 s6, s3;
	s12 =	sshrl.u32 s8, $0x3  }
0xb: {  	s7 =	sshrl.u32 s7, $0x3;
	[smem:$0x7F2] =	sst s6;
	s8 =	sadd.s32 s9, s12  }
0xc: {  	s0 =	sadd.s32 s7, s0;
	s13 =	sadd.s32 s10, s12;
	[dreg:$0x5] =	wrdreg s8  }
0xd: {  	s7 =	sadd.s32 s11, s3;
	s8 =	sadd.s32 s2, s12;
	[dreg:$0x7] =	wrdreg s13  }
0xe: {  	s14 =	sadd.s32 $0xC80, s7;
	[dreg:$0x6] =	wrdreg s8  }
0xf: {  	s15 =	sadd.s32 $0x1900, s7;
	[dreg:$0x8] =	wrdreg s14  }
0x10: {  	s16 =	sadd.s32 $0x2580, s7;
	[dreg:$0x9] =	wrdreg s15  }
0x11: {  	s18 =	sadd.s32 $0x140, s12;
	s17 =	sadd.s32 $0x3200, s7;
	[dreg:$0xa] =	wrdreg s16  }
0x12: {  	s19 =	sadd.s32 s9, s18;
	[dreg:$0xb] =	wrdreg s17  }
0x13: {  	s20 =	sadd.s32 s2, s18;
	[dreg:$0xc] =	wrdreg s19  }
0x14: {  	s21 =	sadd.s32 $0x280, s12;
	s6 =	sadd.s32 s10, s18;
	[dreg:$0xd] =	wrdreg s20  }
0x15: {  	s22 =	sadd.s32 s9, s21;
	[dreg:$0xe] =	wrdreg s6  }
0x16: {  	s24 =	sadd.s32 s2, s21;
	[dreg:$0xf] =	wrdreg s22  }
0x17: {  	s23 =	sadd.s32 $0x3C0, s12;
	s11 =	sadd.s32 s10, s21;
	[dreg:$0x10] =	wrdreg s24  }
0x18: {  	s9 =	sadd.s32 s9, s23;
	[dreg:$0x11] =	wrdreg s11  }
0x19: {  	s5 =	ssub.s32 $0x2, s5;
	s2 =	sadd.s32 s2, s23;
	[dreg:$0x12] =	wrdreg s9  }
0x1a: {  	s26 =	sshrl.u32 s5, $0x1;
	s25 =	sadd.s32 s10, s23;
	[dreg:$0x13] =	wrdreg s2  }
0x1b: {  	s5 =	ssub.s32 s5, s26;
	s26 =	sadd.s32 $0x3E80, s7;
	[dreg:$0x14] =	wrdreg s25  }
0x1c: {  	s10 =	sadd.s32 $0x7080, s7;
	[dreg:$0x15] =	wrdreg s26  }
0x1d: {  	s12 =	sadd.s32 $0x8980, s7;
	[dreg:$0x19] =	wrdreg s10  }
0x1e: {  	s13 =	sadd.s32 $0x9600, s7;
	[dreg:$0x1b] =	wrdreg s12  }
0x1f: {  	s18 =	sadd.s32 $0xD480, s7;
	[dreg:$0x1c] =	wrdreg s13  }
0x20: {  	s21 =	sadd.s32 $0xFA00, s7;
	[smem:$0x7F4] =	sst s18  }
0x21: {  	s23 =	sadd.s32 $0x11300, s7;
	[smem:$0x7F7] =	sst s21  }
0x22: {  	s0 =	sadd.s32 $0x14600, s0;
	[smem:$0x7F9] =	sst s23  }
0x23: {  	s6 =	sadd.s32 $0x4B00, s7;
	[smem:$0x7FC] =	sst s0  }
0x24: {  	s8 =	sadd.s32 $0x5780, s7;
	[dreg:$0x16] =	wrdreg s6  }
0x25: {  	s9 =	sadd.s32 $0x6400, s7;
	[dreg:$0x17] =	wrdreg s8  }
0x26: {  	s28 =	simm.s32 $0x1;
	s11 =	sadd.s32 $0x7D00, s7;
	[dreg:$0x18] =	wrdreg s9  }
0x27: {  	s29 =	simm.s32 $0x2;
	s14 =	sadd.s32 $0xA280, s7;
	[dreg:$0x1a] =	wrdreg s11  }
0x28: {  	s30 =	simm.s32 $0x3;
	s15 =	sadd.s32 $0xAF00, s7;
	[dreg:$0x1d] =	wrdreg s14  }
0x29: {  	s31 =	simm.s32 $0x2B00;
	s16 =	sadd.s32 $0xBB80, s7;
	[dreg:$0x1e] =	wrdreg s15  }
0x2a: {  	s17 =	sadd.s32 $0xC800, s7;
	s19 =	sadd.s32 $0xE100, s7;
	[dreg:$0x1f] =	wrdreg s16  }
0x2b: {  	s20 =	sadd.s32 $0xED80, s7;
	s22 =	sadd.s32 $0x10680, s7;
	[smem:$0x7F3] =	sst s17  }
0x2c: {  	s24 =	sadd.s32 $0x11F80, s7;
	s25 =	sadd.s32 $0x12C00, s7;
	[smem:$0x7F5] =	sst s19  }
0x2d: {  	s26 =	smax.u32 s5, $0x1;
	s5 =	simm.s32 $0x1400;
	[smem:$0x7F6] =	sst s20  }
0x2e: {  	s21 =	simm.s32 $0x4;
	s0 =	simm.s32 $0x6;
	[smem:$0x7F8] =	sst s22  }
0x2f: {  	s7 =	simm.s32 $0x2800;
	s23 =	simm.s32 $0xA00;
	[smem:$0x7FA] =	sst s24  }
0x30: {  	s10 =	simm.s32 $0x1F80;
	s12 =	simm.s32 $0x2000;
	[smem:$0x7FB] =	sst s25  }
0x31: {  	s13 =	simm.s32 $0x2980;
	[smem:$0x7FD] =	sst s26;
	s6 =	simm.s32 $0xA00  }
0x32: {  	s19 =	simm.s32 $0x3C00;
	s20 =	simm.s32 $0x5;
	s22 =	simm.s32 $0x80  }
0x33: {  	s26 =	simm.s32 $0x7C00;
	s16 =	simm.s32 $0x0;
	s24 =	simm.s32 $0x1E00  }
0x34: {  	s9 =	simm.s32 $0x2880;
	s11 =	simm.s32 $0x2900;
	s14 =	simm.s32 $0x2080  }
0x35: {  	v0 =	vimm.f32 $0.0e+00;
	s15 =	simm.s32 $0x2A00;
	s17 =	simm.s32 $0x2100;
	s25 =	simm.s32 $0x2180  }
.LBB2_1:
0x36: {  	s2 =	rddreg [dreg:$0x5]  }
0x37: {  	[tilespmem:s4], [sflag:$0x4] =	stream.linear.gather [hbm4b:s2+s4], $0xA00, $0x38;
	[tilespmem:$0x1F480] =	vst v63  }
0x38: {  	s8 =	rddreg [dreg:$0x6]  }
0x39: {  	[tilespmem:s6], [sflag:$0x4] =	stream.linear.gather [hbm4b:s8+s4], $0xA00, $0x38;
	[tilespmem:$0x1F480] =	vst v63  }
0x3a: {  	s18 =	rddreg [dreg:$0x7]  }
0x3b: {  	[tilespmem:s5], [sflag:$0x4] =	stream.linear.gather [hbm4b:s18+s4], $0xA00, $0x38;
	[tilespmem:$0x1F480] =	vst v63  }
0x3c: {  	s2 =	simm.s32 $0x200;
	s18 =	simm.s32 $0x0  }
.LBB2_2:
0x3d: {  	p0 =	sne.s32 s2, $0x3000;
	[tilespmem:s18+$0x3C70] =	vst v0  }
0x3e: {  	[tilespmem:s18+$0x3C00] =	vst v0  }
0x3f: {  	[tilespmem:s18+$0x3C10] =	vst v0  }
.Ltmp0:
0x40: {  	[tilespmem:s18+$0x3C20] =	vst v0;
	(pc) =	sbr.rel @p0 .LBB2_2-.Ltmp0, $4  }
0x41: {  	[tilespmem:s18+$0x3C30] =	vst v0  }
0x42: {  	[tilespmem:s18+$0x3C40] =	vst v0  }
0x43: {  	[tilespmem:s18+$0x3C50] =	vst v0  }
0x44: {  	[tilespmem:s18+$0x3C60] =	vst v0;
	s18 =	sshra.s32 s2, $0x2;
	s2 =	sadd.s32 $0x200, s2  }
0x45: {  	[tilespmem:s18+$0x3C70] =	vst v0  }
0x46: {  	[tilespmem:s18+$0x3C00] =	vst v0  }
0x47: {  	[tilespmem:s18+$0x3C10] =	vst v0  }
0x48: {  	[tilespmem:s18+$0x3C20] =	vst v0  }
0x49: {  	[tilespmem:s18+$0x3C30] =	vst v0  }
0x4a: {  	[tilespmem:s18+$0x3C40] =	vst v0;
	s2 =	sld [smem:$0x7F2]  }
0x4b: {  	[tilespmem:s18+$0x3C50] =	vst v0  }
0x4c: {  	[tilespmem:s18+$0x3C60] =	vst v0;
	s18 =	rddreg [dreg:$0x8]  }
0x4d: {  	[spmem:s2] =	stream.linear.scatter [tilespmem:s19], [sflag:$0x5], $0xC80, $0x38;
	[tilespmem:$0x1F480] =	vst v63  }
0x4e: {  	s8 =	rddreg [dreg:$0x9]  }
0x4f: {  	[spmem:s18] =	stream.linear.scatter [tilespmem:s19], [sflag:$0x5], $0xC80, $0x38;
	[tilespmem:$0x1F480] =	vst v63  }
0x50: {  	s18 =	rddreg [dreg:$0xa]  }
0x51: {  	[spmem:s8] =	stream.linear.scatter [tilespmem:s19], [sflag:$0x5], $0xC80, $0x38;
	[tilespmem:$0x1F480] =	vst v63  }
0x52: {  	s8 =	rddreg [dreg:$0xb]  }
0x53: {  	[spmem:s18] =	stream.linear.scatter [tilespmem:s19], [sflag:$0x5], $0xC80, $0x38;
	[tilespmem:$0x1F480] =	vst v63  }
0x54: {  	s18 =	rddreg [dreg:$0x15]  }
0x55: {  	[spmem:s8] =	stream.linear.scatter [tilespmem:s19], [sflag:$0x5], $0xC80, $0x38;
	[tilespmem:$0x1F480] =	vst v63  }
0x56: {  	s8 =	rddreg [dreg:$0x16]  }
0x57: {  	[spmem:s18] =	stream.linear.scatter [tilespmem:s19], [sflag:$0x5], $0xC80, $0x38;
	[tilespmem:$0x1F480] =	vst v63  }
0x58: {  	s18 =	rddreg [dreg:$0x17]  }
0x59: {  	[spmem:s8] =	stream.linear.scatter [tilespmem:s19], [sflag:$0x5], $0xC80, $0x38;
	[tilespmem:$0x1F480] =	vst v63  }
0x5a: {  	s8 =	rddreg [dreg:$0x18]  }
0x5b: {  	[spmem:s18] =	stream.linear.scatter [tilespmem:s19], [sflag:$0x5], $0xC80, $0x38;
	[tilespmem:$0x1F480] =	vst v63  }
0x5c: {  	s18 =	rddreg [dreg:$0x19]  }
0x5d: {  	[spmem:s8] =	stream.linear.scatter [tilespmem:s19], [sflag:$0x5], $0xC80, $0x38;
	[tilespmem:$0x1F480] =	vst v63  }
0x5e: {  	s8 =	rddreg [dreg:$0x1a]  }
0x5f: {  	[spmem:s18] =	stream.linear.scatter [tilespmem:s19], [sflag:$0x5], $0xC80, $0x38;
	[tilespmem:$0x1F480] =	vst v63  }
0x60: {  	s18 =	rddreg [dreg:$0x1b]  }
0x61: {  	[spmem:s8] =	stream.linear.scatter [tilespmem:s19], [sflag:$0x5], $0xC80, $0x38;
	[tilespmem:$0x1F480] =	vst v63  }
0x62: {  	s8 =	rddreg [dreg:$0x1c]  }
0x63: {  	[spmem:s18] =	stream.linear.scatter [tilespmem:s19], [sflag:$0x5], $0xC80, $0x38;
	[tilespmem:$0x1F480] =	vst v63  }
0x64: {  	s18 =	rddreg [dreg:$0x1d]  }
0x65: {  	[spmem:s8] =	stream.linear.scatter [tilespmem:s19], [sflag:$0x5], $0xC80, $0x38;
	[tilespmem:$0x1F480] =	vst v63  }
0x66: {  	s8 =	rddreg [dreg:$0x1e]  }
0x67: {  	[spmem:s18] =	stream.linear.scatter [tilespmem:s19], [sflag:$0x5], $0xC80, $0x38;
	[tilespmem:$0x1F480] =	vst v63  }
0x68: {  	s18 =	rddreg [dreg:$0x1f]  }
0x69: {  	[spmem:s8] =	stream.linear.scatter [tilespmem:s19], [sflag:$0x5], $0xC80, $0x38;
	[tilespmem:$0x1F480] =	vst v63  }
0x6a: {  	s8 =	sld [smem:$0x7F3]  }
0x6b: {  	[spmem:s18] =	stream.linear.scatter [tilespmem:s19], [sflag:$0x5], $0xC80, $0x38;
	[tilespmem:$0x1F480] =	vst v63  }
0x6c: {  	s18 =	sld [smem:$0x7F4]  }
0x6d: {  	[spmem:s8] =	stream.linear.scatter [tilespmem:s19], [sflag:$0x5], $0xC80, $0x38;
	[tilespmem:$0x1F480] =	vst v63  }
0x6e: {  	s8 =	sld [smem:$0x7F5]  }
0x6f: {  	[spmem:s18] =	stream.linear.scatter [tilespmem:s19], [sflag:$0x5], $0xC80, $0x38;
	[tilespmem:$0x1F480] =	vst v63  }
0x70: {  	s18 =	sld [smem:$0x7F6]  }
0x71: {  	[spmem:s8] =	stream.linear.scatter [tilespmem:s19], [sflag:$0x5], $0xC80, $0x38;
	[tilespmem:$0x1F480] =	vst v63  }
0x72: {  	s8 =	sld [smem:$0x7F7]  }
0x73: {  	[spmem:s18] =	stream.linear.scatter [tilespmem:s19], [sflag:$0x5], $0xC80, $0x38;
	[tilespmem:$0x1F480] =	vst v63  }
0x74: {  	s18 =	sld [smem:$0x7F8]  }
0x75: {  	[spmem:s8] =	stream.linear.scatter [tilespmem:s19], [sflag:$0x5], $0xC80, $0x38;
	[tilespmem:$0x1F480] =	vst v63  }
0x76: {  	s8 =	sld [smem:$0x7F9]  }
0x77: {  	[spmem:s18] =	stream.linear.scatter [tilespmem:s19], [sflag:$0x5], $0xC80, $0x38;
	[tilespmem:$0x1F480] =	vst v63  }
0x78: {  	s18 =	sld [smem:$0x7FA]  }
0x79: {  	[spmem:s8] =	stream.linear.scatter [tilespmem:s19], [sflag:$0x5], $0xC80, $0x38;
	[tilespmem:$0x1F480] =	vst v63  }
0x7a: {  	s8 =	sld [smem:$0x7FB]  }
0x7b: {  	[spmem:s18] =	stream.linear.scatter [tilespmem:s19], [sflag:$0x5], $0xC80, $0x38;
	[tilespmem:$0x1F480] =	vst v63  }
0x7c: {  	_ = 	snop  }
0x7d: {  	[spmem:s8] =	stream.linear.scatter [tilespmem:s19], [sflag:$0x5], $0xC80, $0x38;
	[tilespmem:$0x1F480] =	vst v63  }
0x7e: {  	_ =	swait.ge [sflag:s20], $0xC80  }
0x7f: {  	[sflag:s20] =	ssyncset.done $0x0  }
0x80: {  	[sflag:s20] =	ssyncadd.s32 $0xFFFFF380  }
0x81: {  	_ =	swait.ge [sflag:s20], $0xC80  }
0x82: {  	[sflag:s20] =	ssyncset.done $0x0  }
0x83: {  	[sflag:s20] =	ssyncadd.s32 $0xFFFFF380  }
0x84: {  	_ =	swait.ge [sflag:s20], $0xC80  }
0x85: {  	[sflag:s20] =	ssyncset.done $0x0  }
0x86: {  	[sflag:s20] =	ssyncadd.s32 $0xFFFFF380  }
0x87: {  	_ =	swait.ge [sflag:s20], $0xC80  }
0x88: {  	[sflag:s20] =	ssyncset.done $0x0  }
0x89: {  	[sflag:s20] =	ssyncadd.s32 $0xFFFFF380  }
0x8a: {  	_ =	swait.ge [sflag:s20], $0xC80  }
0x8b: {  	[sflag:s20] =	ssyncset.done $0x0  }
0x8c: {  	[sflag:s20] =	ssyncadd.s32 $0xFFFFF380  }
0x8d: {  	_ =	swait.ge [sflag:s20], $0xC80  }
0x8e: {  	[sflag:s20] =	ssyncset.done $0x0  }
0x8f: {  	[sflag:s20] =	ssyncadd.s32 $0xFFFFF380  }
0x90: {  	_ =	swait.ge [sflag:s20], $0xC80  }
0x91: {  	[sflag:s20] =	ssyncset.done $0x0  }
0x92: {  	[sflag:s20] =	ssyncadd.s32 $0xFFFFF380  }
0x93: {  	_ =	swait.ge [sflag:s20], $0xC80  }
0x94: {  	[sflag:s20] =	ssyncset.done $0x0  }
0x95: {  	[sflag:s20] =	ssyncadd.s32 $0xFFFFF380  }
0x96: {  	_ =	swait.ge [sflag:s20], $0xC80  }
0x97: {  	[sflag:s20] =	ssyncset.done $0x0  }
0x98: {  	[sflag:s20] =	ssyncadd.s32 $0xFFFFF380  }
0x99: {  	_ =	swait.ge [sflag:s20], $0xC80  }
0x9a: {  	[sflag:s20] =	ssyncset.done $0x0  }
0x9b: {  	[sflag:s20] =	ssyncadd.s32 $0xFFFFF380  }
0x9c: {  	_ =	swait.ge [sflag:s20], $0xC80  }
0x9d: {  	[sflag:s20] =	ssyncset.done $0x0  }
0x9e: {  	[sflag:s20] =	ssyncadd.s32 $0xFFFFF380  }
0x9f: {  	_ =	swait.ge [sflag:s20], $0xC80  }
0xa0: {  	[sflag:s20] =	ssyncset.done $0x0  }
0xa1: {  	[sflag:s20] =	ssyncadd.s32 $0xFFFFF380  }
0xa2: {  	_ =	swait.ge [sflag:s20], $0xC80  }
0xa3: {  	[sflag:s20] =	ssyncset.done $0x0  }
0xa4: {  	[sflag:s20] =	ssyncadd.s32 $0xFFFFF380  }
0xa5: {  	_ =	swait.ge [sflag:s20], $0xC80  }
0xa6: {  	[sflag:s20] =	ssyncset.done $0x0  }
0xa7: {  	[sflag:s20] =	ssyncadd.s32 $0xFFFFF380  }
0xa8: {  	_ =	swait.ge [sflag:s20], $0xC80  }
0xa9: {  	[sflag:s20] =	ssyncset.done $0x0  }
0xaa: {  	[sflag:s20] =	ssyncadd.s32 $0xFFFFF380  }
0xab: {  	_ =	swait.ge [sflag:s20], $0xC80  }
0xac: {  	[sflag:s20] =	ssyncset.done $0x0  }
0xad: {  	[sflag:s20] =	ssyncadd.s32 $0xFFFFF380  }
0xae: {  	_ =	swait.ge [sflag:s20], $0xC80  }
0xaf: {  	[sflag:s20] =	ssyncset.done $0x0  }
0xb0: {  	[sflag:s20] =	ssyncadd.s32 $0xFFFFF380  }
0xb1: {  	_ =	swait.ge [sflag:s20], $0xC80  }
0xb2: {  	[sflag:s20] =	ssyncset.done $0x0  }
0xb3: {  	[sflag:s20] =	ssyncadd.s32 $0xFFFFF380  }
0xb4: {  	_ =	swait.ge [sflag:s20], $0xC80  }
0xb5: {  	[sflag:s20] =	ssyncset.done $0x0  }
0xb6: {  	[sflag:s20] =	ssyncadd.s32 $0xFFFFF380  }
0xb7: {  	_ =	swait.ge [sflag:s20], $0xC80  }
0xb8: {  	[sflag:s20] =	ssyncset.done $0x0  }
0xb9: {  	[sflag:s20] =	ssyncadd.s32 $0xFFFFF380  }
0xba: {  	_ =	swait.ge [sflag:s20], $0xC80  }
0xbb: {  	[sflag:s20] =	ssyncset.done $0x0  }
0xbc: {  	[sflag:s20] =	ssyncadd.s32 $0xFFFFF380  }
0xbd: {  	_ =	swait.ge [sflag:s20], $0xC80  }
0xbe: {  	[sflag:s20] =	ssyncset.done $0x0  }
0xbf: {  	[sflag:s20] =	ssyncadd.s32 $0xFFFFF380  }
0xc0: {  	_ =	swait.ge [sflag:s20], $0xC80  }
0xc1: {  	[sflag:s20] =	ssyncset.done $0x0  }
0xc2: {  	[sflag:s20] =	ssyncadd.s32 $0xFFFFF380  }
0xc3: {  	_ =	swait.ge [sflag:s20], $0xC80  }
0xc4: {  	[sflag:s20] =	ssyncset.done $0x0  }
0xc5: {  	[sflag:s20] =	ssyncadd.s32 $0xFFFFF380  }
0xc6: {  	_ =	swait.ge [sflag:s20], $0xC80  }
0xc7: {  	[sflag:s20] =	ssyncset.done $0x0  }
0xc8: {  	[sflag:s20] =	ssyncadd.s32 $0xFFFFF380  }
0xc9: {  	_ =	swait.ge [sflag:s21], $0xA00  }
0xca: {  	[sflag:s21] =	ssyncset.done $0x0  }
0xcb: {  	[sflag:s21] =	ssyncadd.s32 $0xFFFFF600  }
0xcc: {  	_ =	swait.ge [sflag:s21], $0xA00  }
0xcd: {  	[sflag:s21] =	ssyncset.done $0x0  }
0xce: {  	[sflag:s21] =	ssyncadd.s32 $0xFFFFF600  }
0xcf: {  	_ =	swait.ge [sflag:s21], $0xA00  }
0xd0: {  	[sflag:s21] =	ssyncset.done $0x0  }
0xd1: {  	[sflag:s21] =	ssyncadd.s32 $0xFFFFF600  }
0xd2: {  	[tilespmem:s19], [sflag:$0x1] =	stream.indirect.gather [hbm4b:s1+s22], $0x80, s4, s22, $0xb8;
	[tilespmem:$0x1F480] =	vst v63  }
0xd3: {  	[bflag:$0x0] =	sbarrier.arrive $0xFFFF  }
0xd4: {  	s18 =	rddreg [dreg:$0xc]  }
0xd5: {  	[tilespmem:s24], [sflag:$0x4] =	stream.linear.gather [hbm4b:s18+s4], $0xA00, $0x38;
	[tilespmem:$0x1F480] =	vst v63  }
0xd6: {  	s8 =	rddreg [dreg:$0xd]  }
0xd7: {  	[tilespmem:s7], [sflag:$0x4] =	stream.linear.gather [hbm4b:s8+s4], $0xA00, $0x38;
	[tilespmem:$0x1F480] =	vst v63  }
0xd8: {  	s18 =	rddreg [dreg:$0xe];
	s8 =	simm.s32 $0x3200  }
0xd9: {  	[tilespmem:s8], [sflag:$0x4] =	stream.linear.gather [hbm4b:s18+s4], $0xA00, $0x38;
	[tilespmem:$0x1F480] =	vst v63  }
0xda: {  	_ = 	snop  }
0xdb: {  	[tilespmem:s26], [sflag:$0x2] =	stream.indirect.gather [hbm4b:s1+s22], $0x80, s22, s22, $0xb8;
	[tilespmem:$0x1F480] =	vst v63  }
0xdc: {  	_ =	swait.ge [sflag:s28], $0x4000  }
0xdd: {  	[sflag:s28] =	ssyncset.done $0x0  }
0xde: {  	[sflag:s28] =	ssyncadd.s32 $0xFFFFC000  }
0xdf: {  	[spmem:s3] =	stream.indirect.scatter.add.f32 [tilespmem:s19], [sflag:$0x3], $0x80, s6, s22, $0xb8;
	[tilespmem:$0x1F480] =	vst v63  }
0xe0: {  	_ =	swait.ge [sflag:s29], $0x4000  }
0xe1: {  	[sflag:s29] =	ssyncset.done $0x0  }
0xe2: {  	[sflag:s29] =	ssyncadd.s32 $0xFFFFC000  }
0xe3: {  	_ =	swait.ge [sflag:s30], $0x4000  }
0xe4: {  	[sflag:s30] =	ssyncset.done $0x0  }
0xe5: {  	s18 =	simm.s32 $0x100;
	[sflag:s30] =	ssyncadd.s32 $0xFFFFC000  }
0xe6: {  	[tilespmem:s19], [sflag:$0x1] =	stream.indirect.gather [hbm4b:s1+s22], $0x80, s18, s22, $0xb8;
	[tilespmem:$0x1F480] =	vst v63  }
0xe7: {  	s6 =	simm.s32 $0xA80  }
0xe8: {  	[spmem:s3] =	stream.indirect.scatter.add.f32 [tilespmem:s26], [sflag:$0x6], $0x80, s6, s22, $0xb8;
	[tilespmem:$0x1F480] =	vst v63  }
0xe9: {  	_ =	swait.ge [sflag:s0], $0x4000  }
0xea: {  	[sflag:s0] =	ssyncset.done $0x0  }
0xeb: {  	s8 =	simm.s32 $0x180;
	[sflag:s0] =	ssyncadd.s32 $0xFFFFC000  }
0xec: {  	[tilespmem:s26], [sflag:$0x2] =	stream.indirect.gather [hbm4b:s1+s22], $0x80, s8, s22, $0xb8;
	[tilespmem:$0x1F480] =	vst v63  }
0xed: {  	_ =	swait.ge [sflag:s28], $0x4000  }
0xee: {  	[sflag:s28] =	ssyncset.done $0x0  }
0xef: {  	s18 =	simm.s32 $0xB00;
	[sflag:s28] =	ssyncadd.s32 $0xFFFFC000  }
0xf0: {  	[spmem:s3] =	stream.indirect.scatter.add.f32 [tilespmem:s19], [sflag:$0x3], $0x80, s18, s22, $0xb8;
	[tilespmem:$0x1F480] =	vst v63  }
0xf1: {  	_ =	swait.ge [sflag:s29], $0x4000  }
0xf2: {  	[sflag:s29] =	ssyncset.done $0x0  }
0xf3: {  	[sflag:s29] =	ssyncadd.s32 $0xFFFFC000  }
0xf4: {  	_ =	swait.ge [sflag:s30], $0x4000  }
0xf5: {  	[sflag:s30] =	ssyncset.done $0x0  }
0xf6: {  	s6 =	simm.s32 $0x200;
	[sflag:s30] =	ssyncadd.s32 $0xFFFFC000  }
0xf7: {  	[tilespmem:s19], [sflag:$0x1] =	stream.indirect.gather [hbm4b:s1+s22], $0x80, s6, s22, $0xb8;
	[tilespmem:$0x1F480] =	vst v63  }
0xf8: {  	s8 =	simm.s32 $0xB80  }
0xf9: {  	[spmem:s3] =	stream.indirect.scatter.add.f32 [tilespmem:s26], [sflag:$0x6], $0x80, s8, s22, $0xb8;
	[tilespmem:$0x1F480] =	vst v63  }
0xfa: {  	_ =	swait.ge [sflag:s0], $0x4000  }
0xfb: {  	[sflag:s0] =	ssyncset.done $0x0  }
0xfc: {  	s18 =	simm.s32 $0x280;
	[sflag:s0] =	ssyncadd.s32 $0xFFFFC000  }
0xfd: {  	[tilespmem:s26], [sflag:$0x2] =	stream.indirect.gather [hbm4b:s1+s22], $0x80, s18, s22, $0xb8;
	[tilespmem:$0x1F480] =	vst v63  }
0xfe: {  	_ =	swait.ge [sflag:s28], $0x4000  }
0xff: {  	[sflag:s28] =	ssyncset.done $0x0  }
0x100: {  	s6 =	simm.s32 $0xC00;
	[sflag:s28] =	ssyncadd.s32 $0xFFFFC000  }
0x101: {  	[spmem:s3] =	stream.indirect.scatter.add.f32 [tilespmem:s19], [sflag:$0x3], $0x80, s6, s22, $0xb8;
	[tilespmem:$0x1F480] =	vst v63  }
0x102: {  	_ =	swait.ge [sflag:s29], $0x4000  }
0x103: {  	[sflag:s29] =	ssyncset.done $0x0  }
0x104: {  	[sflag:s29] =	ssyncadd.s32 $0xFFFFC000  }
0x105: {  	_ =	swait.ge [sflag:s30], $0x4000  }
0x106: {  	[sflag:s30] =	ssyncset.done $0x0  }
0x107: {  	s8 =	simm.s32 $0x300;
	[sflag:s30] =	ssyncadd.s32 $0xFFFFC000  }
0x108: {  	[tilespmem:s19], [sflag:$0x1] =	stream.indirect.gather [hbm4b:s1+s22], $0x80, s8, s22, $0xb8;
	[tilespmem:$0x1F480] =	vst v63  }
0x109: {  	s18 =	simm.s32 $0xC80  }
0x10a: {  	[spmem:s3] =	stream.indirect.scatter.add.f32 [tilespmem:s26], [sflag:$0x6], $0x80, s18, s22, $0xb8;
	[tilespmem:$0x1F480] =	vst v63  }
0x10b: {  	_ =	swait.ge [sflag:s0], $0x4000  }
0x10c: {  	[sflag:s0] =	ssyncset.done $0x0  }
0x10d: {  	s6 =	simm.s32 $0x380;
	[sflag:s0] =	ssyncadd.s32 $0xFFFFC000  }
0x10e: {  	[tilespmem:s26], [sflag:$0x2] =	stream.indirect.gather [hbm4b:s1+s22], $0x80, s6, s22, $0xb8;
	[tilespmem:$0x1F480] =	vst v63  }
0x10f: {  	_ =	swait.ge [sflag:s28], $0x4000  }
0x110: {  	[sflag:s28] =	ssyncset.done $0x0  }
0x111: {  	s8 =	simm.s32 $0xD00;
	[sflag:s28] =	ssyncadd.s32 $0xFFFFC000  }
0x112: {  	[spmem:s3] =	stream.indirect.scatter.add.f32 [tilespmem:s19], [sflag:$0x3], $0x80, s8, s22, $0xb8;
	[tilespmem:$0x1F480] =	vst v63  }
0x113: {  	_ =	swait.ge [sflag:s29], $0x4000  }
0x114: {  	[sflag:s29] =	ssyncset.done $0x0  }
0x115: {  	[sflag:s29] =	ssyncadd.s32 $0xFFFFC000  }
0x116: {  	_ =	swait.ge [sflag:s30], $0x4000  }
0x117: {  	[sflag:s30] =	ssyncset.done $0x0  }
0x118: {  	s18 =	simm.s32 $0x400;
	[sflag:s30] =	ssyncadd.s32 $0xFFFFC000  }
0x119: {  	[tilespmem:s19], [sflag:$0x1] =	stream.indirect.gather [hbm4b:s1+s22], $0x80, s18, s22, $0xb8;
	[tilespmem:$0x1F480] =	vst v63  }
0x11a: {  	s6 =	simm.s32 $0xD80  }
0x11b: {  	[spmem:s3] =	stream.indirect.scatter.add.f32 [tilespmem:s26], [sflag:$0x6], $0x80, s6, s22, $0xb8;
	[tilespmem:$0x1F480] =	vst v63  }
0x11c: {  	_ =	swait.ge [sflag:s0], $0x4000  }
0x11d: {  	[sflag:s0] =	ssyncset.done $0x0  }
0x11e: {  	s8 =	simm.s32 $0x480;
	[sflag:s0] =	ssyncadd.s32 $0xFFFFC000  }
0x11f: {  	[tilespmem:s26], [sflag:$0x2] =	stream.indirect.gather [hbm4b:s1+s22], $0x80, s8, s22, $0xb8;
	[tilespmem:$0x1F480] =	vst v63  }
0x120: {  	_ =	swait.ge [sflag:s28], $0x4000  }
0x121: {  	[sflag:s28] =	ssyncset.done $0x0  }
0x122: {  	s18 =	simm.s32 $0xE00;
	[sflag:s28] =	ssyncadd.s32 $0xFFFFC000  }
0x123: {  	[spmem:s3] =	stream.indirect.scatter.add.f32 [tilespmem:s19], [sflag:$0x3], $0x80, s18, s22, $0xb8;
	[tilespmem:$0x1F480] =	vst v63  }
0x124: {  	_ =	swait.ge [sflag:s29], $0x4000  }
0x125: {  	[sflag:s29] =	ssyncset.done $0x0  }
0x126: {  	[sflag:s29] =	ssyncadd.s32 $0xFFFFC000  }
0x127: {  	_ =	swait.ge [sflag:s30], $0x4000  }
0x128: {  	[sflag:s30] =	ssyncset.done $0x0  }
0x129: {  	s6 =	simm.s32 $0x500;
	[sflag:s30] =	ssyncadd.s32 $0xFFFFC000  }
0x12a: {  	[tilespmem:s19], [sflag:$0x1] =	stream.indirect.gather [hbm4b:s1+s22], $0x80, s6, s22, $0xb8;
	[tilespmem:$0x1F480] =	vst v63  }
0x12b: {  	s8 =	simm.s32 $0xE80  }
0x12c: {  	[spmem:s3] =	stream.indirect.scatter.add.f32 [tilespmem:s26], [sflag:$0x6], $0x80, s8, s22, $0xb8;
	[tilespmem:$0x1F480] =	vst v63  }
0x12d: {  	_ =	swait.ge [sflag:s0], $0x4000  }
0x12e: {  	[sflag:s0] =	ssyncset.done $0x0  }
0x12f: {  	s18 =	simm.s32 $0x580;
	[sflag:s0] =	ssyncadd.s32 $0xFFFFC000  }
0x130: {  	[tilespmem:s26], [sflag:$0x2] =	stream.indirect.gather [hbm4b:s1+s22], $0x80, s18, s22, $0xb8;
	[tilespmem:$0x1F480] =	vst v63  }
0x131: {  	_ =	swait.ge [sflag:s28], $0x4000  }
0x132: {  	[sflag:s28] =	ssyncset.done $0x0  }
0x133: {  	s6 =	simm.s32 $0xF00;
	[sflag:s28] =	ssyncadd.s32 $0xFFFFC000  }
0x134: {  	[spmem:s3] =	stream.indirect.scatter.add.f32 [tilespmem:s19], [sflag:$0x3], $0x80, s6, s22, $0xb8;
	[tilespmem:$0x1F480] =	vst v63  }
0x135: {  	_ =	swait.ge [sflag:s29], $0x4000  }
0x136: {  	[sflag:s29] =	ssyncset.done $0x0  }
0x137: {  	[sflag:s29] =	ssyncadd.s32 $0xFFFFC000  }
0x138: {  	_ =	swait.ge [sflag:s30], $0x4000  }
0x139: {  	[sflag:s30] =	ssyncset.done $0x0  }
0x13a: {  	s8 =	simm.s32 $0x600;
	[sflag:s30] =	ssyncadd.s32 $0xFFFFC000  }
0x13b: {  	[tilespmem:s19], [sflag:$0x1] =	stream.indirect.gather [hbm4b:s1+s22], $0x80, s8, s22, $0xb8;
	[tilespmem:$0x1F480] =	vst v63  }
0x13c: {  	s18 =	simm.s32 $0xF80  }
0x13d: {  	[spmem:s3] =	stream.indirect.scatter.add.f32 [tilespmem:s26], [sflag:$0x6], $0x80, s18, s22, $0xb8;
	[tilespmem:$0x1F480] =	vst v63  }
0x13e: {  	_ =	swait.ge [sflag:s0], $0x4000  }
0x13f: {  	[sflag:s0] =	ssyncset.done $0x0  }
0x140: {  	s6 =	simm.s32 $0x680;
	[sflag:s0] =	ssyncadd.s32 $0xFFFFC000  }
0x141: {  	[tilespmem:s26], [sflag:$0x2] =	stream.indirect.gather [hbm4b:s1+s22], $0x80, s6, s22, $0xb8;
	[tilespmem:$0x1F480] =	vst v63  }
0x142: {  	_ =	swait.ge [sflag:s28], $0x4000  }
0x143: {  	[sflag:s28] =	ssyncset.done $0x0  }
0x144: {  	s8 =	simm.s32 $0x1000;
	[sflag:s28] =	ssyncadd.s32 $0xFFFFC000  }
0x145: {  	[spmem:s3] =	stream.indirect.scatter.add.f32 [tilespmem:s19], [sflag:$0x3], $0x80, s8, s22, $0xb8;
	[tilespmem:$0x1F480] =	vst v63  }
0x146: {  	_ =	swait.ge [sflag:s29], $0x4000  }
0x147: {  	[sflag:s29] =	ssyncset.done $0x0  }
0x148: {  	[sflag:s29] =	ssyncadd.s32 $0xFFFFC000  }
0x149: {  	_ =	swait.ge [sflag:s30], $0x4000  }
0x14a: {  	[sflag:s30] =	ssyncset.done $0x0  }
0x14b: {  	s18 =	simm.s32 $0x700;
	[sflag:s30] =	ssyncadd.s32 $0xFFFFC000  }
0x14c: {  	[tilespmem:s19], [sflag:$0x1] =	stream.indirect.gather [hbm4b:s1+s22], $0x80, s18, s22, $0xb8;
	[tilespmem:$0x1F480] =	vst v63  }
0x14d: {  	s6 =	simm.s32 $0x1080  }
0x14e: {  	[spmem:s3] =	stream.indirect.scatter.add.f32 [tilespmem:s26], [sflag:$0x6], $0x80, s6, s22, $0xb8;
	[tilespmem:$0x1F480] =	vst v63  }
0x14f: {  	_ =	swait.ge [sflag:s0], $0x4000  }
0x150: {  	[sflag:s0] =	ssyncset.done $0x0  }
0x151: {  	s8 =	simm.s32 $0x780;
	[sflag:s0] =	ssyncadd.s32 $0xFFFFC000  }
0x152: {  	[tilespmem:s26], [sflag:$0x2] =	stream.indirect.gather [hbm4b:s1+s22], $0x80, s8, s22, $0xb8;
	[tilespmem:$0x1F480] =	vst v63  }
0x153: {  	_ =	swait.ge [sflag:s28], $0x4000  }
0x154: {  	[sflag:s28] =	ssyncset.done $0x0  }
0x155: {  	s18 =	simm.s32 $0x1100;
	[sflag:s28] =	ssyncadd.s32 $0xFFFFC000  }
0x156: {  	[spmem:s3] =	stream.indirect.scatter.add.f32 [tilespmem:s19], [sflag:$0x3], $0x80, s18, s22, $0xb8;
	[tilespmem:$0x1F480] =	vst v63  }
0x157: {  	_ =	swait.ge [sflag:s29], $0x4000  }
0x158: {  	[sflag:s29] =	ssyncset.done $0x0  }
0x159: {  	[sflag:s29] =	ssyncadd.s32 $0xFFFFC000  }
0x15a: {  	_ =	swait.ge [sflag:s30], $0x4000  }
0x15b: {  	[sflag:s30] =	ssyncset.done $0x0  }
0x15c: {  	s6 =	simm.s32 $0x800;
	[sflag:s30] =	ssyncadd.s32 $0xFFFFC000  }
0x15d: {  	[tilespmem:s19], [sflag:$0x1] =	stream.indirect.gather [hbm4b:s1+s22], $0x80, s6, s22, $0xb8;
	[tilespmem:$0x1F480] =	vst v63  }
0x15e: {  	s8 =	simm.s32 $0x1180  }
0x15f: {  	[spmem:s3] =	stream.indirect.scatter.add.f32 [tilespmem:s26], [sflag:$0x6], $0x80, s8, s22, $0xb8;
	[tilespmem:$0x1F480] =	vst v63  }
0x160: {  	_ =	swait.ge [sflag:s0], $0x4000  }
0x161: {  	[sflag:s0] =	ssyncset.done $0x0  }
0x162: {  	s18 =	simm.s32 $0x880;
	[sflag:s0] =	ssyncadd.s32 $0xFFFFC000  }
0x163: {  	[tilespmem:s26], [sflag:$0x2] =	stream.indirect.gather [hbm4b:s1+s22], $0x80, s18, s22, $0xb8;
	[tilespmem:$0x1F480] =	vst v63  }
0x164: {  	_ =	swait.ge [sflag:s28], $0x4000  }
0x165: {  	[sflag:s28] =	ssyncset.done $0x0  }
0x166: {  	s6 =	simm.s32 $0x1200;
	[sflag:s28] =	ssyncadd.s32 $0xFFFFC000  }
0x167: {  	[spmem:s3] =	stream.indirect.scatter.add.f32 [tilespmem:s19], [sflag:$0x3], $0x80, s6, s22, $0xb8;
	[tilespmem:$0x1F480] =	vst v63  }
0x168: {  	_ =	swait.ge [sflag:s29], $0x4000  }
0x169: {  	[sflag:s29] =	ssyncset.done $0x0  }
0x16a: {  	[sflag:s29] =	ssyncadd.s32 $0xFFFFC000  }
0x16b: {  	_ =	swait.ge [sflag:s30], $0x4000  }
0x16c: {  	[sflag:s30] =	ssyncset.done $0x0  }
0x16d: {  	s8 =	simm.s32 $0x900;
	[sflag:s30] =	ssyncadd.s32 $0xFFFFC000  }
0x16e: {  	[tilespmem:s19], [sflag:$0x1] =	stream.indirect.gather [hbm4b:s1+s22], $0x80, s8, s22, $0xb8;
	[tilespmem:$0x1F480] =	vst v63  }
0x16f: {  	s18 =	simm.s32 $0x1280  }
0x170: {  	[spmem:s3] =	stream.indirect.scatter.add.f32 [tilespmem:s26], [sflag:$0x6], $0x80, s18, s22, $0xb8;
	[tilespmem:$0x1F480] =	vst v63  }
0x171: {  	_ =	swait.ge [sflag:s0], $0x4000  }
0x172: {  	[sflag:s0] =	ssyncset.done $0x0  }
0x173: {  	s6 =	simm.s32 $0x980;
	[sflag:s0] =	ssyncadd.s32 $0xFFFFC000  }
0x174: {  	[tilespmem:s26], [sflag:$0x2] =	stream.indirect.gather [hbm4b:s1+s22], $0x80, s6, s22, $0xb8;
	[tilespmem:$0x1F480] =	vst v63  }
0x175: {  	_ =	swait.ge [sflag:s28], $0x4000  }
0x176: {  	[sflag:s28] =	ssyncset.done $0x0  }
0x177: {  	s8 =	simm.s32 $0x1300;
	[sflag:s28] =	ssyncadd.s32 $0xFFFFC000  }
0x178: {  	[spmem:s3] =	stream.indirect.scatter.add.f32 [tilespmem:s19], [sflag:$0x3], $0x80, s8, s22, $0xb8;
	[tilespmem:$0x1F480] =	vst v63  }
0x179: {  	_ =	swait.ge [sflag:s29], $0x4000  }
0x17a: {  	[sflag:s29] =	ssyncset.done $0x0  }
0x17b: {  	[sflag:s29] =	ssyncadd.s32 $0xFFFFC000  }
0x17c: {  	_ =	swait.ge [sflag:s30], $0x4000  }
0x17d: {  	[sflag:s30] =	ssyncset.done $0x0  }
0x17e: {  	s18 =	simm.s32 $0x1380;
	[sflag:s30] =	ssyncadd.s32 $0xFFFFC000  }
0x17f: {  	[spmem:s3] =	stream.indirect.scatter.add.f32 [tilespmem:s26], [sflag:$0x6], $0x80, s18, s22, $0xb8;
	[tilespmem:$0x1F480] =	vst v63  }
0x180: {  	_ =	swait.ge [sflag:s0], $0x4000  }
0x181: {  	[sflag:s0] =	ssyncset.done $0x0  }
0x182: {  	[sflag:s0] =	ssyncadd.s32 $0xFFFFC000  }
0x183: {  	_ =	swait.ge [sflag:s21], $0xA00  }
0x184: {  	[sflag:s21] =	ssyncset.done $0x0  }
0x185: {  	[sflag:s21] =	ssyncadd.s32 $0xFFFFF600  }
0x186: {  	_ =	swait.ge [sflag:s21], $0xA00  }
0x187: {  	[sflag:s21] =	ssyncset.done $0x0  }
0x188: {  	[sflag:s21] =	ssyncadd.s32 $0xFFFFF600  }
0x189: {  	_ =	swait.ge [sflag:s21], $0xA00  }
0x18a: {  	[sflag:s21] =	ssyncset.done $0x0  }
0x18b: {  	[sflag:s21] =	ssyncadd.s32 $0xFFFFF600  }
0x18c: {  	[tilespmem:s19], [sflag:$0x1] =	stream.indirect.gather [hbm4b:s1+s22], $0x80, s24, s22, $0xb8;
	[tilespmem:$0x1F480] =	vst v63  }
0x18d: {  	s6 =	rddreg [dreg:$0xf]  }
0x18e: {  	[tilespmem:s4], [sflag:$0x4] =	stream.linear.gather [hbm4b:s6+s4], $0xA00, $0x38;
	[tilespmem:$0x1F480] =	vst v63  }
0x18f: {  	s8 =	rddreg [dreg:$0x10]  }
0x190: {  	[tilespmem:s23], [sflag:$0x4] =	stream.linear.gather [hbm4b:s8+s4], $0xA00, $0x38;
	[tilespmem:$0x1F480] =	vst v63  }
0x191: {  	s18 =	rddreg [dreg:$0x11]  }
0x192: {  	[tilespmem:s5], [sflag:$0x4] =	stream.linear.gather [hbm4b:s18+s4], $0xA00, $0x38;
	[tilespmem:$0x1F480] =	vst v63  }
0x193: {  	s5 =	simm.s32 $0x1E80  }
0x194: {  	[tilespmem:s26], [sflag:$0x2] =	stream.indirect.gather [hbm4b:s1+s22], $0x80, s5, s22, $0xb8;
	[tilespmem:$0x1F480] =	vst v63  }
0x195: {  	_ =	swait.ge [sflag:s28], $0x4000  }
0x196: {  	[sflag:s28] =	ssyncset.done $0x0  }
0x197: {  	[sflag:s28] =	ssyncadd.s32 $0xFFFFC000  }
0x198: {  	[spmem:s3] =	stream.indirect.scatter.add.f32 [tilespmem:s19], [sflag:$0x3], $0x80, s7, s22, $0xb8;
	[tilespmem:$0x1F480] =	vst v63  }
0x199: {  	_ =	swait.ge [sflag:s29], $0x4000  }
0x19a: {  	[sflag:s29] =	ssyncset.done $0x0  }
0x19b: {  	[sflag:s29] =	ssyncadd.s32 $0xFFFFC000  }
0x19c: {  	_ =	swait.ge [sflag:s30], $0x4000  }
0x19d: {  	[sflag:s30] =	ssyncset.done $0x0  }
0x19e: {  	s8 =	simm.s32 $0x1F00;
	[sflag:s30] =	ssyncadd.s32 $0xFFFFC000  }
0x19f: {  	[tilespmem:s19], [sflag:$0x1] =	stream.indirect.gather [hbm4b:s1+s22], $0x80, s8, s22, $0xb8;
	[tilespmem:$0x1F480] =	vst v63  }
0x1a0: {  	_ = 	snop  }
0x1a1: {  	[spmem:s3] =	stream.indirect.scatter.add.f32 [tilespmem:s26], [sflag:$0x6], $0x80, s9, s22, $0xb8;
	[tilespmem:$0x1F480] =	vst v63  }
0x1a2: {  	_ =	swait.ge [sflag:s0], $0x4000  }
0x1a3: {  	[sflag:s0] =	ssyncset.done $0x0  }
0x1a4: {  	[sflag:s0] =	ssyncadd.s32 $0xFFFFC000  }
0x1a5: {  	[tilespmem:s26], [sflag:$0x2] =	stream.indirect.gather [hbm4b:s1+s22], $0x80, s10, s22, $0xb8;
	[tilespmem:$0x1F480] =	vst v63  }
0x1a6: {  	_ =	swait.ge [sflag:s28], $0x4000  }
0x1a7: {  	[sflag:s28] =	ssyncset.done $0x0  }
0x1a8: {  	[sflag:s28] =	ssyncadd.s32 $0xFFFFC000  }
0x1a9: {  	[spmem:s3] =	stream.indirect.scatter.add.f32 [tilespmem:s19], [sflag:$0x3], $0x80, s11, s22, $0xb8;
	[tilespmem:$0x1F480] =	vst v63  }
0x1aa: {  	_ =	swait.ge [sflag:s29], $0x4000  }
0x1ab: {  	[sflag:s29] =	ssyncset.done $0x0  }
0x1ac: {  	[sflag:s29] =	ssyncadd.s32 $0xFFFFC000  }
0x1ad: {  	_ =	swait.ge [sflag:s30], $0x4000  }
0x1ae: {  	[sflag:s30] =	ssyncset.done $0x0  }
0x1af: {  	[sflag:s30] =	ssyncadd.s32 $0xFFFFC000  }
0x1b0: {  	[tilespmem:s19], [sflag:$0x1] =	stream.indirect.gather [hbm4b:s1+s22], $0x80, s12, s22, $0xb8;
	[tilespmem:$0x1F480] =	vst v63  }
0x1b1: {  	_ = 	snop  }
0x1b2: {  	[spmem:s3] =	stream.indirect.scatter.add.f32 [tilespmem:s26], [sflag:$0x6], $0x80, s13, s22, $0xb8;
	[tilespmem:$0x1F480] =	vst v63  }
0x1b3: {  	_ =	swait.ge [sflag:s0], $0x4000  }
0x1b4: {  	[sflag:s0] =	ssyncset.done $0x0  }
0x1b5: {  	[sflag:s0] =	ssyncadd.s32 $0xFFFFC000  }
0x1b6: {  	[tilespmem:s26], [sflag:$0x2] =	stream.indirect.gather [hbm4b:s1+s22], $0x80, s14, s22, $0xb8;
	[tilespmem:$0x1F480] =	vst v63  }
0x1b7: {  	_ =	swait.ge [sflag:s28], $0x4000  }
0x1b8: {  	[sflag:s28] =	ssyncset.done $0x0  }
0x1b9: {  	[sflag:s28] =	ssyncadd.s32 $0xFFFFC000  }
0x1ba: {  	[spmem:s3] =	stream.indirect.scatter.add.f32 [tilespmem:s19], [sflag:$0x3], $0x80, s15, s22, $0xb8;
	[tilespmem:$0x1F480] =	vst v63  }
0x1bb: {  	_ =	swait.ge [sflag:s29], $0x4000  }
0x1bc: {  	[sflag:s29] =	ssyncset.done $0x0  }
0x1bd: {  	[sflag:s29] =	ssyncadd.s32 $0xFFFFC000  }
0x1be: {  	_ =	swait.ge [sflag:s30], $0x4000  }
0x1bf: {  	[sflag:s30] =	ssyncset.done $0x0  }
0x1c0: {  	[sflag:s30] =	ssyncadd.s32 $0xFFFFC000  }
0x1c1: {  	[tilespmem:s19], [sflag:$0x1] =	stream.indirect.gather [hbm4b:s1+s22], $0x80, s17, s22, $0xb8;
	[tilespmem:$0x1F480] =	vst v63  }
0x1c2: {  	s18 =	simm.s32 $0x2A80  }
0x1c3: {  	[spmem:s3] =	stream.indirect.scatter.add.f32 [tilespmem:s26], [sflag:$0x6], $0x80, s18, s22, $0xb8;
	[tilespmem:$0x1F480] =	vst v63  }
0x1c4: {  	_ =	swait.ge [sflag:s0], $0x4000  }
0x1c5: {  	[sflag:s0] =	ssyncset.done $0x0  }
0x1c6: {  	[sflag:s0] =	ssyncadd.s32 $0xFFFFC000  }
0x1c7: {  	[tilespmem:s26], [sflag:$0x2] =	stream.indirect.gather [hbm4b:s1+s22], $0x80, s25, s22, $0xb8;
	[tilespmem:$0x1F480] =	vst v63  }
0x1c8: {  	_ =	swait.ge [sflag:s28], $0x4000  }
0x1c9: {  	[sflag:s28] =	ssyncset.done $0x0  }
0x1ca: {  	[sflag:s28] =	ssyncadd.s32 $0xFFFFC000  }
0x1cb: {  	[spmem:s3] =	stream.indirect.scatter.add.f32 [tilespmem:s19], [sflag:$0x3], $0x80, s31, s22, $0xb8;
	[tilespmem:$0x1F480] =	vst v63  }
0x1cc: {  	_ =	swait.ge [sflag:s29], $0x4000  }
0x1cd: {  	[sflag:s29] =	ssyncset.done $0x0  }
0x1ce: {  	[sflag:s29] =	ssyncadd.s32 $0xFFFFC000  }
0x1cf: {  	_ =	swait.ge [sflag:s30], $0x4000  }
0x1d0: {  	[sflag:s30] =	ssyncset.done $0x0  }
0x1d1: {  	s6 =	simm.s32 $0x2200;
	[sflag:s30] =	ssyncadd.s32 $0xFFFFC000  }
0x1d2: {  	[tilespmem:s19], [sflag:$0x1] =	stream.indirect.gather [hbm4b:s1+s22], $0x80, s6, s22, $0xb8;
	[tilespmem:$0x1F480] =	vst v63  }
0x1d3: {  	s6 =	simm.s32 $0x2B80  }
0x1d4: {  	[spmem:s3] =	stream.indirect.scatter.add.f32 [tilespmem:s26], [sflag:$0x6], $0x80, s6, s22, $0xb8;
	[tilespmem:$0x1F480] =	vst v63  }
0x1d5: {  	_ =	swait.ge [sflag:s0], $0x4000  }
0x1d6: {  	[sflag:s0] =	ssyncset.done $0x0  }
0x1d7: {  	s6 =	simm.s32 $0x2280;
	[sflag:s0] =	ssyncadd.s32 $0xFFFFC000  }
0x1d8: {  	[tilespmem:s26], [sflag:$0x2] =	stream.indirect.gather [hbm4b:s1+s22], $0x80, s6, s22, $0xb8;
	[tilespmem:$0x1F480] =	vst v63  }
0x1d9: {  	_ =	swait.ge [sflag:s28], $0x4000  }
0x1da: {  	[sflag:s28] =	ssyncset.done $0x0  }
0x1db: {  	s6 =	simm.s32 $0x2C00;
	[sflag:s28] =	ssyncadd.s32 $0xFFFFC000  }
0x1dc: {  	[spmem:s3] =	stream.indirect.scatter.add.f32 [tilespmem:s19], [sflag:$0x3], $0x80, s6, s22, $0xb8;
	[tilespmem:$0x1F480] =	vst v63  }
0x1dd: {  	_ =	swait.ge [sflag:s29], $0x4000  }
0x1de: {  	[sflag:s29] =	ssyncset.done $0x0  }
0x1df: {  	[sflag:s29] =	ssyncadd.s32 $0xFFFFC000  }
0x1e0: {  	_ =	swait.ge [sflag:s30], $0x4000  }
0x1e1: {  	[sflag:s30] =	ssyncset.done $0x0  }
0x1e2: {  	s6 =	simm.s32 $0x2300;
	[sflag:s30] =	ssyncadd.s32 $0xFFFFC000  }
0x1e3: {  	[tilespmem:s19], [sflag:$0x1] =	stream.indirect.gather [hbm4b:s1+s22], $0x80, s6, s22, $0xb8;
	[tilespmem:$0x1F480] =	vst v63  }
0x1e4: {  	s6 =	simm.s32 $0x2C80  }
0x1e5: {  	[spmem:s3] =	stream.indirect.scatter.add.f32 [tilespmem:s26], [sflag:$0x6], $0x80, s6, s22, $0xb8;
	[tilespmem:$0x1F480] =	vst v63  }
0x1e6: {  	_ =	swait.ge [sflag:s0], $0x4000  }
0x1e7: {  	[sflag:s0] =	ssyncset.done $0x0  }
0x1e8: {  	s6 =	simm.s32 $0x2380;
	[sflag:s0] =	ssyncadd.s32 $0xFFFFC000  }
0x1e9: {  	[tilespmem:s26], [sflag:$0x2] =	stream.indirect.gather [hbm4b:s1+s22], $0x80, s6, s22, $0xb8;
	[tilespmem:$0x1F480] =	vst v63  }
0x1ea: {  	_ =	swait.ge [sflag:s28], $0x4000  }
0x1eb: {  	[sflag:s28] =	ssyncset.done $0x0  }
0x1ec: {  	s6 =	simm.s32 $0x2D00;
	[sflag:s28] =	ssyncadd.s32 $0xFFFFC000  }
0x1ed: {  	[spmem:s3] =	stream.indirect.scatter.add.f32 [tilespmem:s19], [sflag:$0x3], $0x80, s6, s22, $0xb8;
	[tilespmem:$0x1F480] =	vst v63  }
0x1ee: {  	_ =	swait.ge [sflag:s29], $0x4000  }
0x1ef: {  	[sflag:s29] =	ssyncset.done $0x0  }
0x1f0: {  	[sflag:s29] =	ssyncadd.s32 $0xFFFFC000  }
0x1f1: {  	_ =	swait.ge [sflag:s30], $0x4000  }
0x1f2: {  	[sflag:s30] =	ssyncset.done $0x0  }
0x1f3: {  	s6 =	simm.s32 $0x2400;
	[sflag:s30] =	ssyncadd.s32 $0xFFFFC000  }
0x1f4: {  	[tilespmem:s19], [sflag:$0x1] =	stream.indirect.gather [hbm4b:s1+s22], $0x80, s6, s22, $0xb8;
	[tilespmem:$0x1F480] =	vst v63  }
0x1f5: {  	s6 =	simm.s32 $0x2D80  }
0x1f6: {  	[spmem:s3] =	stream.indirect.scatter.add.f32 [tilespmem:s26], [sflag:$0x6], $0x80, s6, s22, $0xb8;
	[tilespmem:$0x1F480] =	vst v63  }
0x1f7: {  	_ =	swait.ge [sflag:s0], $0x4000  }
0x1f8: {  	[sflag:s0] =	ssyncset.done $0x0  }
0x1f9: {  	s6 =	simm.s32 $0x2480;
	[sflag:s0] =	ssyncadd.s32 $0xFFFFC000  }
0x1fa: {  	[tilespmem:s26], [sflag:$0x2] =	stream.indirect.gather [hbm4b:s1+s22], $0x80, s6, s22, $0xb8;
	[tilespmem:$0x1F480] =	vst v63  }
0x1fb: {  	_ =	swait.ge [sflag:s28], $0x4000  }
0x1fc: {  	[sflag:s28] =	ssyncset.done $0x0  }
0x1fd: {  	s6 =	simm.s32 $0x2E00;
	[sflag:s28] =	ssyncadd.s32 $0xFFFFC000  }
0x1fe: {  	[spmem:s3] =	stream.indirect.scatter.add.f32 [tilespmem:s19], [sflag:$0x3], $0x80, s6, s22, $0xb8;
	[tilespmem:$0x1F480] =	vst v63  }
0x1ff: {  	_ =	swait.ge [sflag:s29], $0x4000  }
0x200: {  	[sflag:s29] =	ssyncset.done $0x0  }
0x201: {  	[sflag:s29] =	ssyncadd.s32 $0xFFFFC000  }
0x202: {  	_ =	swait.ge [sflag:s30], $0x4000  }
0x203: {  	[sflag:s30] =	ssyncset.done $0x0  }
0x204: {  	s6 =	simm.s32 $0x2500;
	[sflag:s30] =	ssyncadd.s32 $0xFFFFC000  }
0x205: {  	[tilespmem:s19], [sflag:$0x1] =	stream.indirect.gather [hbm4b:s1+s22], $0x80, s6, s22, $0xb8;
	[tilespmem:$0x1F480] =	vst v63  }
0x206: {  	s6 =	simm.s32 $0x2E80  }
0x207: {  	[spmem:s3] =	stream.indirect.scatter.add.f32 [tilespmem:s26], [sflag:$0x6], $0x80, s6, s22, $0xb8;
	[tilespmem:$0x1F480] =	vst v63  }
0x208: {  	_ =	swait.ge [sflag:s0], $0x4000  }
0x209: {  	[sflag:s0] =	ssyncset.done $0x0  }
0x20a: {  	s6 =	simm.s32 $0x2580;
	[sflag:s0] =	ssyncadd.s32 $0xFFFFC000  }
0x20b: {  	[tilespmem:s26], [sflag:$0x2] =	stream.indirect.gather [hbm4b:s1+s22], $0x80, s6, s22, $0xb8;
	[tilespmem:$0x1F480] =	vst v63  }
0x20c: {  	_ =	swait.ge [sflag:s28], $0x4000  }
0x20d: {  	[sflag:s28] =	ssyncset.done $0x0  }
0x20e: {  	s6 =	simm.s32 $0x2F00;
	[sflag:s28] =	ssyncadd.s32 $0xFFFFC000  }
0x20f: {  	[spmem:s3] =	stream.indirect.scatter.add.f32 [tilespmem:s19], [sflag:$0x3], $0x80, s6, s22, $0xb8;
	[tilespmem:$0x1F480] =	vst v63  }
0x210: {  	_ =	swait.ge [sflag:s29], $0x4000  }
0x211: {  	[sflag:s29] =	ssyncset.done $0x0  }
0x212: {  	[sflag:s29] =	ssyncadd.s32 $0xFFFFC000  }
0x213: {  	_ =	swait.ge [sflag:s30], $0x4000  }
0x214: {  	[sflag:s30] =	ssyncset.done $0x0  }
0x215: {  	s6 =	simm.s32 $0x2600;
	[sflag:s30] =	ssyncadd.s32 $0xFFFFC000  }
0x216: {  	[tilespmem:s19], [sflag:$0x1] =	stream.indirect.gather [hbm4b:s1+s22], $0x80, s6, s22, $0xb8;
	[tilespmem:$0x1F480] =	vst v63  }
0x217: {  	s6 =	simm.s32 $0x2F80  }
0x218: {  	[spmem:s3] =	stream.indirect.scatter.add.f32 [tilespmem:s26], [sflag:$0x6], $0x80, s6, s22, $0xb8;
	[tilespmem:$0x1F480] =	vst v63  }
0x219: {  	_ =	swait.ge [sflag:s0], $0x4000  }
0x21a: {  	[sflag:s0] =	ssyncset.done $0x0  }
0x21b: {  	s6 =	simm.s32 $0x2680;
	[sflag:s0] =	ssyncadd.s32 $0xFFFFC000  }
0x21c: {  	[tilespmem:s26], [sflag:$0x2] =	stream.indirect.gather [hbm4b:s1+s22], $0x80, s6, s22, $0xb8;
	[tilespmem:$0x1F480] =	vst v63  }
0x21d: {  	_ =	swait.ge [sflag:s28], $0x4000  }
0x21e: {  	[sflag:s28] =	ssyncset.done $0x0  }
0x21f: {  	s6 =	simm.s32 $0x3000;
	[sflag:s28] =	ssyncadd.s32 $0xFFFFC000  }
0x220: {  	[spmem:s3] =	stream.indirect.scatter.add.f32 [tilespmem:s19], [sflag:$0x3], $0x80, s6, s22, $0xb8;
	[tilespmem:$0x1F480] =	vst v63  }
0x221: {  	_ =	swait.ge [sflag:s29], $0x4000  }
0x222: {  	[sflag:s29] =	ssyncset.done $0x0  }
0x223: {  	[sflag:s29] =	ssyncadd.s32 $0xFFFFC000  }
0x224: {  	_ =	swait.ge [sflag:s30], $0x4000  }
0x225: {  	[sflag:s30] =	ssyncset.done $0x0  }
0x226: {  	s6 =	simm.s32 $0x2700;
	[sflag:s30] =	ssyncadd.s32 $0xFFFFC000  }
0x227: {  	[tilespmem:s19], [sflag:$0x1] =	stream.indirect.gather [hbm4b:s1+s22], $0x80, s6, s22, $0xb8;
	[tilespmem:$0x1F480] =	vst v63  }
0x228: {  	s6 =	simm.s32 $0x3080  }
0x229: {  	[spmem:s3] =	stream.indirect.scatter.add.f32 [tilespmem:s26], [sflag:$0x6], $0x80, s6, s22, $0xb8;
	[tilespmem:$0x1F480] =	vst v63  }
0x22a: {  	_ =	swait.ge [sflag:s0], $0x4000  }
0x22b: {  	[sflag:s0] =	ssyncset.done $0x0  }
0x22c: {  	s6 =	simm.s32 $0x2780;
	[sflag:s0] =	ssyncadd.s32 $0xFFFFC000  }
0x22d: {  	[tilespmem:s26], [sflag:$0x2] =	stream.indirect.gather [hbm4b:s1+s22], $0x80, s6, s22, $0xb8;
	[tilespmem:$0x1F480] =	vst v63  }
0x22e: {  	_ =	swait.ge [sflag:s28], $0x4000  }
0x22f: {  	[sflag:s28] =	ssyncset.done $0x0  }
0x230: {  	s6 =	simm.s32 $0x3100;
	[sflag:s28] =	ssyncadd.s32 $0xFFFFC000  }
0x231: {  	[spmem:s3] =	stream.indirect.scatter.add.f32 [tilespmem:s19], [sflag:$0x3], $0x80, s6, s22, $0xb8;
	[tilespmem:$0x1F480] =	vst v63  }
0x232: {  	_ =	swait.ge [sflag:s29], $0x4000  }
0x233: {  	[sflag:s29] =	ssyncset.done $0x0  }
0x234: {  	[sflag:s29] =	ssyncadd.s32 $0xFFFFC000  }
0x235: {  	_ =	swait.ge [sflag:s30], $0x4000  }
0x236: {  	[sflag:s30] =	ssyncset.done $0x0  }
0x237: {  	s6 =	simm.s32 $0x3180;
	[sflag:s30] =	ssyncadd.s32 $0xFFFFC000  }
0x238: {  	[spmem:s3] =	stream.indirect.scatter.add.f32 [tilespmem:s26], [sflag:$0x6], $0x80, s6, s22, $0xb8;
	[tilespmem:$0x1F480] =	vst v63  }
0x239: {  	_ =	swait.ge [sflag:s0], $0x4000  }
0x23a: {  	[sflag:s0] =	ssyncset.done $0x0  }
0x23b: {  	[sflag:s0] =	ssyncadd.s32 $0xFFFFC000  }
0x23c: {  	_ =	swait.ge [sflag:s21], $0xA00  }
0x23d: {  	[sflag:s21] =	ssyncset.done $0x0  }
0x23e: {  	[sflag:s21] =	ssyncadd.s32 $0xFFFFF600  }
0x23f: {  	_ =	swait.ge [sflag:s21], $0xA00  }
0x240: {  	[sflag:s21] =	ssyncset.done $0x0  }
0x241: {  	[sflag:s21] =	ssyncadd.s32 $0xFFFFF600  }
0x242: {  	_ =	swait.ge [sflag:s21], $0xA00  }
0x243: {  	[sflag:s21] =	ssyncset.done $0x0  }
0x244: {  	[sflag:s21] =	ssyncadd.s32 $0xFFFFF600  }
0x245: {  	[tilespmem:s19], [sflag:$0x1] =	stream.indirect.gather [hbm4b:s1+s22], $0x80, s4, s22, $0xb8;
	[tilespmem:$0x1F480] =	vst v63  }
0x246: {  	s6 =	rddreg [dreg:$0x12]  }
0x247: {  	[tilespmem:s24], [sflag:$0x4] =	stream.linear.gather [hbm4b:s6+s4], $0xA00, $0x38;
	[tilespmem:$0x1F480] =	vst v63  }
0x248: {  	s6 =	rddreg [dreg:$0x13]  }
0x249: {  	[tilespmem:s7], [sflag:$0x4] =	stream.linear.gather [hbm4b:s6+s4], $0xA00, $0x38;
	[tilespmem:$0x1F480] =	vst v63  }
0x24a: {  	s2 =	rddreg [dreg:$0x14];
	s6 =	simm.s32 $0x3200  }
0x24b: {  	[tilespmem:s6], [sflag:$0x4] =	stream.linear.gather [hbm4b:s2+s4], $0xA00, $0x38;
	[tilespmem:$0x1F480] =	vst v63  }
0x24c: {  	_ = 	snop  }
0x24d: {  	[tilespmem:s26], [sflag:$0x2] =	stream.indirect.gather [hbm4b:s1+s22], $0x80, s22, s22, $0xb8;
	[tilespmem:$0x1F480] =	vst v63  }
0x24e: {  	_ =	swait.ge [sflag:s28], $0x4000  }
0x24f: {  	[sflag:s28] =	ssyncset.done $0x0  }
0x250: {  	[sflag:s28] =	ssyncadd.s32 $0xFFFFC000  }
0x251: {  	[spmem:s3] =	stream.indirect.scatter.add.f32 [tilespmem:s19], [sflag:$0x3], $0x80, s23, s22, $0xb8;
	[tilespmem:$0x1F480] =	vst v63  }
0x252: {  	_ =	swait.ge [sflag:s29], $0x4000  }
0x253: {  	[sflag:s29] =	ssyncset.done $0x0  }
0x254: {  	[sflag:s29] =	ssyncadd.s32 $0xFFFFC000  }
0x255: {  	_ =	swait.ge [sflag:s30], $0x4000  }
0x256: {  	[sflag:s30] =	ssyncset.done $0x0  }
0x257: {  	s6 =	simm.s32 $0x100;
	[sflag:s30] =	ssyncadd.s32 $0xFFFFC000  }
0x258: {  	[tilespmem:s19], [sflag:$0x1] =	stream.indirect.gather [hbm4b:s1+s22], $0x80, s6, s22, $0xb8;
	[tilespmem:$0x1F480] =	vst v63  }
0x259: {  	s2 =	simm.s32 $0xA80  }
0x25a: {  	[spmem:s3] =	stream.indirect.scatter.add.f32 [tilespmem:s26], [sflag:$0x6], $0x80, s2, s22, $0xb8;
	[tilespmem:$0x1F480] =	vst v63  }
0x25b: {  	_ =	swait.ge [sflag:s0], $0x4000  }
0x25c: {  	[sflag:s0] =	ssyncset.done $0x0  }
0x25d: {  	s2 =	simm.s32 $0x180;
	[sflag:s0] =	ssyncadd.s32 $0xFFFFC000  }
0x25e: {  	[tilespmem:s26], [sflag:$0x2] =	stream.indirect.gather [hbm4b:s1+s22], $0x80, s2, s22, $0xb8;
	[tilespmem:$0x1F480] =	vst v63  }
0x25f: {  	_ =	swait.ge [sflag:s28], $0x4000  }
0x260: {  	[sflag:s28] =	ssyncset.done $0x0  }
0x261: {  	s2 =	simm.s32 $0xB00;
	[sflag:s28] =	ssyncadd.s32 $0xFFFFC000  }
0x262: {  	[spmem:s3] =	stream.indirect.scatter.add.f32 [tilespmem:s19], [sflag:$0x3], $0x80, s2, s22, $0xb8;
	[tilespmem:$0x1F480] =	vst v63  }
0x263: {  	_ =	swait.ge [sflag:s29], $0x4000  }
0x264: {  	[sflag:s29] =	ssyncset.done $0x0  }
0x265: {  	[sflag:s29] =	ssyncadd.s32 $0xFFFFC000  }
0x266: {  	_ =	swait.ge [sflag:s30], $0x4000  }
0x267: {  	[sflag:s30] =	ssyncset.done $0x0  }
0x268: {  	s2 =	simm.s32 $0x200;
	[sflag:s30] =	ssyncadd.s32 $0xFFFFC000  }
0x269: {  	[tilespmem:s19], [sflag:$0x1] =	stream.indirect.gather [hbm4b:s1+s22], $0x80, s2, s22, $0xb8;
	[tilespmem:$0x1F480] =	vst v63  }
0x26a: {  	s2 =	simm.s32 $0xB80  }
0x26b: {  	[spmem:s3] =	stream.indirect.scatter.add.f32 [tilespmem:s26], [sflag:$0x6], $0x80, s2, s22, $0xb8;
	[tilespmem:$0x1F480] =	vst v63  }
0x26c: {  	_ =	swait.ge [sflag:s0], $0x4000  }
0x26d: {  	[sflag:s0] =	ssyncset.done $0x0  }
0x26e: {  	s2 =	simm.s32 $0x280;
	[sflag:s0] =	ssyncadd.s32 $0xFFFFC000  }
0x26f: {  	[tilespmem:s26], [sflag:$0x2] =	stream.indirect.gather [hbm4b:s1+s22], $0x80, s2, s22, $0xb8;
	[tilespmem:$0x1F480] =	vst v63  }
0x270: {  	_ =	swait.ge [sflag:s28], $0x4000  }
0x271: {  	[sflag:s28] =	ssyncset.done $0x0  }
0x272: {  	s2 =	simm.s32 $0xC00;
	[sflag:s28] =	ssyncadd.s32 $0xFFFFC000  }
0x273: {  	[spmem:s3] =	stream.indirect.scatter.add.f32 [tilespmem:s19], [sflag:$0x3], $0x80, s2, s22, $0xb8;
	[tilespmem:$0x1F480] =	vst v63  }
0x274: {  	_ =	swait.ge [sflag:s29], $0x4000  }
0x275: {  	[sflag:s29] =	ssyncset.done $0x0  }
0x276: {  	[sflag:s29] =	ssyncadd.s32 $0xFFFFC000  }
0x277: {  	_ =	swait.ge [sflag:s30], $0x4000  }
0x278: {  	[sflag:s30] =	ssyncset.done $0x0  }
0x279: {  	s2 =	simm.s32 $0x300;
	[sflag:s30] =	ssyncadd.s32 $0xFFFFC000  }
0x27a: {  	[tilespmem:s19], [sflag:$0x1] =	stream.indirect.gather [hbm4b:s1+s22], $0x80, s2, s22, $0xb8;
	[tilespmem:$0x1F480] =	vst v63  }
0x27b: {  	s2 =	simm.s32 $0xC80  }
0x27c: {  	[spmem:s3] =	stream.indirect.scatter.add.f32 [tilespmem:s26], [sflag:$0x6], $0x80, s2, s22, $0xb8;
	[tilespmem:$0x1F480] =	vst v63  }
0x27d: {  	_ =	swait.ge [sflag:s0], $0x4000  }
0x27e: {  	[sflag:s0] =	ssyncset.done $0x0  }
0x27f: {  	s2 =	simm.s32 $0x380;
	[sflag:s0] =	ssyncadd.s32 $0xFFFFC000  }
0x280: {  	[tilespmem:s26], [sflag:$0x2] =	stream.indirect.gather [hbm4b:s1+s22], $0x80, s2, s22, $0xb8;
	[tilespmem:$0x1F480] =	vst v63  }
0x281: {  	_ =	swait.ge [sflag:s28], $0x4000  }
0x282: {  	[sflag:s28] =	ssyncset.done $0x0  }
0x283: {  	s2 =	simm.s32 $0xD00;
	[sflag:s28] =	ssyncadd.s32 $0xFFFFC000  }
0x284: {  	[spmem:s3] =	stream.indirect.scatter.add.f32 [tilespmem:s19], [sflag:$0x3], $0x80, s2, s22, $0xb8;
	[tilespmem:$0x1F480] =	vst v63  }
0x285: {  	_ =	swait.ge [sflag:s29], $0x4000  }
0x286: {  	[sflag:s29] =	ssyncset.done $0x0  }
0x287: {  	[sflag:s29] =	ssyncadd.s32 $0xFFFFC000  }
0x288: {  	_ =	swait.ge [sflag:s30], $0x4000  }
0x289: {  	[sflag:s30] =	ssyncset.done $0x0  }
0x28a: {  	s2 =	simm.s32 $0x400;
	[sflag:s30] =	ssyncadd.s32 $0xFFFFC000  }
0x28b: {  	[tilespmem:s19], [sflag:$0x1] =	stream.indirect.gather [hbm4b:s1+s22], $0x80, s2, s22, $0xb8;
	[tilespmem:$0x1F480] =	vst v63  }
0x28c: {  	s2 =	simm.s32 $0xD80  }
0x28d: {  	[spmem:s3] =	stream.indirect.scatter.add.f32 [tilespmem:s26], [sflag:$0x6], $0x80, s2, s22, $0xb8;
	[tilespmem:$0x1F480] =	vst v63  }
0x28e: {  	_ =	swait.ge [sflag:s0], $0x4000  }
0x28f: {  	[sflag:s0] =	ssyncset.done $0x0  }
0x290: {  	s2 =	simm.s32 $0x480;
	[sflag:s0] =	ssyncadd.s32 $0xFFFFC000  }
0x291: {  	[tilespmem:s26], [sflag:$0x2] =	stream.indirect.gather [hbm4b:s1+s22], $0x80, s2, s22, $0xb8;
	[tilespmem:$0x1F480] =	vst v63  }
0x292: {  	_ =	swait.ge [sflag:s28], $0x4000  }
0x293: {  	[sflag:s28] =	ssyncset.done $0x0  }
0x294: {  	s2 =	simm.s32 $0xE00;
	[sflag:s28] =	ssyncadd.s32 $0xFFFFC000  }
0x295: {  	[spmem:s3] =	stream.indirect.scatter.add.f32 [tilespmem:s19], [sflag:$0x3], $0x80, s2, s22, $0xb8;
	[tilespmem:$0x1F480] =	vst v63  }
0x296: {  	_ =	swait.ge [sflag:s29], $0x4000  }
0x297: {  	[sflag:s29] =	ssyncset.done $0x0  }
0x298: {  	[sflag:s29] =	ssyncadd.s32 $0xFFFFC000  }
0x299: {  	_ =	swait.ge [sflag:s30], $0x4000  }
0x29a: {  	[sflag:s30] =	ssyncset.done $0x0  }
0x29b: {  	s2 =	simm.s32 $0x500;
	[sflag:s30] =	ssyncadd.s32 $0xFFFFC000  }
0x29c: {  	[tilespmem:s19], [sflag:$0x1] =	stream.indirect.gather [hbm4b:s1+s22], $0x80, s2, s22, $0xb8;
	[tilespmem:$0x1F480] =	vst v63  }
0x29d: {  	s2 =	simm.s32 $0xE80  }
0x29e: {  	[spmem:s3] =	stream.indirect.scatter.add.f32 [tilespmem:s26], [sflag:$0x6], $0x80, s2, s22, $0xb8;
	[tilespmem:$0x1F480] =	vst v63  }
0x29f: {  	_ =	swait.ge [sflag:s0], $0x4000  }
0x2a0: {  	[sflag:s0] =	ssyncset.done $0x0  }
0x2a1: {  	s2 =	simm.s32 $0x580;
	[sflag:s0] =	ssyncadd.s32 $0xFFFFC000  }
0x2a2: {  	[tilespmem:s26], [sflag:$0x2] =	stream.indirect.gather [hbm4b:s1+s22], $0x80, s2, s22, $0xb8;
	[tilespmem:$0x1F480] =	vst v63  }
0x2a3: {  	_ =	swait.ge [sflag:s28], $0x4000  }
0x2a4: {  	[sflag:s28] =	ssyncset.done $0x0  }
0x2a5: {  	s2 =	simm.s32 $0xF00;
	[sflag:s28] =	ssyncadd.s32 $0xFFFFC000  }
0x2a6: {  	[spmem:s3] =	stream.indirect.scatter.add.f32 [tilespmem:s19], [sflag:$0x3], $0x80, s2, s22, $0xb8;
	[tilespmem:$0x1F480] =	vst v63  }
0x2a7: {  	_ =	swait.ge [sflag:s29], $0x4000  }
0x2a8: {  	[sflag:s29] =	ssyncset.done $0x0  }
0x2a9: {  	[sflag:s29] =	ssyncadd.s32 $0xFFFFC000  }
0x2aa: {  	_ =	swait.ge [sflag:s30], $0x4000  }
0x2ab: {  	[sflag:s30] =	ssyncset.done $0x0  }
0x2ac: {  	s2 =	simm.s32 $0x600;
	[sflag:s30] =	ssyncadd.s32 $0xFFFFC000  }
0x2ad: {  	[tilespmem:s19], [sflag:$0x1] =	stream.indirect.gather [hbm4b:s1+s22], $0x80, s2, s22, $0xb8;
	[tilespmem:$0x1F480] =	vst v63  }
0x2ae: {  	s2 =	simm.s32 $0xF80  }
0x2af: {  	[spmem:s3] =	stream.indirect.scatter.add.f32 [tilespmem:s26], [sflag:$0x6], $0x80, s2, s22, $0xb8;
	[tilespmem:$0x1F480] =	vst v63  }
0x2b0: {  	_ =	swait.ge [sflag:s0], $0x4000  }
0x2b1: {  	[sflag:s0] =	ssyncset.done $0x0  }
0x2b2: {  	s2 =	simm.s32 $0x680;
	[sflag:s0] =	ssyncadd.s32 $0xFFFFC000  }
0x2b3: {  	[tilespmem:s26], [sflag:$0x2] =	stream.indirect.gather [hbm4b:s1+s22], $0x80, s2, s22, $0xb8;
	[tilespmem:$0x1F480] =	vst v63  }
0x2b4: {  	_ =	swait.ge [sflag:s28], $0x4000  }
0x2b5: {  	[sflag:s28] =	ssyncset.done $0x0  }
0x2b6: {  	s2 =	simm.s32 $0x1000;
	[sflag:s28] =	ssyncadd.s32 $0xFFFFC000  }
0x2b7: {  	[spmem:s3] =	stream.indirect.scatter.add.f32 [tilespmem:s19], [sflag:$0x3], $0x80, s2, s22, $0xb8;
	[tilespmem:$0x1F480] =	vst v63  }
0x2b8: {  	_ =	swait.ge [sflag:s29], $0x4000  }
0x2b9: {  	[sflag:s29] =	ssyncset.done $0x0  }
0x2ba: {  	[sflag:s29] =	ssyncadd.s32 $0xFFFFC000  }
0x2bb: {  	_ =	swait.ge [sflag:s30], $0x4000  }
0x2bc: {  	[sflag:s30] =	ssyncset.done $0x0  }
0x2bd: {  	s2 =	simm.s32 $0x700;
	[sflag:s30] =	ssyncadd.s32 $0xFFFFC000  }
0x2be: {  	[tilespmem:s19], [sflag:$0x1] =	stream.indirect.gather [hbm4b:s1+s22], $0x80, s2, s22, $0xb8;
	[tilespmem:$0x1F480] =	vst v63  }
0x2bf: {  	s2 =	simm.s32 $0x1080  }
0x2c0: {  	[spmem:s3] =	stream.indirect.scatter.add.f32 [tilespmem:s26], [sflag:$0x6], $0x80, s2, s22, $0xb8;
	[tilespmem:$0x1F480] =	vst v63  }
0x2c1: {  	_ =	swait.ge [sflag:s0], $0x4000  }
0x2c2: {  	[sflag:s0] =	ssyncset.done $0x0  }
0x2c3: {  	s2 =	simm.s32 $0x780;
	[sflag:s0] =	ssyncadd.s32 $0xFFFFC000  }
0x2c4: {  	[tilespmem:s26], [sflag:$0x2] =	stream.indirect.gather [hbm4b:s1+s22], $0x80, s2, s22, $0xb8;
	[tilespmem:$0x1F480] =	vst v63  }
0x2c5: {  	_ =	swait.ge [sflag:s28], $0x4000  }
0x2c6: {  	[sflag:s28] =	ssyncset.done $0x0  }
0x2c7: {  	s2 =	simm.s32 $0x1100;
	[sflag:s28] =	ssyncadd.s32 $0xFFFFC000  }
0x2c8: {  	[spmem:s3] =	stream.indirect.scatter.add.f32 [tilespmem:s19], [sflag:$0x3], $0x80, s2, s22, $0xb8;
	[tilespmem:$0x1F480] =	vst v63  }
0x2c9: {  	_ =	swait.ge [sflag:s29], $0x4000  }
0x2ca: {  	[sflag:s29] =	ssyncset.done $0x0  }
0x2cb: {  	[sflag:s29] =	ssyncadd.s32 $0xFFFFC000  }
0x2cc: {  	_ =	swait.ge [sflag:s30], $0x4000  }
0x2cd: {  	[sflag:s30] =	ssyncset.done $0x0  }
0x2ce: {  	s2 =	simm.s32 $0x800;
	[sflag:s30] =	ssyncadd.s32 $0xFFFFC000  }
0x2cf: {  	[tilespmem:s19], [sflag:$0x1] =	stream.indirect.gather [hbm4b:s1+s22], $0x80, s2, s22, $0xb8;
	[tilespmem:$0x1F480] =	vst v63  }
0x2d0: {  	s2 =	simm.s32 $0x1180  }
0x2d1: {  	[spmem:s3] =	stream.indirect.scatter.add.f32 [tilespmem:s26], [sflag:$0x6], $0x80, s2, s22, $0xb8;
	[tilespmem:$0x1F480] =	vst v63  }
0x2d2: {  	_ =	swait.ge [sflag:s0], $0x4000  }
0x2d3: {  	[sflag:s0] =	ssyncset.done $0x0  }
0x2d4: {  	s2 =	simm.s32 $0x880;
	[sflag:s0] =	ssyncadd.s32 $0xFFFFC000  }
0x2d5: {  	[tilespmem:s26], [sflag:$0x2] =	stream.indirect.gather [hbm4b:s1+s22], $0x80, s2, s22, $0xb8;
	[tilespmem:$0x1F480] =	vst v63  }
0x2d6: {  	_ =	swait.ge [sflag:s28], $0x4000  }
0x2d7: {  	[sflag:s28] =	ssyncset.done $0x0  }
0x2d8: {  	s2 =	simm.s32 $0x1200;
	[sflag:s28] =	ssyncadd.s32 $0xFFFFC000  }
0x2d9: {  	[spmem:s3] =	stream.indirect.scatter.add.f32 [tilespmem:s19], [sflag:$0x3], $0x80, s2, s22, $0xb8;
	[tilespmem:$0x1F480] =	vst v63  }
0x2da: {  	_ =	swait.ge [sflag:s29], $0x4000  }
0x2db: {  	[sflag:s29] =	ssyncset.done $0x0  }
0x2dc: {  	[sflag:s29] =	ssyncadd.s32 $0xFFFFC000  }
0x2dd: {  	_ =	swait.ge [sflag:s30], $0x4000  }
0x2de: {  	[sflag:s30] =	ssyncset.done $0x0  }
0x2df: {  	s2 =	simm.s32 $0x900;
	[sflag:s30] =	ssyncadd.s32 $0xFFFFC000  }
0x2e0: {  	[tilespmem:s19], [sflag:$0x1] =	stream.indirect.gather [hbm4b:s1+s22], $0x80, s2, s22, $0xb8;
	[tilespmem:$0x1F480] =	vst v63  }
0x2e1: {  	s2 =	simm.s32 $0x1280  }
0x2e2: {  	[spmem:s3] =	stream.indirect.scatter.add.f32 [tilespmem:s26], [sflag:$0x6], $0x80, s2, s22, $0xb8;
	[tilespmem:$0x1F480] =	vst v63  }
0x2e3: {  	_ =	swait.ge [sflag:s0], $0x4000  }
0x2e4: {  	[sflag:s0] =	ssyncset.done $0x0  }
0x2e5: {  	s2 =	simm.s32 $0x980;
	[sflag:s0] =	ssyncadd.s32 $0xFFFFC000  }
0x2e6: {  	[tilespmem:s26], [sflag:$0x2] =	stream.indirect.gather [hbm4b:s1+s22], $0x80, s2, s22, $0xb8;
	[tilespmem:$0x1F480] =	vst v63  }
0x2e7: {  	_ =	swait.ge [sflag:s28], $0x4000  }
0x2e8: {  	[sflag:s28] =	ssyncset.done $0x0  }
0x2e9: {  	s2 =	simm.s32 $0x1300;
	[sflag:s28] =	ssyncadd.s32 $0xFFFFC000  }
0x2ea: {  	[spmem:s3] =	stream.indirect.scatter.add.f32 [tilespmem:s19], [sflag:$0x3], $0x80, s2, s22, $0xb8;
	[tilespmem:$0x1F480] =	vst v63  }
0x2eb: {  	_ =	swait.ge [sflag:s29], $0x4000  }
0x2ec: {  	[sflag:s29] =	ssyncset.done $0x0  }
0x2ed: {  	[sflag:s29] =	ssyncadd.s32 $0xFFFFC000  }
0x2ee: {  	_ =	swait.ge [sflag:s30], $0x4000  }
0x2ef: {  	[sflag:s30] =	ssyncset.done $0x0  }
0x2f0: {  	s2 =	simm.s32 $0x1380;
	[sflag:s30] =	ssyncadd.s32 $0xFFFFC000  }
0x2f1: {  	[spmem:s3] =	stream.indirect.scatter.add.f32 [tilespmem:s26], [sflag:$0x6], $0x80, s2, s22, $0xb8;
	[tilespmem:$0x1F480] =	vst v63  }
0x2f2: {  	_ =	swait.ge [sflag:s0], $0x4000  }
0x2f3: {  	[sflag:s0] =	ssyncset.done $0x0  }
0x2f4: {  	[sflag:s0] =	ssyncadd.s32 $0xFFFFC000  }
0x2f5: {  	_ =	swait.ge [sflag:s21], $0xA00  }
0x2f6: {  	[sflag:s21] =	ssyncset.done $0x0  }
0x2f7: {  	[sflag:s21] =	ssyncadd.s32 $0xFFFFF600  }
0x2f8: {  	_ =	swait.ge [sflag:s21], $0xA00  }
0x2f9: {  	[sflag:s21] =	ssyncset.done $0x0  }
0x2fa: {  	[sflag:s21] =	ssyncadd.s32 $0xFFFFF600  }
0x2fb: {  	_ =	swait.ge [sflag:s21], $0xA00  }
0x2fc: {  	[sflag:s21] =	ssyncset.done $0x0  }
0x2fd: {  	[sflag:s21] =	ssyncadd.s32 $0xFFFFF600  }
0x2fe: {  	[tilespmem:s19], [sflag:$0x1] =	stream.indirect.gather [hbm4b:s1+s22], $0x80, s24, s22, $0xb8;
	[tilespmem:$0x1F480] =	vst v63  }
0x2ff: {  	_ = 	snop  }
0x300: {  	[tilespmem:s26], [sflag:$0x2] =	stream.indirect.gather [hbm4b:s1+s22], $0x80, s5, s22, $0xb8;
	[tilespmem:$0x1F480] =	vst v63  }
0x301: {  	_ =	swait.ge [sflag:s28], $0x4000  }
0x302: {  	[sflag:s28] =	ssyncset.done $0x0  }
0x303: {  	[sflag:s28] =	ssyncadd.s32 $0xFFFFC000  }
0x304: {  	[spmem:s3] =	stream.indirect.scatter.add.f32 [tilespmem:s19], [sflag:$0x3], $0x80, s7, s22, $0xb8;
	[tilespmem:$0x1F480] =	vst v63  }
0x305: {  	_ =	swait.ge [sflag:s29], $0x4000  }
0x306: {  	[sflag:s29] =	ssyncset.done $0x0  }
0x307: {  	[sflag:s29] =	ssyncadd.s32 $0xFFFFC000  }
0x308: {  	_ =	swait.ge [sflag:s30], $0x4000  }
0x309: {  	[sflag:s30] =	ssyncset.done $0x0  }
0x30a: {  	[sflag:s30] =	ssyncadd.s32 $0xFFFFC000  }
0x30b: {  	[tilespmem:s19], [sflag:$0x1] =	stream.indirect.gather [hbm4b:s1+s22], $0x80, s8, s22, $0xb8;
	[tilespmem:$0x1F480] =	vst v63  }
0x30c: {  	_ = 	snop  }
0x30d: {  	[spmem:s3] =	stream.indirect.scatter.add.f32 [tilespmem:s26], [sflag:$0x6], $0x80, s9, s22, $0xb8;
	[tilespmem:$0x1F480] =	vst v63  }
0x30e: {  	_ =	swait.ge [sflag:s0], $0x4000  }
0x30f: {  	[sflag:s0] =	ssyncset.done $0x0  }
0x310: {  	[sflag:s0] =	ssyncadd.s32 $0xFFFFC000  }
0x311: {  	[tilespmem:s26], [sflag:$0x2] =	stream.indirect.gather [hbm4b:s1+s22], $0x80, s10, s22, $0xb8;
	[tilespmem:$0x1F480] =	vst v63  }
0x312: {  	_ =	swait.ge [sflag:s28], $0x4000  }
0x313: {  	[sflag:s28] =	ssyncset.done $0x0  }
0x314: {  	[sflag:s28] =	ssyncadd.s32 $0xFFFFC000  }
0x315: {  	[spmem:s3] =	stream.indirect.scatter.add.f32 [tilespmem:s19], [sflag:$0x3], $0x80, s11, s22, $0xb8;
	[tilespmem:$0x1F480] =	vst v63  }
0x316: {  	_ =	swait.ge [sflag:s29], $0x4000  }
0x317: {  	[sflag:s29] =	ssyncset.done $0x0  }
0x318: {  	[sflag:s29] =	ssyncadd.s32 $0xFFFFC000  }
0x319: {  	_ =	swait.ge [sflag:s30], $0x4000  }
0x31a: {  	[sflag:s30] =	ssyncset.done $0x0  }
0x31b: {  	[sflag:s30] =	ssyncadd.s32 $0xFFFFC000  }
0x31c: {  	[tilespmem:s19], [sflag:$0x1] =	stream.indirect.gather [hbm4b:s1+s22], $0x80, s12, s22, $0xb8;
	[tilespmem:$0x1F480] =	vst v63  }
0x31d: {  	_ = 	snop  }
0x31e: {  	[spmem:s3] =	stream.indirect.scatter.add.f32 [tilespmem:s26], [sflag:$0x6], $0x80, s13, s22, $0xb8;
	[tilespmem:$0x1F480] =	vst v63  }
0x31f: {  	_ =	swait.ge [sflag:s0], $0x4000  }
0x320: {  	[sflag:s0] =	ssyncset.done $0x0  }
0x321: {  	[sflag:s0] =	ssyncadd.s32 $0xFFFFC000  }
0x322: {  	[tilespmem:s26], [sflag:$0x2] =	stream.indirect.gather [hbm4b:s1+s22], $0x80, s14, s22, $0xb8;
	[tilespmem:$0x1F480] =	vst v63  }
0x323: {  	_ =	swait.ge [sflag:s28], $0x4000  }
0x324: {  	[sflag:s28] =	ssyncset.done $0x0  }
0x325: {  	[sflag:s28] =	ssyncadd.s32 $0xFFFFC000  }
0x326: {  	[spmem:s3] =	stream.indirect.scatter.add.f32 [tilespmem:s19], [sflag:$0x3], $0x80, s15, s22, $0xb8;
	[tilespmem:$0x1F480] =	vst v63  }
0x327: {  	_ =	swait.ge [sflag:s29], $0x4000  }
0x328: {  	[sflag:s29] =	ssyncset.done $0x0  }
0x329: {  	[sflag:s29] =	ssyncadd.s32 $0xFFFFC000  }
0x32a: {  	_ =	swait.ge [sflag:s30], $0x4000  }
0x32b: {  	[sflag:s30] =	ssyncset.done $0x0  }
0x32c: {  	[sflag:s30] =	ssyncadd.s32 $0xFFFFC000  }
0x32d: {  	[tilespmem:s19], [sflag:$0x1] =	stream.indirect.gather [hbm4b:s1+s22], $0x80, s17, s22, $0xb8;
	[tilespmem:$0x1F480] =	vst v63  }
0x32e: {  	_ = 	snop  }
0x32f: {  	[spmem:s3] =	stream.indirect.scatter.add.f32 [tilespmem:s26], [sflag:$0x6], $0x80, s18, s22, $0xb8;
	[tilespmem:$0x1F480] =	vst v63  }
0x330: {  	_ =	swait.ge [sflag:s0], $0x4000  }
0x331: {  	[sflag:s0] =	ssyncset.done $0x0  }
0x332: {  	[sflag:s0] =	ssyncadd.s32 $0xFFFFC000  }
0x333: {  	[tilespmem:s26], [sflag:$0x2] =	stream.indirect.gather [hbm4b:s1+s22], $0x80, s25, s22, $0xb8;
	[tilespmem:$0x1F480] =	vst v63  }
0x334: {  	_ =	swait.ge [sflag:s28], $0x4000  }
0x335: {  	[sflag:s28] =	ssyncset.done $0x0  }
0x336: {  	[sflag:s28] =	ssyncadd.s32 $0xFFFFC000  }
0x337: {  	[spmem:s3] =	stream.indirect.scatter.add.f32 [tilespmem:s19], [sflag:$0x3], $0x80, s31, s22, $0xb8;
	[tilespmem:$0x1F480] =	vst v63  }
0x338: {  	_ =	swait.ge [sflag:s29], $0x4000  }
0x339: {  	[sflag:s29] =	ssyncset.done $0x0  }
0x33a: {  	[sflag:s29] =	ssyncadd.s32 $0xFFFFC000  }
0x33b: {  	_ =	swait.ge [sflag:s30], $0x4000  }
0x33c: {  	[sflag:s30] =	ssyncset.done $0x0  }
0x33d: {  	s5 =	simm.s32 $0x2200;
	[sflag:s30] =	ssyncadd.s32 $0xFFFFC000  }
0x33e: {  	[tilespmem:s19], [sflag:$0x1] =	stream.indirect.gather [hbm4b:s1+s22], $0x80, s5, s22, $0xb8;
	[tilespmem:$0x1F480] =	vst v63  }
0x33f: {  	s8 =	simm.s32 $0x2B80  }
0x340: {  	[spmem:s3] =	stream.indirect.scatter.add.f32 [tilespmem:s26], [sflag:$0x6], $0x80, s8, s22, $0xb8;
	[tilespmem:$0x1F480] =	vst v63  }
0x341: {  	_ =	swait.ge [sflag:s0], $0x4000  }
0x342: {  	[sflag:s0] =	ssyncset.done $0x0  }
0x343: {  	s18 =	simm.s32 $0x2280;
	[sflag:s0] =	ssyncadd.s32 $0xFFFFC000  }
0x344: {  	[tilespmem:s26], [sflag:$0x2] =	stream.indirect.gather [hbm4b:s1+s22], $0x80, s18, s22, $0xb8;
	[tilespmem:$0x1F480] =	vst v63  }
0x345: {  	_ =	swait.ge [sflag:s28], $0x4000  }
0x346: {  	[sflag:s28] =	ssyncset.done $0x0  }
0x347: {  	s5 =	simm.s32 $0x2C00;
	[sflag:s28] =	ssyncadd.s32 $0xFFFFC000  }
0x348: {  	[spmem:s3] =	stream.indirect.scatter.add.f32 [tilespmem:s19], [sflag:$0x3], $0x80, s5, s22, $0xb8;
	[tilespmem:$0x1F480] =	vst v63  }
0x349: {  	_ =	swait.ge [sflag:s29], $0x4000  }
0x34a: {  	[sflag:s29] =	ssyncset.done $0x0  }
0x34b: {  	[sflag:s29] =	ssyncadd.s32 $0xFFFFC000  }
0x34c: {  	_ =	swait.ge [sflag:s30], $0x4000  }
0x34d: {  	[sflag:s30] =	ssyncset.done $0x0  }
0x34e: {  	s8 =	simm.s32 $0x2300;
	[sflag:s30] =	ssyncadd.s32 $0xFFFFC000  }
0x34f: {  	[tilespmem:s19], [sflag:$0x1] =	stream.indirect.gather [hbm4b:s1+s22], $0x80, s8, s22, $0xb8;
	[tilespmem:$0x1F480] =	vst v63  }
0x350: {  	s18 =	simm.s32 $0x2C80  }
0x351: {  	[spmem:s3] =	stream.indirect.scatter.add.f32 [tilespmem:s26], [sflag:$0x6], $0x80, s18, s22, $0xb8;
	[tilespmem:$0x1F480] =	vst v63  }
0x352: {  	_ =	swait.ge [sflag:s0], $0x4000  }
0x353: {  	[sflag:s0] =	ssyncset.done $0x0  }
0x354: {  	s5 =	simm.s32 $0x2380;
	[sflag:s0] =	ssyncadd.s32 $0xFFFFC000  }
0x355: {  	[tilespmem:s26], [sflag:$0x2] =	stream.indirect.gather [hbm4b:s1+s22], $0x80, s5, s22, $0xb8;
	[tilespmem:$0x1F480] =	vst v63  }
0x356: {  	_ =	swait.ge [sflag:s28], $0x4000  }
0x357: {  	[sflag:s28] =	ssyncset.done $0x0  }
0x358: {  	s8 =	simm.s32 $0x2D00;
	[sflag:s28] =	ssyncadd.s32 $0xFFFFC000  }
0x359: {  	[spmem:s3] =	stream.indirect.scatter.add.f32 [tilespmem:s19], [sflag:$0x3], $0x80, s8, s22, $0xb8;
	[tilespmem:$0x1F480] =	vst v63  }
0x35a: {  	_ =	swait.ge [sflag:s29], $0x4000  }
0x35b: {  	[sflag:s29] =	ssyncset.done $0x0  }
0x35c: {  	[sflag:s29] =	ssyncadd.s32 $0xFFFFC000  }
0x35d: {  	_ =	swait.ge [sflag:s30], $0x4000  }
0x35e: {  	[sflag:s30] =	ssyncset.done $0x0  }
0x35f: {  	s18 =	simm.s32 $0x2400;
	[sflag:s30] =	ssyncadd.s32 $0xFFFFC000  }
0x360: {  	[tilespmem:s19], [sflag:$0x1] =	stream.indirect.gather [hbm4b:s1+s22], $0x80, s18, s22, $0xb8;
	[tilespmem:$0x1F480] =	vst v63  }
0x361: {  	s5 =	simm.s32 $0x2D80  }
0x362: {  	[spmem:s3] =	stream.indirect.scatter.add.f32 [tilespmem:s26], [sflag:$0x6], $0x80, s5, s22, $0xb8;
	[tilespmem:$0x1F480] =	vst v63  }
0x363: {  	_ =	swait.ge [sflag:s0], $0x4000  }
0x364: {  	[sflag:s0] =	ssyncset.done $0x0  }
0x365: {  	s8 =	simm.s32 $0x2480;
	[sflag:s0] =	ssyncadd.s32 $0xFFFFC000  }
0x366: {  	[tilespmem:s26], [sflag:$0x2] =	stream.indirect.gather [hbm4b:s1+s22], $0x80, s8, s22, $0xb8;
	[tilespmem:$0x1F480] =	vst v63  }
0x367: {  	_ =	swait.ge [sflag:s28], $0x4000  }
0x368: {  	[sflag:s28] =	ssyncset.done $0x0  }
0x369: {  	s18 =	simm.s32 $0x2E00;
	[sflag:s28] =	ssyncadd.s32 $0xFFFFC000  }
0x36a: {  	[spmem:s3] =	stream.indirect.scatter.add.f32 [tilespmem:s19], [sflag:$0x3], $0x80, s18, s22, $0xb8;
	[tilespmem:$0x1F480] =	vst v63  }
0x36b: {  	_ =	swait.ge [sflag:s29], $0x4000  }
0x36c: {  	[sflag:s29] =	ssyncset.done $0x0  }
0x36d: {  	[sflag:s29] =	ssyncadd.s32 $0xFFFFC000  }
0x36e: {  	_ =	swait.ge [sflag:s30], $0x4000  }
0x36f: {  	[sflag:s30] =	ssyncset.done $0x0  }
0x370: {  	s5 =	simm.s32 $0x2500;
	[sflag:s30] =	ssyncadd.s32 $0xFFFFC000  }
0x371: {  	[tilespmem:s19], [sflag:$0x1] =	stream.indirect.gather [hbm4b:s1+s22], $0x80, s5, s22, $0xb8;
	[tilespmem:$0x1F480] =	vst v63  }
0x372: {  	s8 =	simm.s32 $0x2E80  }
0x373: {  	[spmem:s3] =	stream.indirect.scatter.add.f32 [tilespmem:s26], [sflag:$0x6], $0x80, s8, s22, $0xb8;
	[tilespmem:$0x1F480] =	vst v63  }
0x374: {  	_ =	swait.ge [sflag:s0], $0x4000  }
0x375: {  	[sflag:s0] =	ssyncset.done $0x0  }
0x376: {  	s18 =	simm.s32 $0x2580;
	[sflag:s0] =	ssyncadd.s32 $0xFFFFC000  }
0x377: {  	[tilespmem:s26], [sflag:$0x2] =	stream.indirect.gather [hbm4b:s1+s22], $0x80, s18, s22, $0xb8;
	[tilespmem:$0x1F480] =	vst v63  }
0x378: {  	_ =	swait.ge [sflag:s28], $0x4000  }
0x379: {  	[sflag:s28] =	ssyncset.done $0x0  }
0x37a: {  	s5 =	simm.s32 $0x2F00;
	[sflag:s28] =	ssyncadd.s32 $0xFFFFC000  }
0x37b: {  	[spmem:s3] =	stream.indirect.scatter.add.f32 [tilespmem:s19], [sflag:$0x3], $0x80, s5, s22, $0xb8;
	[tilespmem:$0x1F480] =	vst v63  }
0x37c: {  	_ =	swait.ge [sflag:s29], $0x4000  }
0x37d: {  	[sflag:s29] =	ssyncset.done $0x0  }
0x37e: {  	[sflag:s29] =	ssyncadd.s32 $0xFFFFC000  }
0x37f: {  	_ =	swait.ge [sflag:s30], $0x4000  }
0x380: {  	[sflag:s30] =	ssyncset.done $0x0  }
0x381: {  	s8 =	simm.s32 $0x2600;
	[sflag:s30] =	ssyncadd.s32 $0xFFFFC000  }
0x382: {  	[tilespmem:s19], [sflag:$0x1] =	stream.indirect.gather [hbm4b:s1+s22], $0x80, s8, s22, $0xb8;
	[tilespmem:$0x1F480] =	vst v63  }
0x383: {  	s18 =	simm.s32 $0x2F80  }
0x384: {  	[spmem:s3] =	stream.indirect.scatter.add.f32 [tilespmem:s26], [sflag:$0x6], $0x80, s18, s22, $0xb8;
	[tilespmem:$0x1F480] =	vst v63  }
0x385: {  	_ =	swait.ge [sflag:s0], $0x4000  }
0x386: {  	[sflag:s0] =	ssyncset.done $0x0  }
0x387: {  	s5 =	simm.s32 $0x2680;
	[sflag:s0] =	ssyncadd.s32 $0xFFFFC000  }
0x388: {  	[tilespmem:s26], [sflag:$0x2] =	stream.indirect.gather [hbm4b:s1+s22], $0x80, s5, s22, $0xb8;
	[tilespmem:$0x1F480] =	vst v63  }
0x389: {  	_ =	swait.ge [sflag:s28], $0x4000  }
0x38a: {  	[sflag:s28] =	ssyncset.done $0x0  }
0x38b: {  	s8 =	simm.s32 $0x3000;
	[sflag:s28] =	ssyncadd.s32 $0xFFFFC000  }
0x38c: {  	[spmem:s3] =	stream.indirect.scatter.add.f32 [tilespmem:s19], [sflag:$0x3], $0x80, s8, s22, $0xb8;
	[tilespmem:$0x1F480] =	vst v63  }
0x38d: {  	_ =	swait.ge [sflag:s29], $0x4000  }
0x38e: {  	[sflag:s29] =	ssyncset.done $0x0  }
0x38f: {  	[sflag:s29] =	ssyncadd.s32 $0xFFFFC000  }
0x390: {  	_ =	swait.ge [sflag:s30], $0x4000  }
0x391: {  	[sflag:s30] =	ssyncset.done $0x0  }
0x392: {  	s18 =	simm.s32 $0x2700;
	[sflag:s30] =	ssyncadd.s32 $0xFFFFC000  }
0x393: {  	[tilespmem:s19], [sflag:$0x1] =	stream.indirect.gather [hbm4b:s1+s22], $0x80, s18, s22, $0xb8;
	[tilespmem:$0x1F480] =	vst v63  }
0x394: {  	s5 =	simm.s32 $0x3080  }
0x395: {  	[spmem:s3] =	stream.indirect.scatter.add.f32 [tilespmem:s26], [sflag:$0x6], $0x80, s5, s22, $0xb8;
	[tilespmem:$0x1F480] =	vst v63  }
0x396: {  	_ =	swait.ge [sflag:s0], $0x4000  }
0x397: {  	[sflag:s0] =	ssyncset.done $0x0  }
0x398: {  	s8 =	simm.s32 $0x2780;
	[sflag:s0] =	ssyncadd.s32 $0xFFFFC000  }
0x399: {  	[tilespmem:s26], [sflag:$0x2] =	stream.indirect.gather [hbm4b:s1+s22], $0x80, s8, s22, $0xb8;
	[tilespmem:$0x1F480] =	vst v63  }
0x39a: {  	_ =	swait.ge [sflag:s28], $0x4000  }
0x39b: {  	[sflag:s28] =	ssyncset.done $0x0  }
0x39c: {  	s18 =	simm.s32 $0x3100;
	[sflag:s28] =	ssyncadd.s32 $0xFFFFC000  }
0x39d: {  	[spmem:s3] =	stream.indirect.scatter.add.f32 [tilespmem:s19], [sflag:$0x3], $0x80, s18, s22, $0xb8;
	[tilespmem:$0x1F480] =	vst v63  }
0x39e: {  	_ =	swait.ge [sflag:s29], $0x4000  }
0x39f: {  	[sflag:s29] =	ssyncset.done $0x0  }
0x3a0: {  	[sflag:s29] =	ssyncadd.s32 $0xFFFFC000  }
0x3a1: {  	_ =	swait.ge [sflag:s30], $0x4000  }
0x3a2: {  	[sflag:s30] =	ssyncset.done $0x0  }
0x3a3: {  	s5 =	simm.s32 $0x3180;
	[sflag:s30] =	ssyncadd.s32 $0xFFFFC000  }
0x3a4: {  	[spmem:s3] =	stream.indirect.scatter.add.f32 [tilespmem:s26], [sflag:$0x6], $0x80, s5, s22, $0xb8;
	[tilespmem:$0x1F480] =	vst v63  }
0x3a5: {  	_ =	swait.ge [sflag:s0], $0x4000  }
0x3a6: {  	[sflag:s0] =	ssyncset.done $0x0  }
0x3a7: {  	[sflag:s0] =	ssyncadd.s32 $0xFFFFC000  }
0x3a8: {  	[bflag:$0x0] =	sbarrier.arrive $0xFFFF  }
0x3a9: {  	s8 =	stileid.u32;
	s18 =	sld [smem:$0x7F2]  }
0x3aa: {  	s2 =	sshll.u32 s8, $0x6;
	s8 =	sld [smem:$0x7FC];
	_ =	sdelay $0x1  }
0x3ab: {  	s2 =	sor.u32 $0x1C06, s2;
	s5 =	sshrl.u32 s18, $0x3  }
0x3ac: {  	[hbm:s8], [sflag:s2] =	dma.local [spmem:s5], $0x2710  }
0x3ad: {  	_ =	swait.ge [sflag:s0], $0x2710  }
0x3ae: {  	s18 =	sld [smem:$0x7FD];
	_ =	sdelay $0x1  }
0x3af: {  	s16 =	sadd.s32 $0x1, s16  }
0x3b0: {  	p0 =	sne.s32 s16, s18  }
.Ltmp1:
0x3b1: {  	_ = 	snop;
	(pc) =	sbr.rel @p0 .LBB2_1-.Ltmp1, $3  }
0x3b2: {  	_ =	sdelay $0x1  }
0x3b3: {  	[sflag:s0] =	ssyncset.done $0x0  }
0x3b4: {  	s6 =	simm.s32 $0xA00;
	s5 =	simm.s32 $0x1400;
	[sflag:s0] =	ssyncadd.s32 $0xFFFFD8F0  }
0x3b5: {  	_ =	sfence.sel $0x180000  }
0x3b6: {  	[bflag:$0x0] =	sbarrier.arrive $0xFFFF  }
0x3b7: {  	_ =	strace $0x90000047  }
0x3b8: {  	s0 =	stileid.u32;
	[bflag:$0x2] =	sbarrier.arrive $0xFFFF  }
0x3b9: {  	p0 =	sne.s32 s0, $0x0;
	s0 =	rddreg [dreg:$0x4]  }
0x3ba: {  	s0 =	sadd.s32 @!p0 $0x100000, s0  }
0x3bb: {  	[sflag:s0] =	ssyncadd.tile.s32 @!p0 $0x1;
	_ =	shalt  }
.Lfunc_end2:
_tile_overlayer_lowered:
.L_overlay_start_2:
0x3bc: {  	(tag) =	ssettag $0x2  }
0x3bd: {  	s0 =	rddreg [dreg:$0x0];
	s2 =	stileid.u32  }
0x3be: {  	s1 =	rddreg [dreg:$0x1];
	p0 =	sne.s32 s2, $0x0  }
0x3bf: {  	s3 =	rddreg [dreg:$0x2];
	[bflag:$0x3] =	sbarrier.arrive $0xFFFF;
	s2 =	simm.s32 @!p0 $0x1C06  }
0x3c0: {  	[timem:s3], [sflag:s2] =	dma.local @!p0 [hbm:s0], s1  }
0x3c1: {  	s0 =	simm.s32 @!p0 $0x6  }
0x3c2: {  	_ =	swait.ge @!p0 [sflag:s0], s1  }
0x3c3: {  	s1 =	ssub.s32 @!p0 $0x0, s1;
	[sflag:s0] =	ssyncset.done @!p0 $0x0  }
0x3c4: {  	[sflag:s0] =	ssyncadd.s32 @!p0 s1  }
0x3c5: {  	[bflag:$0x3] =	sbarrier.arrive $0xFFFF  }
0x3c6: {  	_ =	shalt  }

</sc_bundles>
